<compile_context>
chip_gen: v7x
topology: tpu7x:2x2x1
jax: 0.10.2.dev20260603
libtpu: 0.0.44.dev20260713+nightly
codegen_flags: <defaults>
</compile_context>

<pallas_src>
import functools

import jax
import jax.numpy as jnp
from jax import lax
from jax.experimental import pallas as pl
from jax.experimental.pallas import tpu as pltpu
from jax.experimental.pallas import tpu_sc as plsc

_BATCH = 16384
_LATENT = 32


def _make_gather(batch, latent):
    info = plsc.get_sparse_core_info()
    nw = info.num_cores * info.num_subcores
    assert batch % (8 * nw) == 0
    b_per_w = batch // nw
    grp = 4
    mesh = plsc.VectorSubcoreMesh(core_axis_name="c", subcore_axis_name="s")

    @functools.partial(
        pl.kernel,
        mesh=mesh,
        out_type=jax.ShapeDtypeStruct((batch, 2 * latent), jnp.float32),
        scratch_types=[
            pltpu.VMEM((b_per_w,), jnp.int32),
            pltpu.VMEM((b_per_w,), jnp.int32),
            pltpu.VMEM((grp, latent, 128), jnp.float32),
            pltpu.VMEM((grp, latent, 128), jnp.float32),
            pltpu.VMEM((b_per_w, 2 * latent), jnp.float32),
            pltpu.SemaphoreType.DMA,
            pltpu.SemaphoreType.DMA,
            pltpu.SemaphoreType.DMA,
        ],
        compiler_params=pltpu.CompilerParams(needs_layout_passes=False),
    )
    def gather_kernel(uidx_hbm, iidx_hbm, utab_hbm, itab_hbm, out_hbm,
                      uidx_v, iidx_v, uwin_v, iwin_v, rows_v, isem, gsem,
                      osem):
        wid = lax.axis_index("s") * info.num_cores + lax.axis_index("c")
        base = wid * b_per_w
        ucopy = pltpu.async_copy(uidx_hbm.at[pl.ds(base, b_per_w)], uidx_v, isem)
        icopy = pltpu.async_copy(iidx_hbm.at[pl.ds(base, b_per_w)], iidx_v, isem)
        ucopy.wait()
        icopy.wait()
        f_lo = lax.iota(jnp.int32, 16)
        f_hi = f_lo + 16

        def body(g, _):
            gbase = g * 16
            uvec = uidx_v[pl.ds(gbase, 16)]
            ivec = iidx_v[pl.ds(gbase, 16)]
            ulane = jnp.bitwise_and(uvec, 127)
            ilane = jnp.bitwise_and(ivec, 127)
            for h in range(16 // grp):
                copies = []
                for j in range(grp):
                    e = h * grp + j
                    ub = pl.multiple_of((uvec[e] >> 7) << 7, 128)
                    ib = pl.multiple_of((ivec[e] >> 7) << 7, 128)
                    copies.append(pltpu.async_copy(
                        utab_hbm.at[:, pl.ds(ub, 128)], uwin_v.at[j], gsem))
                    copies.append(pltpu.async_copy(
                        itab_hbm.at[:, pl.ds(ib, 128)], iwin_v.at[j], gsem))
                for c in copies:
                    c.wait()
                for j in range(grp):
                    e = h * grp + j
                    ul = jnp.full((16,), ulane[e], jnp.int32)
                    il = jnp.full((16,), ilane[e], jnp.int32)
                    rows_v[gbase + e, pl.ds(0, 16)] = plsc.load_gather(
                        uwin_v.at[j], [f_lo, ul])
                    rows_v[gbase + e, pl.ds(16, 16)] = plsc.load_gather(
                        uwin_v.at[j], [f_hi, ul])
                    rows_v[gbase + e, pl.ds(32, 16)] = plsc.load_gather(
                        iwin_v.at[j], [f_lo, il])
                    rows_v[gbase + e, pl.ds(48, 16)] = plsc.load_gather(
                        iwin_v.at[j], [f_hi, il])
            return ()

        lax.fori_loop(0, b_per_w // 16, body, ())
        pltpu.async_copy(rows_v, out_hbm.at[pl.ds(base, b_per_w), :], osem).wait()

    return gather_kernel


def kernel(user_idx, item_idx, user_emb, item_emb):
    return _make_gather(_BATCH, _LATENT)(
        user_idx, item_idx, user_emb.T, item_emb.T)

# --- scband reference (transcript-rebuilt; emitter-appended) ---
"""Pipeline reference for scband-collaborative-filtering-65644280152837 (READ-ONLY COPY).

The authoritative reference and input builder live on the scoring server;
editing this copy changes nothing except your own understanding.
"""

import jax, jax.numpy as jnp
import numpy as np

USER_SIZE = 1000000
ITEM_SIZE = 1000000
LATENT = 32
BATCH = 16384

def setup_inputs(seed: int = 0) -> dict:
    key = jax.random.key(seed)
    k1, k2, k3, k4 = jax.random.split(key, 4)
    user_idx = jax.random.randint(k1, (BATCH,), 0, USER_SIZE, dtype=jnp.int64 if jax.config.jax_enable_x64 else jnp.int32).astype(jnp.int32)
    item_idx = jax.random.randint(k2, (BATCH,), 0, ITEM_SIZE, dtype=jnp.int64 if jax.config.jax_enable_x64 else jnp.int32).astype(jnp.int32)
    user_emb = (jax.random.normal(k3, (USER_SIZE, LATENT), dtype=jnp.float32) * 0.02)
    item_emb = (jax.random.normal(k4, (ITEM_SIZE, LATENT), dtype=jnp.float32) * 0.02)
    return {"user_idx": user_idx, "item_idx": item_idx, "user_emb": user_emb, "item_emb": item_emb}

def reference(user_idx, item_idx, user_emb, item_emb):
    # Faithful to CollaborativeFiltering.forward's concrete computation:
    # user_batch = self.user_hidden_emb(idx_tensor[:, 0])
    # item_batch = self.item_hidden_emb(idx_tensor[:, 1])
    # (process_batch is abstract / NotImplementedError in the base class,
    #  so the gathered embeddings are the concrete forward output; we
    #  concatenate them into a single array for a well-defined output.)
    user_batch = jnp.take(user_emb, user_idx, axis=0)
    item_batch = jnp.take(item_emb, item_idx, axis=0)
    return jnp.concatenate([user_batch, item_batch], axis=-1)

if __name__ == "__main__":
    import jax
    _d = setup_inputs()
    print(jax.jit(kernel)(*tuple(_d.values())))

</pallas_src>

<mosaic_0001>
#map = affine_map<(d0, d1) -> (0)>
#map1 = affine_map<(d0, d1) -> (0, 0)>
module attributes {stable_mosaic.version = 14 : i64} {
  func.func @gather_kernel(%arg0: i32, %arg1: i32, %arg2: memref<16384xi32, #tpu.memory_space<hbm>>, %arg3: memref<16384xi32, #tpu.memory_space<hbm>>, %arg4: memref<32x1000000xf32, #tpu.memory_space<hbm>>, %arg5: memref<32x1000000xf32, #tpu.memory_space<hbm>>, %arg6: memref<16384x64xf32, #tpu.memory_space<hbm>>, %arg7: memref<512xi32, #tpu.memory_space<vmem>>, %arg8: memref<512xi32, #tpu.memory_space<vmem>>, %arg9: memref<4x32x128xf32, #tpu.memory_space<vmem>>, %arg10: memref<4x32x128xf32, #tpu.memory_space<vmem>>, %arg11: memref<512x64xf32, #tpu.memory_space<vmem>>, %arg12: memref<!tpu.dma_semaphore, #tpu.memory_space<semaphore_mem>>, %arg13: memref<!tpu.dma_semaphore, #tpu.memory_space<semaphore_mem>>, %arg14: memref<!tpu.dma_semaphore, #tpu.memory_space<semaphore_mem>>) attributes {dimension_semantics = [#tpu.dimension_semantics<core_parallel>, #tpu.dimension_semantics<subcore_parallel>], iteration_bounds = array<i64: 2, 16>, scalar_prefetch = 0 : i64, scratch_operands = 8 : i64, tpu.core_type = #tpu.core_type<sc_vector_subcore>, window_params = [{transform_indices = #map}, {transform_indices = #map}, {transform_indices = #map1}, {transform_indices = #map1}, {transform_indices = #map1}]} {
    %mul3A = arith.constant 2 : i32
    %mul3A_0 = arith.muli %arg1, %mul3A : i32
    %add3A = arith.addi %mul3A_0, %arg0 : i32
    %mul3A_1 = arith.constant 512 : i32
    %mul3A_2 = arith.muli %add3A, %mul3A_1 : i32
    %dma_start3A = tpu.memref_slice %arg2[%mul3A_2] : memref<16384xi32, #tpu.memory_space<hbm>> -> memref<512xi32, #tpu.memory_space<hbm>>
    %dma_start3A_3 = tpu.memref_slice %arg2[%mul3A_2] : memref<16384xi32, #tpu.memory_space<hbm>> -> memref<512xi32, #tpu.memory_space<hbm>>
    tpu.enqueue_dma source(%dma_start3A_3 : memref<512xi32, #tpu.memory_space<hbm>>) target(%arg7 : memref<512xi32, #tpu.memory_space<vmem>>) target_semaphore(%arg12 : memref<!tpu.dma_semaphore, #tpu.memory_space<semaphore_mem>>)
    %dma_start3A_4 = tpu.memref_slice %arg3[%mul3A_2] : memref<16384xi32, #tpu.memory_space<hbm>> -> memref<512xi32, #tpu.memory_space<hbm>>
    %dma_start3A_5 = tpu.memref_slice %arg3[%mul3A_2] : memref<16384xi32, #tpu.memory_space<hbm>> -> memref<512xi32, #tpu.memory_space<hbm>>
    tpu.enqueue_dma source(%dma_start3A_5 : memref<512xi32, #tpu.memory_space<hbm>>) target(%arg8 : memref<512xi32, #tpu.memory_space<vmem>>) target_semaphore(%arg12 : memref<!tpu.dma_semaphore, #tpu.memory_space<semaphore_mem>>)
    %dma_wait3A = tpu.memref_slice %arg2[%mul3A_2] : memref<16384xi32, #tpu.memory_space<hbm>> -> memref<512xi32, #tpu.memory_space<hbm>>
    %dma_wait3A_6 = tpu.memref_slice %arg2[%mul3A_2] : memref<16384xi32, #tpu.memory_space<hbm>> -> memref<512xi32, #tpu.memory_space<hbm>>
    tpu.wait_dma2 semaphore(%arg12 : memref<!tpu.dma_semaphore, #tpu.memory_space<semaphore_mem>>) src(%dma_wait3A_6 : memref<512xi32, #tpu.memory_space<hbm>>) dst(%arg7 : memref<512xi32, #tpu.memory_space<vmem>>)
    %dma_wait3A_7 = tpu.memref_slice %arg3[%mul3A_2] : memref<16384xi32, #tpu.memory_space<hbm>> -> memref<512xi32, #tpu.memory_space<hbm>>
    %dma_wait3A_8 = tpu.memref_slice %arg3[%mul3A_2] : memref<16384xi32, #tpu.memory_space<hbm>> -> memref<512xi32, #tpu.memory_space<hbm>>
    tpu.wait_dma2 semaphore(%arg12 : memref<!tpu.dma_semaphore, #tpu.memory_space<semaphore_mem>>) src(%dma_wait3A_8 : memref<512xi32, #tpu.memory_space<hbm>>) dst(%arg8 : memref<512xi32, #tpu.memory_space<vmem>>)
    %iota3A = tpu.iota {dimensions = array<i32: 0>} : vector<16xi32>
    %add3A_9 = arith.constant 16 : i32
    %add3A_10 = vector.broadcast %add3A_9 : i32 to vector<16xi32>
    %add3A_11 = arith.addi %iota3A, %add3A_10 : vector<16xi32>
    %scan3A = arith.constant 0 : i32
    %scan3A_12 = arith.constant 32 : i32
    %scan3A_13 = arith.addi %scan3A, %scan3A_12 : i32
    %scan3A_14 = arith.constant 1 : i32
    scf.for %scan3A_24 = %scan3A to %scan3A_13 step %scan3A_14  : i32 {
      %mul3A_25 = arith.constant 16 : i32
      %mul3A_26 = arith.muli %scan3A_24, %mul3A_25 : i32
      %get3A = arith.index_cast %mul3A_26 : i32 to index
      %get3A_27 = tpu.vector_load %arg7[%get3A] {strides = array<i32>} : memref<512xi32, #tpu.memory_space<vmem>>, vector<16xi32>,
      %get3A_28 = arith.index_cast %mul3A_26 : i32 to index
      %get3A_29 = tpu.vector_load %arg8[%get3A_28] {strides = array<i32>} : memref<512xi32, #tpu.memory_space<vmem>>, vector<16xi32>,
      %and3A = arith.constant 127 : i32
      %and3A_30 = vector.broadcast %and3A : i32 to vector<16xi32>
      %and3A_31 = arith.andi %get3A_27, %and3A_30 : vector<16xi32>
      %and3A_32 = arith.constant 127 : i32
      %and3A_33 = vector.broadcast %and3A_32 : i32 to vector<16xi32>
      %and3A_34 = arith.andi %get3A_29, %and3A_33 : vector<16xi32>
      %slice3A = vector.extract_strided_slice %get3A_27 {offsets = [0], sizes = [1], strides = [1]} : vector<16xi32> to vector<1xi32>
      %squeeze3A = vector.extract %slice3A[0] : i32 from vector<1xi32>
      %shift_right_arithmetic3A = arith.constant 7 : i32
      %shift_right_arithmetic3A_35 = arith.shrsi %squeeze3A, %shift_right_arithmetic3A : i32
      %shift_left3A = arith.constant 7 : i32
      %shift_left3A_36 = arith.shli %shift_right_arithmetic3A_35, %shift_left3A : i32
      %multiple_of3A = tpu.assume_multiple %shift_left3A_36, 128 : i32
      %slice3A_37 = vector.extract_strided_slice %get3A_29 {offsets = [0], sizes = [1], strides = [1]} : vector<16xi32> to vector<1xi32>
      %squeeze3A_38 = vector.extract %slice3A_37[0] : i32 from vector<1xi32>
      %shift_right_arithmetic3A_39 = arith.constant 7 : i32
      %shift_right_arithmetic3A_40 = arith.shrsi %squeeze3A_38, %shift_right_arithmetic3A_39 : i32
      %shift_left3A_41 = arith.constant 7 : i32
      %shift_left3A_42 = arith.shli %shift_right_arithmetic3A_40, %shift_left3A_41 : i32
      %multiple_of3A_43 = tpu.assume_multiple %shift_left3A_42, 128 : i32
      %dma_start3A_44 = arith.constant 0 : i32
      %dma_start3A_45 = arith.constant 0 : i32
      %dma_start3A_46 = arith.constant 0 : i32
      %dma_start3A_47 = tpu.memref_slice %arg9[%dma_start3A_44, %dma_start3A_45, %dma_start3A_46] : memref<4x32x128xf32, #tpu.memory_space<vmem>> -> memref<1x32x128xf32, #tpu.memory_space<vmem>>
      %dma_start3A_48 = tpu.memref_squeeze %dma_start3A_47 : memref<1x32x128xf32, #tpu.memory_space<vmem>> -> memref<32x128xf32, #tpu.memory_space<vmem>>
      %dma_start3A_49 = arith.constant 0 : i32
      %dma_start3A_50 = tpu.memref_slice %arg4[%dma_start3A_49, %multiple_of3A] : memref<32x1000000xf32, #tpu.memory_space<hbm>> -> memref<32x128xf32, #tpu.memory_space<hbm>>
      %dma_start3A_51 = arith.constant 0 : i32
      %dma_start3A_52 = arith.constant 0 : i32
      %dma_start3A_53 = tpu.memref_slice %arg9[%dma_start3A_44, %dma_start3A_51, %dma_start3A_52] : memref<4x32x128xf32, #tpu.memory_space<vmem>> -> memref<1x32x128xf32, #tpu.memory_space<vmem>>
      %dma_start3A_54 = tpu.memref_squeeze %dma_start3A_53 : memref<1x32x128xf32, #tpu.memory_space<vmem>> -> memref<32x128xf32, #tpu.memory_space<vmem>>
      %dma_start3A_55 = arith.constant 0 : i32
      %dma_start3A_56 = tpu.memref_slice %arg4[%dma_start3A_55, %multiple_of3A] : memref<32x1000000xf32, #tpu.memory_space<hbm>> -> memref<32x128xf32, #tpu.memory_space<hbm>>
      tpu.enqueue_dma source(%dma_start3A_56 : memref<32x128xf32, #tpu.memory_space<hbm>>) target(%dma_start3A_54 : memref<32x128xf32, #tpu.memory_space<vmem>>) target_semaphore(%arg13 : memref<!tpu.dma_semaphore, #tpu.memory_space<semaphore_mem>>)
      %dma_start3A_57 = arith.constant 0 : i32
      %dma_start3A_58 = arith.constant 0 : i32
      %dma_start3A_59 = arith.constant 0 : i32
      %dma_start3A_60 = tpu.memref_slice %arg10[%dma_start3A_57, %dma_start3A_58, %dma_start3A_59] : memref<4x32x128xf32, #tpu.memory_space<vmem>> -> memref<1x32x128xf32, #tpu.memory_space<vmem>>
      %dma_start3A_61 = tpu.memref_squeeze %dma_start3A_60 : memref<1x32x128xf32, #tpu.memory_space<vmem>> -> memref<32x128xf32, #tpu.memory_space<vmem>>
      %dma_start3A_62 = arith.constant 0 : i32
      %dma_start3A_63 = tpu.memref_slice %arg5[%dma_start3A_62, %multiple_of3A_43] : memref<32x1000000xf32, #tpu.memory_space<hbm>> -> memref<32x128xf32, #tpu.memory_space<hbm>>
      %dma_start3A_64 = arith.constant 0 : i32
      %dma_start3A_65 = arith.constant 0 : i32
      %dma_start3A_66 = tpu.memref_slice %arg10[%dma_start3A_57, %dma_start3A_64, %dma_start3A_65] : memref<4x32x128xf32, #tpu.memory_space<vmem>> -> memref<1x32x128xf32, #tpu.memory_space<vmem>>
      %dma_start3A_67 = tpu.memref_squeeze %dma_start3A_66 : memref<1x32x128xf32, #tpu.memory_space<vmem>> -> memref<32x128xf32, #tpu.memory_space<vmem>>
      %dma_start3A_68 = arith.constant 0 : i32
      %dma_start3A_69 = tpu.memref_slice %arg5[%dma_start3A_68, %multiple_of3A_43] : memref<32x1000000xf32, #tpu.memory_space<hbm>> -> memref<32x128xf32, #tpu.memory_space<hbm>>
      tpu.enqueue_dma source(%dma_start3A_69 : memref<32x128xf32, #tpu.memory_space<hbm>>) target(%dma_start3A_67 : memref<32x128xf32, #tpu.memory_space<vmem>>) target_semaphore(%arg13 : memref<!tpu.dma_semaphore, #tpu.memory_space<semaphore_mem>>)
      %slice3A_70 = vector.extract_strided_slice %get3A_27 {offsets = [1], sizes = [1], strides = [1]} : vector<16xi32> to vector<1xi32>
      %squeeze3A_71 = vector.extract %slice3A_70[0] : i32 from vector<1xi32>
      %shift_right_arithmetic3A_72 = arith.constant 7 : i32
      %shift_right_arithmetic3A_73 = arith.shrsi %squeeze3A_71, %shift_right_arithmetic3A_72 : i32
      %shift_left3A_74 = arith.constant 7 : i32
      %shift_left3A_75 = arith.shli %shift_right_arithmetic3A_73, %shift_left3A_74 : i32
      %multiple_of3A_76 = tpu.assume_multiple %shift_left3A_75, 128 : i32
      %slice3A_77 = vector.extract_strided_slice %get3A_29 {offsets = [1], sizes = [1], strides = [1]} : vector<16xi32> to vector<1xi32>
      %squeeze3A_78 = vector.extract %slice3A_77[0] : i32 from vector<1xi32>
      %shift_right_arithmetic3A_79 = arith.constant 7 : i32
      %shift_right_arithmetic3A_80 = arith.shrsi %squeeze3A_78, %shift_right_arithmetic3A_79 : i32
      %shift_left3A_81 = arith.constant 7 : i32
      %shift_left3A_82 = arith.shli %shift_right_arithmetic3A_80, %shift_left3A_81 : i32
      %multiple_of3A_83 = tpu.assume_multiple %shift_left3A_82, 128 : i32
      %dma_start3A_84 = arith.constant 1 : i32
      %dma_start3A_85 = arith.constant 0 : i32
      %dma_start3A_86 = arith.constant 0 : i32
      %dma_start3A_87 = tpu.memref_slice %arg9[%dma_start3A_84, %dma_start3A_85, %dma_start3A_86] : memref<4x32x128xf32, #tpu.memory_space<vmem>> -> memref<1x32x128xf32, #tpu.memory_space<vmem>>
      %dma_start3A_88 = tpu.memref_squeeze %dma_start3A_87 : memref<1x32x128xf32, #tpu.memory_space<vmem>> -> memref<32x128xf32, #tpu.memory_space<vmem>>
      %dma_start3A_89 = arith.constant 0 : i32
      %dma_start3A_90 = tpu.memref_slice %arg4[%dma_start3A_89, %multiple_of3A_76] : memref<32x1000000xf32, #tpu.memory_space<hbm>> -> memref<32x128xf32, #tpu.memory_space<hbm>>
      %dma_start3A_91 = arith.constant 0 : i32
      %dma_start3A_92 = arith.constant 0 : i32
      %dma_start3A_93 = tpu.memref_slice %arg9[%dma_start3A_84, %dma_start3A_91, %dma_start3A_92] : memref<4x32x128xf32, #tpu.memory_space<vmem>> -> memref<1x32x128xf32, #tpu.memory_space<vmem>>
      %dma_start3A_94 = tpu.memref_squeeze %dma_start3A_93 : memref<1x32x128xf32, #tpu.memory_space<vmem>> -> memref<32x128xf32, #tpu.memory_space<vmem>>
      %dma_start3A_95 = arith.constant 0 : i32
      %dma_start3A_96 = tpu.memref_slice %arg4[%dma_start3A_95, %multiple_of3A_76] : memref<32x1000000xf32, #tpu.memory_space<hbm>> -> memref<32x128xf32, #tpu.memory_space<hbm>>
      tpu.enqueue_dma source(%dma_start3A_96 : memref<32x128xf32, #tpu.memory_space<hbm>>) target(%dma_start3A_94 : memref<32x128xf32, #tpu.memory_space<vmem>>) target_semaphore(%arg13 : memref<!tpu.dma_semaphore, #tpu.memory_space<semaphore_mem>>)
      %dma_start3A_97 = arith.constant 1 : i32
      %dma_start3A_98 = arith.constant 0 : i32
      %dma_start3A_99 = arith.constant 0 : i32
      %dma_start3A_100 = tpu.memref_slice %arg10[%dma_start3A_97, %dma_start3A_98, %dma_start3A_99] : memref<4x32x128xf32, #tpu.memory_space<vmem>> -> memref<1x32x128xf32, #tpu.memory_space<vmem>>
      %dma_start3A_101 = tpu.memref_squeeze %dma_start3A_100 : memref<1x32x128xf32, #tpu.memory_space<vmem>> -> memref<32x128xf32, #tpu.memory_space<vmem>>
      %dma_start3A_102 = arith.constant 0 : i32
      %dma_start3A_103 = tpu.memref_slice %arg5[%dma_start3A_102, %multiple_of3A_83] : memref<32x1000000xf32, #tpu.memory_space<hbm>> -> memref<32x128xf32, #tpu.memory_space<hbm>>
      %dma_start3A_104 = arith.constant 0 : i32
      %dma_start3A_105 = arith.constant 0 : i32
      %dma_start3A_106 = tpu.memref_slice %arg10[%dma_start3A_97, %dma_start3A_104, %dma_start3A_105] : memref<4x32x128xf32, #tpu.memory_space<vmem>> -> memref<1x32x128xf32, #tpu.memory_space<vmem>>
      %dma_start3A_107 = tpu.memref_squeeze %dma_start3A_106 : memref<1x32x128xf32, #tpu.memory_space<vmem>> -> memref<32x128xf32, #tpu.memory_space<vmem>>
      %dma_start3A_108 = arith.constant 0 : i32
      %dma_start3A_109 = tpu.memref_slice %arg5[%dma_start3A_108, %multiple_of3A_83] : memref<32x1000000xf32, #tpu.memory_space<hbm>> -> memref<32x128xf32, #tpu.memory_space<hbm>>
      tpu.enqueue_dma source(%dma_start3A_109 : memref<32x128xf32, #tpu.memory_space<hbm>>) target(%dma_start3A_107 : memref<32x128xf32, #tpu.memory_space<vmem>>) target_semaphore(%arg13 : memref<!tpu.dma_semaphore, #tpu.memory_space<semaphore_mem>>)
      %slice3A_110 = vector.extract_strided_slice %get3A_27 {offsets = [2], sizes = [1], strides = [1]} : vector<16xi32> to vector<1xi32>
      %squeeze3A_111 = vector.extract %slice3A_110[0] : i32 from vector<1xi32>
      %shift_right_arithmetic3A_112 = arith.constant 7 : i32
      %shift_right_arithmetic3A_113 = arith.shrsi %squeeze3A_111, %shift_right_arithmetic3A_112 : i32
      %shift_left3A_114 = arith.constant 7 : i32
      %shift_left3A_115 = arith.shli %shift_right_arithmetic3A_113, %shift_left3A_114 : i32
      %multiple_of3A_116 = tpu.assume_multiple %shift_left3A_115, 128 : i32
      %slice3A_117 = vector.extract_strided_slice %get3A_29 {offsets = [2], sizes = [1], strides = [1]} : vector<16xi32> to vector<1xi32>
      %squeeze3A_118 = vector.extract %slice3A_117[0] : i32 from vector<1xi32>
      %shift_right_arithmetic3A_119 = arith.constant 7 : i32
      %shift_right_arithmetic3A_120 = arith.shrsi %squeeze3A_118, %shift_right_arithmetic3A_119 : i32
      %shift_left3A_121 = arith.constant 7 : i32
      %shift_left3A_122 = arith.shli %shift_right_arithmetic3A_120, %shift_left3A_121 : i32
      %multiple_of3A_123 = tpu.assume_multiple %shift_left3A_122, 128 : i32
      %dma_start3A_124 = arith.constant 2 : i32
      %dma_start3A_125 = arith.constant 0 : i32
      %dma_start3A_126 = arith.constant 0 : i32
      %dma_start3A_127 = tpu.memref_slice %arg9[%dma_start3A_124, %dma_start3A_125, %dma_start3A_126] : memref<4x32x128xf32, #tpu.memory_space<vmem>> -> memref<1x32x128xf32, #tpu.memory_space<vmem>>
      %dma_start3A_128 = tpu.memref_squeeze %dma_start3A_127 : memref<1x32x128xf32, #tpu.memory_space<vmem>> -> memref<32x128xf32, #tpu.memory_space<vmem>>
      %dma_start3A_129 = arith.constant 0 : i32
      %dma_start3A_130 = tpu.memref_slice %arg4[%dma_start3A_129, %multiple_of3A_116] : memref<32x1000000xf32, #tpu.memory_space<hbm>> -> memref<32x128xf32, #tpu.memory_space<hbm>>
      %dma_start3A_131 = arith.constant 0 : i32
      %dma_start3A_132 = arith.constant 0 : i32
      %dma_start3A_133 = tpu.memref_slice %arg9[%dma_start3A_124, %dma_start3A_131, %dma_start3A_132] : memref<4x32x128xf32, #tpu.memory_space<vmem>> -> memref<1x32x128xf32, #tpu.memory_space<vmem>>
      %dma_start3A_134 = tpu.memref_squeeze %dma_start3A_133 : memref<1x32x128xf32, #tpu.memory_space<vmem>> -> memref<32x128xf32, #tpu.memory_space<vmem>>
      %dma_start3A_135 = arith.constant 0 : i32
      %dma_start3A_136 = tpu.memref_slice %arg4[%dma_start3A_135, %multiple_of3A_116] : memref<32x1000000xf32, #tpu.memory_space<hbm>> -> memref<32x128xf32, #tpu.memory_space<hbm>>
      tpu.enqueue_dma source(%dma_start3A_136 : memref<32x128xf32, #tpu.memory_space<hbm>>) target(%dma_start3A_134 : memref<32x128xf32, #tpu.memory_space<vmem>>) target_semaphore(%arg13 : memref<!tpu.dma_semaphore, #tpu.memory_space<semaphore_mem>>)
      %dma_start3A_137 = arith.constant 2 : i32
      %dma_start3A_138 = arith.constant 0 : i32
      %dma_start3A_139 = arith.constant 0 : i32
      %dma_start3A_140 = tpu.memref_slice %arg10[%dma_start3A_137, %dma_start3A_138, %dma_start3A_139] : memref<4x32x128xf32, #tpu.memory_space<vmem>> -> memref<1x32x128xf32, #tpu.memory_space<vmem>>
      %dma_start3A_141 = tpu.memref_squeeze %dma_start3A_140 : memref<1x32x128xf32, #tpu.memory_space<vmem>> -> memref<32x128xf32, #tpu.memory_space<vmem>>
      %dma_start3A_142 = arith.constant 0 : i32
      %dma_start3A_143 = tpu.memref_slice %arg5[%dma_start3A_142, %multiple_of3A_123] : memref<32x1000000xf32, #tpu.memory_space<hbm>> -> memref<32x128xf32, #tpu.memory_space<hbm>>
      %dma_start3A_144 = arith.constant 0 : i32
      %dma_start3A_145 = arith.constant 0 : i32
      %dma_start3A_146 = tpu.memref_slice %arg10[%dma_start3A_137, %dma_start3A_144, %dma_start3A_145] : memref<4x32x128xf32, #tpu.memory_space<vmem>> -> memref<1x32x128xf32, #tpu.memory_space<vmem>>
      %dma_start3A_147 = tpu.memref_squeeze %dma_start3A_146 : memref<1x32x128xf32, #tpu.memory_space<vmem>> -> memref<32x128xf32, #tpu.memory_space<vmem>>
      %dma_start3A_148 = arith.constant 0 : i32
      %dma_start3A_149 = tpu.memref_slice %arg5[%dma_start3A_148, %multiple_of3A_123] : memref<32x1000000xf32, #tpu.memory_space<hbm>> -> memref<32x128xf32, #tpu.memory_space<hbm>>
      tpu.enqueue_dma source(%dma_start3A_149 : memref<32x128xf32, #tpu.memory_space<hbm>>) target(%dma_start3A_147 : memref<32x128xf32, #tpu.memory_space<vmem>>) target_semaphore(%arg13 : memref<!tpu.dma_semaphore, #tpu.memory_space<semaphore_mem>>)
      %slice3A_150 = vector.extract_strided_slice %get3A_27 {offsets = [3], sizes = [1], strides = [1]} : vector<16xi32> to vector<1xi32>
      %squeeze3A_151 = vector.extract %slice3A_150[0] : i32 from vector<1xi32>
      %shift_right_arithmetic3A_152 = arith.constant 7 : i32
      %shift_right_arithmetic3A_153 = arith.shrsi %squeeze3A_151, %shift_right_arithmetic3A_152 : i32
      %shift_left3A_154 = arith.constant 7 : i32
      %shift_left3A_155 = arith.shli %shift_right_arithmetic3A_153, %shift_left3A_154 : i32
      %multiple_of3A_156 = tpu.assume_multiple %shift_left3A_155, 128 : i32
      %slice3A_157 = vector.extract_strided_slice %get3A_29 {offsets = [3], sizes = [1], strides = [1]} : vector<16xi32> to vector<1xi32>
      %squeeze3A_158 = vector.extract %slice3A_157[0] : i32 from vector<1xi32>
      %shift_right_arithmetic3A_159 = arith.constant 7 : i32
      %shift_right_arithmetic3A_160 = arith.shrsi %squeeze3A_158, %shift_right_arithmetic3A_159 : i32
      %shift_left3A_161 = arith.constant 7 : i32
      %shift_left3A_162 = arith.shli %shift_right_arithmetic3A_160, %shift_left3A_161 : i32
      %multiple_of3A_163 = tpu.assume_multiple %shift_left3A_162, 128 : i32
      %dma_start3A_164 = arith.constant 3 : i32
      %dma_start3A_165 = arith.constant 0 : i32
      %dma_start3A_166 = arith.constant 0 : i32
      %dma_start3A_167 = tpu.memref_slice %arg9[%dma_start3A_164, %dma_start3A_165, %dma_start3A_166] : memref<4x32x128xf32, #tpu.memory_space<vmem>> -> memref<1x32x128xf32, #tpu.memory_space<vmem>>
      %dma_start3A_168 = tpu.memref_squeeze %dma_start3A_167 : memref<1x32x128xf32, #tpu.memory_space<vmem>> -> memref<32x128xf32, #tpu.memory_space<vmem>>
      %dma_start3A_169 = arith.constant 0 : i32
      %dma_start3A_170 = tpu.memref_slice %arg4[%dma_start3A_169, %multiple_of3A_156] : memref<32x1000000xf32, #tpu.memory_space<hbm>> -> memref<32x128xf32, #tpu.memory_space<hbm>>
      %dma_start3A_171 = arith.constant 0 : i32
      %dma_start3A_172 = arith.constant 0 : i32
      %dma_start3A_173 = tpu.memref_slice %arg9[%dma_start3A_164, %dma_start3A_171, %dma_start3A_172] : memref<4x32x128xf32, #tpu.memory_space<vmem>> -> memref<1x32x128xf32, #tpu.memory_space<vmem>>
      %dma_start3A_174 = tpu.memref_squeeze %dma_start3A_173 : memref<1x32x128xf32, #tpu.memory_space<vmem>> -> memref<32x128xf32, #tpu.memory_space<vmem>>
      %dma_start3A_175 = arith.constant 0 : i32
      %dma_start3A_176 = tpu.memref_slice %arg4[%dma_start3A_175, %multiple_of3A_156] : memref<32x1000000xf32, #tpu.memory_space<hbm>> -> memref<32x128xf32, #tpu.memory_space<hbm>>
      tpu.enqueue_dma source(%dma_start3A_176 : memref<32x128xf32, #tpu.memory_space<hbm>>) target(%dma_start3A_174 : memref<32x128xf32, #tpu.memory_space<vmem>>) target_semaphore(%arg13 : memref<!tpu.dma_semaphore, #tpu.memory_space<semaphore_mem>>)
      %dma_start3A_177 = arith.constant 3 : i32
      %dma_start3A_178 = arith.constant 0 : i32
      %dma_start3A_179 = arith.constant 0 : i32
      %dma_start3A_180 = tpu.memref_slice %arg10[%dma_start3A_177, %dma_start3A_178, %dma_start3A_179] : memref<4x32x128xf32, #tpu.memory_space<vmem>> -> memref<1x32x128xf32, #tpu.memory_space<vmem>>
      %dma_start3A_181 = tpu.memref_squeeze %dma_start3A_180 : memref<1x32x128xf32, #tpu.memory_space<vmem>> -> memref<32x128xf32, #tpu.memory_space<vmem>>
      %dma_start3A_182 = arith.constant 0 : i32
      %dma_start3A_183 = tpu.memref_slice %arg5[%dma_start3A_182, %multiple_of3A_163] : memref<32x1000000xf32, #tpu.memory_space<hbm>> -> memref<32x128xf32, #tpu.memory_space<hbm>>
      %dma_start3A_184 = arith.constant 0 : i32
      %dma_start3A_185 = arith.constant 0 : i32
      %dma_start3A_186 = tpu.memref_slice %arg10[%dma_start3A_177, %dma_start3A_184, %dma_start3A_185] : memref<4x32x128xf32, #tpu.memory_space<vmem>> -> memref<1x32x128xf32, #tpu.memory_space<vmem>>
      %dma_start3A_187 = tpu.memref_squeeze %dma_start3A_186 : memref<1x32x128xf32, #tpu.memory_space<vmem>> -> memref<32x128xf32, #tpu.memory_space<vmem>>
      %dma_start3A_188 = arith.constant 0 : i32
      %dma_start3A_189 = tpu.memref_slice %arg5[%dma_start3A_188, %multiple_of3A_163] : memref<32x1000000xf32, #tpu.memory_space<hbm>> -> memref<32x128xf32, #tpu.memory_space<hbm>>
      tpu.enqueue_dma source(%dma_start3A_189 : memref<32x128xf32, #tpu.memory_space<hbm>>) target(%dma_start3A_187 : memref<32x128xf32, #tpu.memory_space<vmem>>) target_semaphore(%arg13 : memref<!tpu.dma_semaphore, #tpu.memory_space<semaphore_mem>>)
      %dma_wait3A_190 = arith.constant 0 : i32
      %dma_wait3A_191 = arith.constant 0 : i32
      %dma_wait3A_192 = arith.constant 0 : i32
      %dma_wait3A_193 = tpu.memref_slice %arg9[%dma_wait3A_190, %dma_wait3A_191, %dma_wait3A_192] : memref<4x32x128xf32, #tpu.memory_space<vmem>> -> memref<1x32x128xf32, #tpu.memory_space<vmem>>
      %dma_wait3A_194 = tpu.memref_squeeze %dma_wait3A_193 : memref<1x32x128xf32, #tpu.memory_space<vmem>> -> memref<32x128xf32, #tpu.memory_space<vmem>>
      %dma_wait3A_195 = arith.constant 0 : i32
      %dma_wait3A_196 = tpu.memref_slice %arg4[%dma_wait3A_195, %multiple_of3A] : memref<32x1000000xf32, #tpu.memory_space<hbm>> -> memref<32x128xf32, #tpu.memory_space<hbm>>
      %dma_wait3A_197 = arith.constant 0 : i32
      %dma_wait3A_198 = arith.constant 0 : i32
      %dma_wait3A_199 = tpu.memref_slice %arg9[%dma_wait3A_190, %dma_wait3A_197, %dma_wait3A_198] : memref<4x32x128xf32, #tpu.memory_space<vmem>> -> memref<1x32x128xf32, #tpu.memory_space<vmem>>
      %dma_wait3A_200 = tpu.memref_squeeze %dma_wait3A_199 : memref<1x32x128xf32, #tpu.memory_space<vmem>> -> memref<32x128xf32, #tpu.memory_space<vmem>>
      %dma_wait3A_201 = arith.constant 0 : i32
      %dma_wait3A_202 = tpu.memref_slice %arg4[%dma_wait3A_201, %multiple_of3A] : memref<32x1000000xf32, #tpu.memory_space<hbm>> -> memref<32x128xf32, #tpu.memory_space<hbm>>
      tpu.wait_dma2 semaphore(%arg13 : memref<!tpu.dma_semaphore, #tpu.memory_space<semaphore_mem>>) src(%dma_wait3A_202 : memref<32x128xf32, #tpu.memory_space<hbm>>) dst(%dma_wait3A_200 : memref<32x128xf32, #tpu.memory_space<vmem>>)
      %dma_wait3A_203 = arith.constant 0 : i32
      %dma_wait3A_204 = arith.constant 0 : i32
      %dma_wait3A_205 = arith.constant 0 : i32
      %dma_wait3A_206 = tpu.memref_slice %arg10[%dma_wait3A_203, %dma_wait3A_204, %dma_wait3A_205] : memref<4x32x128xf32, #tpu.memory_space<vmem>> -> memref<1x32x128xf32, #tpu.memory_space<vmem>>
      %dma_wait3A_207 = tpu.memref_squeeze %dma_wait3A_206 : memref<1x32x128xf32, #tpu.memory_space<vmem>> -> memref<32x128xf32, #tpu.memory_space<vmem>>
      %dma_wait3A_208 = arith.constant 0 : i32
      %dma_wait3A_209 = tpu.memref_slice %arg5[%dma_wait3A_208, %multiple_of3A_43] : memref<32x1000000xf32, #tpu.memory_space<hbm>> -> memref<32x128xf32, #tpu.memory_space<hbm>>
      %dma_wait3A_210 = arith.constant 0 : i32
      %dma_wait3A_211 = arith.constant 0 : i32
      %dma_wait3A_212 = tpu.memref_slice %arg10[%dma_wait3A_203, %dma_wait3A_210, %dma_wait3A_211] : memref<4x32x128xf32, #tpu.memory_space<vmem>> -> memref<1x32x128xf32, #tpu.memory_space<vmem>>
      %dma_wait3A_213 = tpu.memref_squeeze %dma_wait3A_212 : memref<1x32x128xf32, #tpu.memory_space<vmem>> -> memref<32x128xf32, #tpu.memory_space<vmem>>
      %dma_wait3A_214 = arith.constant 0 : i32
      %dma_wait3A_215 = tpu.memref_slice %arg5[%dma_wait3A_214, %multiple_of3A_43] : memref<32x1000000xf32, #tpu.memory_space<hbm>> -> memref<32x128xf32, #tpu.memory_space<hbm>>
      tpu.wait_dma2 semaphore(%arg13 : memref<!tpu.dma_semaphore, #tpu.memory_space<semaphore_mem>>) src(%dma_wait3A_215 : memref<32x128xf32, #tpu.memory_space<hbm>>) dst(%dma_wait3A_213 : memref<32x128xf32, #tpu.memory_space<vmem>>)
      %dma_wait3A_216 = arith.constant 1 : i32
      %dma_wait3A_217 = arith.constant 0 : i32
      %dma_wait3A_218 = arith.constant 0 : i32
      %dma_wait3A_219 = tpu.memref_slice %arg9[%dma_wait3A_216, %dma_wait3A_217, %dma_wait3A_218] : memref<4x32x128xf32, #tpu.memory_space<vmem>> -> memref<1x32x128xf32, #tpu.memory_space<vmem>>
      %dma_wait3A_220 = tpu.memref_squeeze %dma_wait3A_219 : memref<1x32x128xf32, #tpu.memory_space<vmem>> -> memref<32x128xf32, #tpu.memory_space<vmem>>
      %dma_wait3A_221 = arith.constant 0 : i32
      %dma_wait3A_222 = tpu.memref_slice %arg4[%dma_wait3A_221, %multiple_of3A_76] : memref<32x1000000xf32, #tpu.memory_space<hbm>> -> memref<32x128xf32, #tpu.memory_space<hbm>>
      %dma_wait3A_223 = arith.constant 0 : i32
      %dma_wait3A_224 = arith.constant 0 : i32
      %dma_wait3A_225 = tpu.memref_slice %arg9[%dma_wait3A_216, %dma_wait3A_223, %dma_wait3A_224] : memref<4x32x128xf32, #tpu.memory_space<vmem>> -> memref<1x32x128xf32, #tpu.memory_space<vmem>>
      %dma_wait3A_226 = tpu.memref_squeeze %dma_wait3A_225 : memref<1x32x128xf32, #tpu.memory_space<vmem>> -> memref<32x128xf32, #tpu.memory_space<vmem>>
      %dma_wait3A_227 = arith.constant 0 : i32
      %dma_wait3A_228 = tpu.memref_slice %arg4[%dma_wait3A_227, %multiple_of3A_76] : memref<32x1000000xf32, #tpu.memory_space<hbm>> -> memref<32x128xf32, #tpu.memory_space<hbm>>
      tpu.wait_dma2 semaphore(%arg13 : memref<!tpu.dma_semaphore, #tpu.memory_space<semaphore_mem>>) src(%dma_wait3A_228 : memref<32x128xf32, #tpu.memory_space<hbm>>) dst(%dma_wait3A_226 : memref<32x128xf32, #tpu.memory_space<vmem>>)
      %dma_wait3A_229 = arith.constant 1 : i32
      %dma_wait3A_230 = arith.constant 0 : i32
      %dma_wait3A_231 = arith.constant 0 : i32
      %dma_wait3A_232 = tpu.memref_slice %arg10[%dma_wait3A_229, %dma_wait3A_230, %dma_wait3A_231] : memref<4x32x128xf32, #tpu.memory_space<vmem>> -> memref<1x32x128xf32, #tpu.memory_space<vmem>>
      %dma_wait3A_233 = tpu.memref_squeeze %dma_wait3A_232 : memref<1x32x128xf32, #tpu.memory_space<vmem>> -> memref<32x128xf32, #tpu.memory_space<vmem>>
      %dma_wait3A_234 = arith.constant 0 : i32
      %dma_wait3A_235 = tpu.memref_slice %arg5[%dma_wait3A_234, %multiple_of3A_83] : memref<32x1000000xf32, #tpu.memory_space<hbm>> -> memref<32x128xf32, #tpu.memory_space<hbm>>
      %dma_wait3A_236 = arith.constant 0 : i32
      %dma_wait3A_237 = arith.constant 0 : i32
      %dma_wait3A_238 = tpu.memref_slice %arg10[%dma_wait3A_229, %dma_wait3A_236, %dma_wait3A_237] : memref<4x32x128xf32, #tpu.memory_space<vmem>> -> memref<1x32x128xf32, #tpu.memory_space<vmem>>
      %dma_wait3A_239 = tpu.memref_squeeze %dma_wait3A_238 : memref<1x32x128xf32, #tpu.memory_space<vmem>> -> memref<32x128xf32, #tpu.memory_space<vmem>>
      %dma_wait3A_240 = arith.constant 0 : i32
      %dma_wait3A_241 = tpu.memref_slice %arg5[%dma_wait3A_240, %multiple_of3A_83] : memref<32x1000000xf32, #tpu.memory_space<hbm>> -> memref<32x128xf32, #tpu.memory_space<hbm>>
      tpu.wait_dma2 semaphore(%arg13 : memref<!tpu.dma_semaphore, #tpu.memory_space<semaphore_mem>>) src(%dma_wait3A_241 : memref<32x128xf32, #tpu.memory_space<hbm>>) dst(%dma_wait3A_239 : memref<32x128xf32, #tpu.memory_space<vmem>>)
      %dma_wait3A_242 = arith.constant 2 : i32
      %dma_wait3A_243 = arith.constant 0 : i32
      %dma_wait3A_244 = arith.constant 0 : i32
      %dma_wait3A_245 = tpu.memref_slice %arg9[%dma_wait3A_242, %dma_wait3A_243, %dma_wait3A_244] : memref<4x32x128xf32, #tpu.memory_space<vmem>> -> memref<1x32x128xf32, #tpu.memory_space<vmem>>
      %dma_wait3A_246 = tpu.memref_squeeze %dma_wait3A_245 : memref<1x32x128xf32, #tpu.memory_space<vmem>> -> memref<32x128xf32, #tpu.memory_space<vmem>>
      %dma_wait3A_247 = arith.constant 0 : i32
      %dma_wait3A_248 = tpu.memref_slice %arg4[%dma_wait3A_247, %multiple_of3A_116] : memref<32x1000000xf32, #tpu.memory_space<hbm>> -> memref<32x128xf32, #tpu.memory_space<hbm>>
      %dma_wait3A_249 = arith.constant 0 : i32
      %dma_wait3A_250 = arith.constant 0 : i32
      %dma_wait3A_251 = tpu.memref_slice %arg9[%dma_wait3A_242, %dma_wait3A_249, %dma_wait3A_250] : memref<4x32x128xf32, #tpu.memory_space<vmem>> -> memref<1x32x128xf32, #tpu.memory_space<vmem>>
      %dma_wait3A_252 = tpu.memref_squeeze %dma_wait3A_251 : memref<1x32x128xf32, #tpu.memory_space<vmem>> -> memref<32x128xf32, #tpu.memory_space<vmem>>
      %dma_wait3A_253 = arith.constant 0 : i32
      %dma_wait3A_254 = tpu.memref_slice %arg4[%dma_wait3A_253, %multiple_of3A_116] : memref<32x1000000xf32, #tpu.memory_space<hbm>> -> memref<32x128xf32, #tpu.memory_space<hbm>>
      tpu.wait_dma2 semaphore(%arg13 : memref<!tpu.dma_semaphore, #tpu.memory_space<semaphore_mem>>) src(%dma_wait3A_254 : memref<32x128xf32, #tpu.memory_space<hbm>>) dst(%dma_wait3A_252 : memref<32x128xf32, #tpu.memory_space<vmem>>)
      %dma_wait3A_255 = arith.constant 2 : i32
      %dma_wait3A_256 = arith.constant 0 : i32
      %dma_wait3A_257 = arith.constant 0 : i32
      %dma_wait3A_258 = tpu.memref_slice %arg10[%dma_wait3A_255, %dma_wait3A_256, %dma_wait3A_257] : memref<4x32x128xf32, #tpu.memory_space<vmem>> -> memref<1x32x128xf32, #tpu.memory_space<vmem>>
      %dma_wait3A_259 = tpu.memref_squeeze %dma_wait3A_258 : memref<1x32x128xf32, #tpu.memory_space<vmem>> -> memref<32x128xf32, #tpu.memory_space<vmem>>
      %dma_wait3A_260 = arith.constant 0 : i32
      %dma_wait3A_261 = tpu.memref_slice %arg5[%dma_wait3A_260, %multiple_of3A_123] : memref<32x1000000xf32, #tpu.memory_space<hbm>> -> memref<32x128xf32, #tpu.memory_space<hbm>>
      %dma_wait3A_262 = arith.constant 0 : i32
      %dma_wait3A_263 = arith.constant 0 : i32
      %dma_wait3A_264 = tpu.memref_slice %arg10[%dma_wait3A_255, %dma_wait3A_262, %dma_wait3A_263] : memref<4x32x128xf32, #tpu.memory_space<vmem>> -> memref<1x32x128xf32, #tpu.memory_space<vmem>>
      %dma_wait3A_265 = tpu.memref_squeeze %dma_wait3A_264 : memref<1x32x128xf32, #tpu.memory_space<vmem>> -> memref<32x128xf32, #tpu.memory_space<vmem>>
      %dma_wait3A_266 = arith.constant 0 : i32
      %dma_wait3A_267 = tpu.memref_slice %arg5[%dma_wait3A_266, %multiple_of3A_123] : memref<32x1000000xf32, #tpu.memory_space<hbm>> -> memref<32x128xf32, #tpu.memory_space<hbm>>
      tpu.wait_dma2 semaphore(%arg13 : memref<!tpu.dma_semaphore, #tpu.memory_space<semaphore_mem>>) src(%dma_wait3A_267 : memref<32x128xf32, #tpu.memory_space<hbm>>) dst(%dma_wait3A_265 : memref<32x128xf32, #tpu.memory_space<vmem>>)
      %dma_wait3A_268 = arith.constant 3 : i32
      %dma_wait3A_269 = arith.constant 0 : i32
      %dma_wait3A_270 = arith.constant 0 : i32
      %dma_wait3A_271 = tpu.memref_slice %arg9[%dma_wait3A_268, %dma_wait3A_269, %dma_wait3A_270] : memref<4x32x128xf32, #tpu.memory_space<vmem>> -> memref<1x32x128xf32, #tpu.memory_space<vmem>>
      %dma_wait3A_272 = tpu.memref_squeeze %dma_wait3A_271 : memref<1x32x128xf32, #tpu.memory_space<vmem>> -> memref<32x128xf32, #tpu.memory_space<vmem>>
      %dma_wait3A_273 = arith.constant 0 : i32
      %dma_wait3A_274 = tpu.memref_slice %arg4[%dma_wait3A_273, %multiple_of3A_156] : memref<32x1000000xf32, #tpu.memory_space<hbm>> -> memref<32x128xf32, #tpu.memory_space<hbm>>
      %dma_wait3A_275 = arith.constant 0 : i32
      %dma_wait3A_276 = arith.constant 0 : i32
      %dma_wait3A_277 = tpu.memref_slice %arg9[%dma_wait3A_268, %dma_wait3A_275, %dma_wait3A_276] : memref<4x32x128xf32, #tpu.memory_space<vmem>> -> memref<1x32x128xf32, #tpu.memory_space<vmem>>
      %dma_wait3A_278 = tpu.memref_squeeze %dma_wait3A_277 : memref<1x32x128xf32, #tpu.memory_space<vmem>> -> memref<32x128xf32, #tpu.memory_space<vmem>>
      %dma_wait3A_279 = arith.constant 0 : i32
      %dma_wait3A_280 = tpu.memref_slice %arg4[%dma_wait3A_279, %multiple_of3A_156] : memref<32x1000000xf32, #tpu.memory_space<hbm>> -> memref<32x128xf32, #tpu.memory_space<hbm>>
      tpu.wait_dma2 semaphore(%arg13 : memref<!tpu.dma_semaphore, #tpu.memory_space<semaphore_mem>>) src(%dma_wait3A_280 : memref<32x128xf32, #tpu.memory_space<hbm>>) dst(%dma_wait3A_278 : memref<32x128xf32, #tpu.memory_space<vmem>>)
      %dma_wait3A_281 = arith.constant 3 : i32
      %dma_wait3A_282 = arith.constant 0 : i32
      %dma_wait3A_283 = arith.constant 0 : i32
      %dma_wait3A_284 = tpu.memref_slice %arg10[%dma_wait3A_281, %dma_wait3A_282, %dma_wait3A_283] : memref<4x32x128xf32, #tpu.memory_space<vmem>> -> memref<1x32x128xf32, #tpu.memory_space<vmem>>
      %dma_wait3A_285 = tpu.memref_squeeze %dma_wait3A_284 : memref<1x32x128xf32, #tpu.memory_space<vmem>> -> memref<32x128xf32, #tpu.memory_space<vmem>>
      %dma_wait3A_286 = arith.constant 0 : i32
      %dma_wait3A_287 = tpu.memref_slice %arg5[%dma_wait3A_286, %multiple_of3A_163] : memref<32x1000000xf32, #tpu.memory_space<hbm>> -> memref<32x128xf32, #tpu.memory_space<hbm>>
      %dma_wait3A_288 = arith.constant 0 : i32
      %dma_wait3A_289 = arith.constant 0 : i32
      %dma_wait3A_290 = tpu.memref_slice %arg10[%dma_wait3A_281, %dma_wait3A_288, %dma_wait3A_289] : memref<4x32x128xf32, #tpu.memory_space<vmem>> -> memref<1x32x128xf32, #tpu.memory_space<vmem>>
      %dma_wait3A_291 = tpu.memref_squeeze %dma_wait3A_290 : memref<1x32x128xf32, #tpu.memory_space<vmem>> -> memref<32x128xf32, #tpu.memory_space<vmem>>
      %dma_wait3A_292 = arith.constant 0 : i32
      %dma_wait3A_293 = tpu.memref_slice %arg5[%dma_wait3A_292, %multiple_of3A_163] : memref<32x1000000xf32, #tpu.memory_space<hbm>> -> memref<32x128xf32, #tpu.memory_space<hbm>>
      tpu.wait_dma2 semaphore(%arg13 : memref<!tpu.dma_semaphore, #tpu.memory_space<semaphore_mem>>) src(%dma_wait3A_293 : memref<32x128xf32, #tpu.memory_space<hbm>>) dst(%dma_wait3A_291 : memref<32x128xf32, #tpu.memory_space<vmem>>)
      %slice3A_294 = vector.extract_strided_slice %and3A_31 {offsets = [0], sizes = [1], strides = [1]} : vector<16xi32> to vector<1xi32>
      %squeeze3A_295 = vector.extract %slice3A_294[0] : i32 from vector<1xi32>
      %broadcast_in_dim3A = vector.broadcast %squeeze3A_295 : i32 to vector<16xi32>
      %slice3A_296 = vector.extract_strided_slice %and3A_34 {offsets = [0], sizes = [1], strides = [1]} : vector<16xi32> to vector<1xi32>
      %squeeze3A_297 = vector.extract %slice3A_296[0] : i32 from vector<1xi32>
      %broadcast_in_dim3A_298 = vector.broadcast %squeeze3A_297 : i32 to vector<16xi32>
      %gather3A = arith.constant 0 : i32
      %gather3A_299 = arith.constant 0 : i32
      %gather3A_300 = arith.constant 0 : i32
      %gather3A_301 = tpu.memref_slice %arg9[%gather3A, %gather3A_299, %gather3A_300] : memref<4x32x128xf32, #tpu.memory_space<vmem>> -> memref<1x32x128xf32, #tpu.memory_space<vmem>>
      %gather3A_302 = tpu.memref_squeeze %gather3A_301 : memref<1x32x128xf32, #tpu.memory_space<vmem>> -> memref<32x128xf32, #tpu.memory_space<vmem>>
      %gather3A_303 = tpu.vector_load_idx %gather3A_302[%iota3A, %broadcast_in_dim3A] : memref<32x128xf32, #tpu.memory_space<vmem>>[vector<16xi32>, vector<16xi32>], vector<16xf32>,
      %add3A_304 = arith.constant 0 : i32
      %add3A_305 = arith.addi %mul3A_26, %add3A_304 : i32
      %swap3A = arith.index_cast %add3A_305 : i32 to index
      %swap3A_306 = arith.constant 0 : index
      %swap3A_307 = tpu.vector_load %arg11[%swap3A, %swap3A_306] {strides = array<i32>} : memref<512x64xf32, #tpu.memory_space<vmem>>, vector<16xf32>,
      tpu.vector_store %arg11[%swap3A, %swap3A_306], %gather3A_303 {strides = array<i32>} : memref<512x64xf32, #tpu.memory_space<vmem>>, vector<16xf32>,
      %gather3A_308 = arith.constant 0 : i32
      %gather3A_309 = arith.constant 0 : i32
      %gather3A_310 = arith.constant 0 : i32
      %gather3A_311 = tpu.memref_slice %arg9[%gather3A_308, %gather3A_309, %gather3A_310] : memref<4x32x128xf32, #tpu.memory_space<vmem>> -> memref<1x32x128xf32, #tpu.memory_space<vmem>>
      %gather3A_312 = tpu.memref_squeeze %gather3A_311 : memref<1x32x128xf32, #tpu.memory_space<vmem>> -> memref<32x128xf32, #tpu.memory_space<vmem>>
      %gather3A_313 = tpu.vector_load_idx %gather3A_312[%add3A_11, %broadcast_in_dim3A] : memref<32x128xf32, #tpu.memory_space<vmem>>[vector<16xi32>, vector<16xi32>], vector<16xf32>,
      %add3A_314 = arith.constant 0 : i32
      %add3A_315 = arith.addi %mul3A_26, %add3A_314 : i32
      %swap3A_316 = arith.index_cast %add3A_315 : i32 to index
      %swap3A_317 = arith.constant 16 : index
      %swap3A_318 = tpu.vector_load %arg11[%swap3A_316, %swap3A_317] {strides = array<i32>} : memref<512x64xf32, #tpu.memory_space<vmem>>, vector<16xf32>,
      tpu.vector_store %arg11[%swap3A_316, %swap3A_317], %gather3A_313 {strides = array<i32>} : memref<512x64xf32, #tpu.memory_space<vmem>>, vector<16xf32>,
      %gather3A_319 = arith.constant 0 : i32
      %gather3A_320 = arith.constant 0 : i32
      %gather3A_321 = arith.constant 0 : i32
      %gather3A_322 = tpu.memref_slice %arg10[%gather3A_319, %gather3A_320, %gather3A_321] : memref<4x32x128xf32, #tpu.memory_space<vmem>> -> memref<1x32x128xf32, #tpu.memory_space<vmem>>
      %gather3A_323 = tpu.memref_squeeze %gather3A_322 : memref<1x32x128xf32, #tpu.memory_space<vmem>> -> memref<32x128xf32, #tpu.memory_space<vmem>>
      %gather3A_324 = tpu.vector_load_idx %gather3A_323[%iota3A, %broadcast_in_dim3A_298] : memref<32x128xf32, #tpu.memory_space<vmem>>[vector<16xi32>, vector<16xi32>], vector<16xf32>,
      %add3A_325 = arith.constant 0 : i32
      %add3A_326 = arith.addi %mul3A_26, %add3A_325 : i32
      %swap3A_327 = arith.index_cast %add3A_326 : i32 to index
      %swap3A_328 = arith.constant 32 : index
      %swap3A_329 = tpu.vector_load %arg11[%swap3A_327, %swap3A_328] {strides = array<i32>} : memref<512x64xf32, #tpu.memory_space<vmem>>, vector<16xf32>,
      tpu.vector_store %arg11[%swap3A_327, %swap3A_328], %gather3A_324 {strides = array<i32>} : memref<512x64xf32, #tpu.memory_space<vmem>>, vector<16xf32>,
      %gather3A_330 = arith.constant 0 : i32
      %gather3A_331 = arith.constant 0 : i32
      %gather3A_332 = arith.constant 0 : i32
      %gather3A_333 = tpu.memref_slice %arg10[%gather3A_330, %gather3A_331, %gather3A_332] : memref<4x32x128xf32, #tpu.memory_space<vmem>> -> memref<1x32x128xf32, #tpu.memory_space<vmem>>
      %gather3A_334 = tpu.memref_squeeze %gather3A_333 : memref<1x32x128xf32, #tpu.memory_space<vmem>> -> memref<32x128xf32, #tpu.memory_space<vmem>>
      %gather3A_335 = tpu.vector_load_idx %gather3A_334[%add3A_11, %broadcast_in_dim3A_298] : memref<32x128xf32, #tpu.memory_space<vmem>>[vector<16xi32>, vector<16xi32>], vector<16xf32>,
      %add3A_336 = arith.constant 0 : i32
      %add3A_337 = arith.addi %mul3A_26, %add3A_336 : i32
      %swap3A_338 = arith.index_cast %add3A_337 : i32 to index
      %swap3A_339 = arith.constant 48 : index
      %swap3A_340 = tpu.vector_load %arg11[%swap3A_338, %swap3A_339] {strides = array<i32>} : memref<512x64xf32, #tpu.memory_space<vmem>>, vector<16xf32>,
      tpu.vector_store %arg11[%swap3A_338, %swap3A_339], %gather3A_335 {strides = array<i32>} : memref<512x64xf32, #tpu.memory_space<vmem>>, vector<16xf32>,
      %slice3A_341 = vector.extract_strided_slice %and3A_31 {offsets = [1], sizes = [1], strides = [1]} : vector<16xi32> to vector<1xi32>
      %squeeze3A_342 = vector.extract %slice3A_341[0] : i32 from vector<1xi32>
      %broadcast_in_dim3A_343 = vector.broadcast %squeeze3A_342 : i32 to vector<16xi32>
      %slice3A_344 = vector.extract_strided_slice %and3A_34 {offsets = [1], sizes = [1], strides = [1]} : vector<16xi32> to vector<1xi32>
      %squeeze3A_345 = vector.extract %slice3A_344[0] : i32 from vector<1xi32>
      %broadcast_in_dim3A_346 = vector.broadcast %squeeze3A_345 : i32 to vector<16xi32>
      %gather3A_347 = arith.constant 1 : i32
      %gather3A_348 = arith.constant 0 : i32
      %gather3A_349 = arith.constant 0 : i32
      %gather3A_350 = tpu.memref_slice %arg9[%gather3A_347, %gather3A_348, %gather3A_349] : memref<4x32x128xf32, #tpu.memory_space<vmem>> -> memref<1x32x128xf32, #tpu.memory_space<vmem>>
      %gather3A_351 = tpu.memref_squeeze %gather3A_350 : memref<1x32x128xf32, #tpu.memory_space<vmem>> -> memref<32x128xf32, #tpu.memory_space<vmem>>
      %gather3A_352 = tpu.vector_load_idx %gather3A_351[%iota3A, %broadcast_in_dim3A_343] : memref<32x128xf32, #tpu.memory_space<vmem>>[vector<16xi32>, vector<16xi32>], vector<16xf32>,
      %add3A_353 = arith.constant 1 : i32
      %add3A_354 = arith.addi %mul3A_26, %add3A_353 : i32
      %swap3A_355 = arith.index_cast %add3A_354 : i32 to index
      %swap3A_356 = arith.constant 0 : index
      %swap3A_357 = tpu.vector_load %arg11[%swap3A_355, %swap3A_356] {strides = array<i32>} : memref<512x64xf32, #tpu.memory_space<vmem>>, vector<16xf32>,
      tpu.vector_store %arg11[%swap3A_355, %swap3A_356], %gather3A_352 {strides = array<i32>} : memref<512x64xf32, #tpu.memory_space<vmem>>, vector<16xf32>,
      %gather3A_358 = arith.constant 1 : i32
      %gather3A_359 = arith.constant 0 : i32
      %gather3A_360 = arith.constant 0 : i32
      %gather3A_361 = tpu.memref_slice %arg9[%gather3A_358, %gather3A_359, %gather3A_360] : memref<4x32x128xf32, #tpu.memory_space<vmem>> -> memref<1x32x128xf32, #tpu.memory_space<vmem>>
      %gather3A_362 = tpu.memref_squeeze %gather3A_361 : memref<1x32x128xf32, #tpu.memory_space<vmem>> -> memref<32x128xf32, #tpu.memory_space<vmem>>
      %gather3A_363 = tpu.vector_load_idx %gather3A_362[%add3A_11, %broadcast_in_dim3A_343] : memref<32x128xf32, #tpu.memory_space<vmem>>[vector<16xi32>, vector<16xi32>], vector<16xf32>,
      %add3A_364 = arith.constant 1 : i32
      %add3A_365 = arith.addi %mul3A_26, %add3A_364 : i32
      %swap3A_366 = arith.index_cast %add3A_365 : i32 to index
      %swap3A_367 = arith.constant 16 : index
      %swap3A_368 = tpu.vector_load %arg11[%swap3A_366, %swap3A_367] {strides = array<i32>} : memref<512x64xf32, #tpu.memory_space<vmem>>, vector<16xf32>,
      tpu.vector_store %arg11[%swap3A_366, %swap3A_367], %gather3A_363 {strides = array<i32>} : memref<512x64xf32, #tpu.memory_space<vmem>>, vector<16xf32>,
      %gather3A_369 = arith.constant 1 : i32
      %gather3A_370 = arith.constant 0 : i32
      %gather3A_371 = arith.constant 0 : i32
      %gather3A_372 = tpu.memref_slice %arg10[%gather3A_369, %gather3A_370, %gather3A_371] : memref<4x32x128xf32, #tpu.memory_space<vmem>> -> memref<1x32x128xf32, #tpu.memory_space<vmem>>
      %gather3A_373 = tpu.memref_squeeze %gather3A_372 : memref<1x32x128xf32, #tpu.memory_space<vmem>> -> memref<32x128xf32, #tpu.memory_space<vmem>>
      %gather3A_374 = tpu.vector_load_idx %gather3A_373[%iota3A, %broadcast_in_dim3A_346] : memref<32x128xf32, #tpu.memory_space<vmem>>[vector<16xi32>, vector<16xi32>], vector<16xf32>,
      %add3A_375 = arith.constant 1 : i32
      %add3A_376 = arith.addi %mul3A_26, %add3A_375 : i32
      %swap3A_377 = arith.index_cast %add3A_376 : i32 to index
      %swap3A_378 = arith.constant 32 : index
      %swap3A_379 = tpu.vector_load %arg11[%swap3A_377, %swap3A_378] {strides = array<i32>} : memref<512x64xf32, #tpu.memory_space<vmem>>, vector<16xf32>,
      tpu.vector_store %arg11[%swap3A_377, %swap3A_378], %gather3A_374 {strides = array<i32>} : memref<512x64xf32, #tpu.memory_space<vmem>>, vector<16xf32>,
      %gather3A_380 = arith.constant 1 : i32
      %gather3A_381 = arith.constant 0 : i32
      %gather3A_382 = arith.constant 0 : i32
      %gather3A_383 = tpu.memref_slice %arg10[%gather3A_380, %gather3A_381, %gather3A_382] : memref<4x32x128xf32, #tpu.memory_space<vmem>> -> memref<1x32x128xf32, #tpu.memory_space<vmem>>
      %gather3A_384 = tpu.memref_squeeze %gather3A_383 : memref<1x32x128xf32, #tpu.memory_space<vmem>> -> memref<32x128xf32, #tpu.memory_space<vmem>>
      %gather3A_385 = tpu.vector_load_idx %gather3A_384[%add3A_11, %broadcast_in_dim3A_346] : memref<32x128xf32, #tpu.memory_space<vmem>>[vector<16xi32>, vector<16xi32>], vector<16xf32>,
      %add3A_386 = arith.constant 1 : i32
      %add3A_387 = arith.addi %mul3A_26, %add3A_386 : i32
      %swap3A_388 = arith.index_cast %add3A_387 : i32 to index
      %swap3A_389 = arith.constant 48 : index
      %swap3A_390 = tpu.vector_load %arg11[%swap3A_388, %swap3A_389] {strides = array<i32>} : memref<512x64xf32, #tpu.memory_space<vmem>>, vector<16xf32>,
      tpu.vector_store %arg11[%swap3A_388, %swap3A_389], %gather3A_385 {strides = array<i32>} : memref<512x64xf32, #tpu.memory_space<vmem>>, vector<16xf32>,
      %slice3A_391 = vector.extract_strided_slice %and3A_31 {offsets = [2], sizes = [1], strides = [1]} : vector<16xi32> to vector<1xi32>
      %squeeze3A_392 = vector.extract %slice3A_391[0] : i32 from vector<1xi32>
      %broadcast_in_dim3A_393 = vector.broadcast %squeeze3A_392 : i32 to vector<16xi32>
      %slice3A_394 = vector.extract_strided_slice %and3A_34 {offsets = [2], sizes = [1], strides = [1]} : vector<16xi32> to vector<1xi32>
      %squeeze3A_395 = vector.extract %slice3A_394[0] : i32 from vector<1xi32>
      %broadcast_in_dim3A_396 = vector.broadcast %squeeze3A_395 : i32 to vector<16xi32>
      %gather3A_397 = arith.constant 2 : i32
      %gather3A_398 = arith.constant 0 : i32
      %gather3A_399 = arith.constant 0 : i32
      %gather3A_400 = tpu.memref_slice %arg9[%gather3A_397, %gather3A_398, %gather3A_399] : memref<4x32x128xf32, #tpu.memory_space<vmem>> -> memref<1x32x128xf32, #tpu.memory_space<vmem>>
      %gather3A_401 = tpu.memref_squeeze %gather3A_400 : memref<1x32x128xf32, #tpu.memory_space<vmem>> -> memref<32x128xf32, #tpu.memory_space<vmem>>
      %gather3A_402 = tpu.vector_load_idx %gather3A_401[%iota3A, %broadcast_in_dim3A_393] : memref<32x128xf32, #tpu.memory_space<vmem>>[vector<16xi32>, vector<16xi32>], vector<16xf32>,
      %add3A_403 = arith.constant 2 : i32
      %add3A_404 = arith.addi %mul3A_26, %add3A_403 : i32
      %swap3A_405 = arith.index_cast %add3A_404 : i32 to index
      %swap3A_406 = arith.constant 0 : index
      %swap3A_407 = tpu.vector_load %arg11[%swap3A_405, %swap3A_406] {strides = array<i32>} : memref<512x64xf32, #tpu.memory_space<vmem>>, vector<16xf32>,
      tpu.vector_store %arg11[%swap3A_405, %swap3A_406], %gather3A_402 {strides = array<i32>} : memref<512x64xf32, #tpu.memory_space<vmem>>, vector<16xf32>,
      %gather3A_408 = arith.constant 2 : i32
      %gather3A_409 = arith.constant 0 : i32
      %gather3A_410 = arith.constant 0 : i32
      %gather3A_411 = tpu.memref_slice %arg9[%gather3A_408, %gather3A_409, %gather3A_410] : memref<4x32x128xf32, #tpu.memory_space<vmem>> -> memref<1x32x128xf32, #tpu.memory_space<vmem>>
      %gather3A_412 = tpu.memref_squeeze %gather3A_411 : memref<1x32x128xf32, #tpu.memory_space<vmem>> -> memref<32x128xf32, #tpu.memory_space<vmem>>
      %gather3A_413 = tpu.vector_load_idx %gather3A_412[%add3A_11, %broadcast_in_dim3A_393] : memref<32x128xf32, #tpu.memory_space<vmem>>[vector<16xi32>, vector<16xi32>], vector<16xf32>,
      %add3A_414 = arith.constant 2 : i32
      %add3A_415 = arith.addi %mul3A_26, %add3A_414 : i32
      %swap3A_416 = arith.index_cast %add3A_415 : i32 to index
      %swap3A_417 = arith.constant 16 : index
      %swap3A_418 = tpu.vector_load %arg11[%swap3A_416, %swap3A_417] {strides = array<i32>} : memref<512x64xf32, #tpu.memory_space<vmem>>, vector<16xf32>,
      tpu.vector_store %arg11[%swap3A_416, %swap3A_417], %gather3A_413 {strides = array<i32>} : memref<512x64xf32, #tpu.memory_space<vmem>>, vector<16xf32>,
      %gather3A_419 = arith.constant 2 : i32
      %gather3A_420 = arith.constant 0 : i32
      %gather3A_421 = arith.constant 0 : i32
      %gather3A_422 = tpu.memref_slice %arg10[%gather3A_419, %gather3A_420, %gather3A_421] : memref<4x32x128xf32, #tpu.memory_space<vmem>> -> memref<1x32x128xf32, #tpu.memory_space<vmem>>
      %gather3A_423 = tpu.memref_squeeze %gather3A_422 : memref<1x32x128xf32, #tpu.memory_space<vmem>> -> memref<32x128xf32, #tpu.memory_space<vmem>>
      %gather3A_424 = tpu.vector_load_idx %gather3A_423[%iota3A, %broadcast_in_dim3A_396] : memref<32x128xf32, #tpu.memory_space<vmem>>[vector<16xi32>, vector<16xi32>], vector<16xf32>,
      %add3A_425 = arith.constant 2 : i32
      %add3A_426 = arith.addi %mul3A_26, %add3A_425 : i32
      %swap3A_427 = arith.index_cast %add3A_426 : i32 to index
      %swap3A_428 = arith.constant 32 : index
      %swap3A_429 = tpu.vector_load %arg11[%swap3A_427, %swap3A_428] {strides = array<i32>} : memref<512x64xf32, #tpu.memory_space<vmem>>, vector<16xf32>,
      tpu.vector_store %arg11[%swap3A_427, %swap3A_428], %gather3A_424 {strides = array<i32>} : memref<512x64xf32, #tpu.memory_space<vmem>>, vector<16xf32>,
      %gather3A_430 = arith.constant 2 : i32
      %gather3A_431 = arith.constant 0 : i32
      %gather3A_432 = arith.constant 0 : i32
      %gather3A_433 = tpu.memref_slice %arg10[%gather3A_430, %gather3A_431, %gather3A_432] : memref<4x32x128xf32, #tpu.memory_space<vmem>> -> memref<1x32x128xf32, #tpu.memory_space<vmem>>
      %gather3A_434 = tpu.memref_squeeze %gather3A_433 : memref<1x32x128xf32, #tpu.memory_space<vmem>> -> memref<32x128xf32, #tpu.memory_space<vmem>>
      %gather3A_435 = tpu.vector_load_idx %gather3A_434[%add3A_11, %broadcast_in_dim3A_396] : memref<32x128xf32, #tpu.memory_space<vmem>>[vector<16xi32>, vector<16xi32>], vector<16xf32>,
      %add3A_436 = arith.constant 2 : i32
      %add3A_437 = arith.addi %mul3A_26, %add3A_436 : i32
      %swap3A_438 = arith.index_cast %add3A_437 : i32 to index
      %swap3A_439 = arith.constant 48 : index
      %swap3A_440 = tpu.vector_load %arg11[%swap3A_438, %swap3A_439] {strides = array<i32>} : memref<512x64xf32, #tpu.memory_space<vmem>>, vector<16xf32>,
      tpu.vector_store %arg11[%swap3A_438, %swap3A_439], %gather3A_435 {strides = array<i32>} : memref<512x64xf32, #tpu.memory_space<vmem>>, vector<16xf32>,
      %slice3A_441 = vector.extract_strided_slice %and3A_31 {offsets = [3], sizes = [1], strides = [1]} : vector<16xi32> to vector<1xi32>
      %squeeze3A_442 = vector.extract %slice3A_441[0] : i32 from vector<1xi32>
      %broadcast_in_dim3A_443 = vector.broadcast %squeeze3A_442 : i32 to vector<16xi32>
      %slice3A_444 = vector.extract_strided_slice %and3A_34 {offsets = [3], sizes = [1], strides = [1]} : vector<16xi32> to vector<1xi32>
      %squeeze3A_445 = vector.extract %slice3A_444[0] : i32 from vector<1xi32>
      %broadcast_in_dim3A_446 = vector.broadcast %squeeze3A_445 : i32 to vector<16xi32>
      %gather3A_447 = arith.constant 3 : i32
      %gather3A_448 = arith.constant 0 : i32
      %gather3A_449 = arith.constant 0 : i32
      %gather3A_450 = tpu.memref_slice %arg9[%gather3A_447, %gather3A_448, %gather3A_449] : memref<4x32x128xf32, #tpu.memory_space<vmem>> -> memref<1x32x128xf32, #tpu.memory_space<vmem>>
      %gather3A_451 = tpu.memref_squeeze %gather3A_450 : memref<1x32x128xf32, #tpu.memory_space<vmem>> -> memref<32x128xf32, #tpu.memory_space<vmem>>
      %gather3A_452 = tpu.vector_load_idx %gather3A_451[%iota3A, %broadcast_in_dim3A_443] : memref<32x128xf32, #tpu.memory_space<vmem>>[vector<16xi32>, vector<16xi32>], vector<16xf32>,
      %add3A_453 = arith.constant 3 : i32
      %add3A_454 = arith.addi %mul3A_26, %add3A_453 : i32
      %swap3A_455 = arith.index_cast %add3A_454 : i32 to index
      %swap3A_456 = arith.constant 0 : index
      %swap3A_457 = tpu.vector_load %arg11[%swap3A_455, %swap3A_456] {strides = array<i32>} : memref<512x64xf32, #tpu.memory_space<vmem>>, vector<16xf32>,
      tpu.vector_store %arg11[%swap3A_455, %swap3A_456], %gather3A_452 {strides = array<i32>} : memref<512x64xf32, #tpu.memory_space<vmem>>, vector<16xf32>,
      %gather3A_458 = arith.constant 3 : i32
      %gather3A_459 = arith.constant 0 : i32
      %gather3A_460 = arith.constant 0 : i32
      %gather3A_461 = tpu.memref_slice %arg9[%gather3A_458, %gather3A_459, %gather3A_460] : memref<4x32x128xf32, #tpu.memory_space<vmem>> -> memref<1x32x128xf32, #tpu.memory_space<vmem>>
      %gather3A_462 = tpu.memref_squeeze %gather3A_461 : memref<1x32x128xf32, #tpu.memory_space<vmem>> -> memref<32x128xf32, #tpu.memory_space<vmem>>
      %gather3A_463 = tpu.vector_load_idx %gather3A_462[%add3A_11, %broadcast_in_dim3A_443] : memref<32x128xf32, #tpu.memory_space<vmem>>[vector<16xi32>, vector<16xi32>], vector<16xf32>,
      %add3A_464 = arith.constant 3 : i32
      %add3A_465 = arith.addi %mul3A_26, %add3A_464 : i32
      %swap3A_466 = arith.index_cast %add3A_465 : i32 to index
      %swap3A_467 = arith.constant 16 : index
      %swap3A_468 = tpu.vector_load %arg11[%swap3A_466, %swap3A_467] {strides = array<i32>} : memref<512x64xf32, #tpu.memory_space<vmem>>, vector<16xf32>,
      tpu.vector_store %arg11[%swap3A_466, %swap3A_467], %gather3A_463 {strides = array<i32>} : memref<512x64xf32, #tpu.memory_space<vmem>>, vector<16xf32>,
      %gather3A_469 = arith.constant 3 : i32
      %gather3A_470 = arith.constant 0 : i32
      %gather3A_471 = arith.constant 0 : i32
      %gather3A_472 = tpu.memref_slice %arg10[%gather3A_469, %gather3A_470, %gather3A_471] : memref<4x32x128xf32, #tpu.memory_space<vmem>> -> memref<1x32x128xf32, #tpu.memory_space<vmem>>
      %gather3A_473 = tpu.memref_squeeze %gather3A_472 : memref<1x32x128xf32, #tpu.memory_space<vmem>> -> memref<32x128xf32, #tpu.memory_space<vmem>>
      %gather3A_474 = tpu.vector_load_idx %gather3A_473[%iota3A, %broadcast_in_dim3A_446] : memref<32x128xf32, #tpu.memory_space<vmem>>[vector<16xi32>, vector<16xi32>], vector<16xf32>,
      %add3A_475 = arith.constant 3 : i32
      %add3A_476 = arith.addi %mul3A_26, %add3A_475 : i32
      %swap3A_477 = arith.index_cast %add3A_476 : i32 to index
      %swap3A_478 = arith.constant 32 : index
      %swap3A_479 = tpu.vector_load %arg11[%swap3A_477, %swap3A_478] {strides = array<i32>} : memref<512x64xf32, #tpu.memory_space<vmem>>, vector<16xf32>,
      tpu.vector_store %arg11[%swap3A_477, %swap3A_478], %gather3A_474 {strides = array<i32>} : memref<512x64xf32, #tpu.memory_space<vmem>>, vector<16xf32>,
      %gather3A_480 = arith.constant 3 : i32
      %gather3A_481 = arith.constant 0 : i32
      %gather3A_482 = arith.constant 0 : i32
      %gather3A_483 = tpu.memref_slice %arg10[%gather3A_480, %gather3A_481, %gather3A_482] : memref<4x32x128xf32, #tpu.memory_space<vmem>> -> memref<1x32x128xf32, #tpu.memory_space<vmem>>
      %gather3A_484 = tpu.memref_squeeze %gather3A_483 : memref<1x32x128xf32, #tpu.memory_space<vmem>> -> memref<32x128xf32, #tpu.memory_space<vmem>>
      %gather3A_485 = tpu.vector_load_idx %gather3A_484[%add3A_11, %broadcast_in_dim3A_446] : memref<32x128xf32, #tpu.memory_space<vmem>>[vector<16xi32>, vector<16xi32>], vector<16xf32>,
      %add3A_486 = arith.constant 3 : i32
      %add3A_487 = arith.addi %mul3A_26, %add3A_486 : i32
      %swap3A_488 = arith.index_cast %add3A_487 : i32 to index
      %swap3A_489 = arith.constant 48 : index
      %swap3A_490 = tpu.vector_load %arg11[%swap3A_488, %swap3A_489] {strides = array<i32>} : memref<512x64xf32, #tpu.memory_space<vmem>>, vector<16xf32>,
      tpu.vector_store %arg11[%swap3A_488, %swap3A_489], %gather3A_485 {strides = array<i32>} : memref<512x64xf32, #tpu.memory_space<vmem>>, vector<16xf32>,
      %slice3A_491 = vector.extract_strided_slice %get3A_27 {offsets = [4], sizes = [1], strides = [1]} : vector<16xi32> to vector<1xi32>
      %squeeze3A_492 = vector.extract %slice3A_491[0] : i32 from vector<1xi32>
      %shift_right_arithmetic3A_493 = arith.constant 7 : i32
      %shift_right_arithmetic3A_494 = arith.shrsi %squeeze3A_492, %shift_right_arithmetic3A_493 : i32
      %shift_left3A_495 = arith.constant 7 : i32
      %shift_left3A_496 = arith.shli %shift_right_arithmetic3A_494, %shift_left3A_495 : i32
      %multiple_of3A_497 = tpu.assume_multiple %shift_left3A_496, 128 : i32
      %slice3A_498 = vector.extract_strided_slice %get3A_29 {offsets = [4], sizes = [1], strides = [1]} : vector<16xi32> to vector<1xi32>
      %squeeze3A_499 = vector.extract %slice3A_498[0] : i32 from vector<1xi32>
      %shift_right_arithmetic3A_500 = arith.constant 7 : i32
      %shift_right_arithmetic3A_501 = arith.shrsi %squeeze3A_499, %shift_right_arithmetic3A_500 : i32
      %shift_left3A_502 = arith.constant 7 : i32
      %shift_left3A_503 = arith.shli %shift_right_arithmetic3A_501, %shift_left3A_502 : i32
      %multiple_of3A_504 = tpu.assume_multiple %shift_left3A_503, 128 : i32
      %dma_start3A_505 = arith.constant 0 : i32
      %dma_start3A_506 = arith.constant 0 : i32
      %dma_start3A_507 = arith.constant 0 : i32
      %dma_start3A_508 = tpu.memref_slice %arg9[%dma_start3A_505, %dma_start3A_506, %dma_start3A_507] : memref<4x32x128xf32, #tpu.memory_space<vmem>> -> memref<1x32x128xf32, #tpu.memory_space<vmem>>
      %dma_start3A_509 = tpu.memref_squeeze %dma_start3A_508 : memref<1x32x128xf32, #tpu.memory_space<vmem>> -> memref<32x128xf32, #tpu.memory_space<vmem>>
      %dma_start3A_510 = arith.constant 0 : i32
      %dma_start3A_511 = tpu.memref_slice %arg4[%dma_start3A_510, %multiple_of3A_497] : memref<32x1000000xf32, #tpu.memory_space<hbm>> -> memref<32x128xf32, #tpu.memory_space<hbm>>
      %dma_start3A_512 = arith.constant 0 : i32
      %dma_start3A_513 = arith.constant 0 : i32
      %dma_start3A_514 = tpu.memref_slice %arg9[%dma_start3A_505, %dma_start3A_512, %dma_start3A_513] : memref<4x32x128xf32, #tpu.memory_space<vmem>> -> memref<1x32x128xf32, #tpu.memory_space<vmem>>
      %dma_start3A_515 = tpu.memref_squeeze %dma_start3A_514 : memref<1x32x128xf32, #tpu.memory_space<vmem>> -> memref<32x128xf32, #tpu.memory_space<vmem>>
      %dma_start3A_516 = arith.constant 0 : i32
      %dma_start3A_517 = tpu.memref_slice %arg4[%dma_start3A_516, %multiple_of3A_497] : memref<32x1000000xf32, #tpu.memory_space<hbm>> -> memref<32x128xf32, #tpu.memory_space<hbm>>
      tpu.enqueue_dma source(%dma_start3A_517 : memref<32x128xf32, #tpu.memory_space<hbm>>) target(%dma_start3A_515 : memref<32x128xf32, #tpu.memory_space<vmem>>) target_semaphore(%arg13 : memref<!tpu.dma_semaphore, #tpu.memory_space<semaphore_mem>>)
      %dma_start3A_518 = arith.constant 0 : i32
      %dma_start3A_519 = arith.constant 0 : i32
      %dma_start3A_520 = arith.constant 0 : i32
      %dma_start3A_521 = tpu.memref_slice %arg10[%dma_start3A_518, %dma_start3A_519, %dma_start3A_520] : memref<4x32x128xf32, #tpu.memory_space<vmem>> -> memref<1x32x128xf32, #tpu.memory_space<vmem>>
      %dma_start3A_522 = tpu.memref_squeeze %dma_start3A_521 : memref<1x32x128xf32, #tpu.memory_space<vmem>> -> memref<32x128xf32, #tpu.memory_space<vmem>>
      %dma_start3A_523 = arith.constant 0 : i32
      %dma_start3A_524 = tpu.memref_slice %arg5[%dma_start3A_523, %multiple_of3A_504] : memref<32x1000000xf32, #tpu.memory_space<hbm>> -> memref<32x128xf32, #tpu.memory_space<hbm>>
      %dma_start3A_525 = arith.constant 0 : i32
      %dma_start3A_526 = arith.constant 0 : i32
      %dma_start3A_527 = tpu.memref_slice %arg10[%dma_start3A_518, %dma_start3A_525, %dma_start3A_526] : memref<4x32x128xf32, #tpu.memory_space<vmem>> -> memref<1x32x128xf32, #tpu.memory_space<vmem>>
      %dma_start3A_528 = tpu.memref_squeeze %dma_start3A_527 : memref<1x32x128xf32, #tpu.memory_space<vmem>> -> memref<32x128xf32, #tpu.memory_space<vmem>>
      %dma_start3A_529 = arith.constant 0 : i32
      %dma_start3A_530 = tpu.memref_slice %arg5[%dma_start3A_529, %multiple_of3A_504] : memref<32x1000000xf32, #tpu.memory_space<hbm>> -> memref<32x128xf32, #tpu.memory_space<hbm>>
      tpu.enqueue_dma source(%dma_start3A_530 : memref<32x128xf32, #tpu.memory_space<hbm>>) target(%dma_start3A_528 : memref<32x128xf32, #tpu.memory_space<vmem>>) target_semaphore(%arg13 : memref<!tpu.dma_semaphore, #tpu.memory_space<semaphore_mem>>)
      %slice3A_531 = vector.extract_strided_slice %get3A_27 {offsets = [5], sizes = [1], strides = [1]} : vector<16xi32> to vector<1xi32>
      %squeeze3A_532 = vector.extract %slice3A_531[0] : i32 from vector<1xi32>
      %shift_right_arithmetic3A_533 = arith.constant 7 : i32
      %shift_right_arithmetic3A_534 = arith.shrsi %squeeze3A_532, %shift_right_arithmetic3A_533 : i32
      %shift_left3A_535 = arith.constant 7 : i32
      %shift_left3A_536 = arith.shli %shift_right_arithmetic3A_534, %shift_left3A_535 : i32
      %multiple_of3A_537 = tpu.assume_multiple %shift_left3A_536, 128 : i32
      %slice3A_538 = vector.extract_strided_slice %get3A_29 {offsets = [5], sizes = [1], strides = [1]} : vector<16xi32> to vector<1xi32>
      %squeeze3A_539 = vector.extract %slice3A_538[0] : i32 from vector<1xi32>
      %shift_right_arithmetic3A_540 = arith.constant 7 : i32
      %shift_right_arithmetic3A_541 = arith.shrsi %squeeze3A_539, %shift_right_arithmetic3A_540 : i32
      %shift_left3A_542 = arith.constant 7 : i32
      %shift_left3A_543 = arith.shli %shift_right_arithmetic3A_541, %shift_left3A_542 : i32
      %multiple_of3A_544 = tpu.assume_multiple %shift_left3A_543, 128 : i32
      %dma_start3A_545 = arith.constant 1 : i32
      %dma_start3A_546 = arith.constant 0 : i32
      %dma_start3A_547 = arith.constant 0 : i32
      %dma_start3A_548 = tpu.memref_slice %arg9[%dma_start3A_545, %dma_start3A_546, %dma_start3A_547] : memref<4x32x128xf32, #tpu.memory_space<vmem>> -> memref<1x32x128xf32, #tpu.memory_space<vmem>>
      %dma_start3A_549 = tpu.memref_squeeze %dma_start3A_548 : memref<1x32x128xf32, #tpu.memory_space<vmem>> -> memref<32x128xf32, #tpu.memory_space<vmem>>
      %dma_start3A_550 = arith.constant 0 : i32
      %dma_start3A_551 = tpu.memref_slice %arg4[%dma_start3A_550, %multiple_of3A_537] : memref<32x1000000xf32, #tpu.memory_space<hbm>> -> memref<32x128xf32, #tpu.memory_space<hbm>>
      %dma_start3A_552 = arith.constant 0 : i32
      %dma_start3A_553 = arith.constant 0 : i32
      %dma_start3A_554 = tpu.memref_slice %arg9[%dma_start3A_545, %dma_start3A_552, %dma_start3A_553] : memref<4x32x128xf32, #tpu.memory_space<vmem>> -> memref<1x32x128xf32, #tpu.memory_space<vmem>>
      %dma_start3A_555 = tpu.memref_squeeze %dma_start3A_554 : memref<1x32x128xf32, #tpu.memory_space<vmem>> -> memref<32x128xf32, #tpu.memory_space<vmem>>
      %dma_start3A_556 = arith.constant 0 : i32
      %dma_start3A_557 = tpu.memref_slice %arg4[%dma_start3A_556, %multiple_of3A_537] : memref<32x1000000xf32, #tpu.memory_space<hbm>> -> memref<32x128xf32, #tpu.memory_space<hbm>>
      tpu.enqueue_dma source(%dma_start3A_557 : memref<32x128xf32, #tpu.memory_space<hbm>>) target(%dma_start3A_555 : memref<32x128xf32, #tpu.memory_space<vmem>>) target_semaphore(%arg13 : memref<!tpu.dma_semaphore, #tpu.memory_space<semaphore_mem>>)
      %dma_start3A_558 = arith.constant 1 : i32
      %dma_start3A_559 = arith.constant 0 : i32
      %dma_start3A_560 = arith.constant 0 : i32
      %dma_start3A_561 = tpu.memref_slice %arg10[%dma_start3A_558, %dma_start3A_559, %dma_start3A_560] : memref<4x32x128xf32, #tpu.memory_space<vmem>> -> memref<1x32x128xf32, #tpu.memory_space<vmem>>
      %dma_start3A_562 = tpu.memref_squeeze %dma_start3A_561 : memref<1x32x128xf32, #tpu.memory_space<vmem>> -> memref<32x128xf32, #tpu.memory_space<vmem>>
      %dma_start3A_563 = arith.constant 0 : i32
      %dma_start3A_564 = tpu.memref_slice %arg5[%dma_start3A_563, %multiple_of3A_544] : memref<32x1000000xf32, #tpu.memory_space<hbm>> -> memref<32x128xf32, #tpu.memory_space<hbm>>
      %dma_start3A_565 = arith.constant 0 : i32
      %dma_start3A_566 = arith.constant 0 : i32
      %dma_start3A_567 = tpu.memref_slice %arg10[%dma_start3A_558, %dma_start3A_565, %dma_start3A_566] : memref<4x32x128xf32, #tpu.memory_space<vmem>> -> memref<1x32x128xf32, #tpu.memory_space<vmem>>
      %dma_start3A_568 = tpu.memref_squeeze %dma_start3A_567 : memref<1x32x128xf32, #tpu.memory_space<vmem>> -> memref<32x128xf32, #tpu.memory_space<vmem>>
      %dma_start3A_569 = arith.constant 0 : i32
      %dma_start3A_570 = tpu.memref_slice %arg5[%dma_start3A_569, %multiple_of3A_544] : memref<32x1000000xf32, #tpu.memory_space<hbm>> -> memref<32x128xf32, #tpu.memory_space<hbm>>
      tpu.enqueue_dma source(%dma_start3A_570 : memref<32x128xf32, #tpu.memory_space<hbm>>) target(%dma_start3A_568 : memref<32x128xf32, #tpu.memory_space<vmem>>) target_semaphore(%arg13 : memref<!tpu.dma_semaphore, #tpu.memory_space<semaphore_mem>>)
      %slice3A_571 = vector.extract_strided_slice %get3A_27 {offsets = [6], sizes = [1], strides = [1]} : vector<16xi32> to vector<1xi32>
      %squeeze3A_572 = vector.extract %slice3A_571[0] : i32 from vector<1xi32>
      %shift_right_arithmetic3A_573 = arith.constant 7 : i32
      %shift_right_arithmetic3A_574 = arith.shrsi %squeeze3A_572, %shift_right_arithmetic3A_573 : i32
      %shift_left3A_575 = arith.constant 7 : i32
      %shift_left3A_576 = arith.shli %shift_right_arithmetic3A_574, %shift_left3A_575 : i32
      %multiple_of3A_577 = tpu.assume_multiple %shift_left3A_576, 128 : i32
      %slice3A_578 = vector.extract_strided_slice %get3A_29 {offsets = [6], sizes = [1], strides = [1]} : vector<16xi32> to vector<1xi32>
      %squeeze3A_579 = vector.extract %slice3A_578[0] : i32 from vector<1xi32>
      %shift_right_arithmetic3A_580 = arith.constant 7 : i32
      %shift_right_arithmetic3A_581 = arith.shrsi %squeeze3A_579, %shift_right_arithmetic3A_580 : i32
      %shift_left3A_582 = arith.constant 7 : i32
      %shift_left3A_583 = arith.shli %shift_right_arithmetic3A_581, %shift_left3A_582 : i32
      %multiple_of3A_584 = tpu.assume_multiple %shift_left3A_583, 128 : i32
      %dma_start3A_585 = arith.constant 2 : i32
      %dma_start3A_586 = arith.constant 0 : i32
      %dma_start3A_587 = arith.constant 0 : i32
      %dma_start3A_588 = tpu.memref_slice %arg9[%dma_start3A_585, %dma_start3A_586, %dma_start3A_587] : memref<4x32x128xf32, #tpu.memory_space<vmem>> -> memref<1x32x128xf32, #tpu.memory_space<vmem>>
      %dma_start3A_589 = tpu.memref_squeeze %dma_start3A_588 : memref<1x32x128xf32, #tpu.memory_space<vmem>> -> memref<32x128xf32, #tpu.memory_space<vmem>>
      %dma_start3A_590 = arith.constant 0 : i32
      %dma_start3A_591 = tpu.memref_slice %arg4[%dma_start3A_590, %multiple_of3A_577] : memref<32x1000000xf32, #tpu.memory_space<hbm>> -> memref<32x128xf32, #tpu.memory_space<hbm>>
      %dma_start3A_592 = arith.constant 0 : i32
      %dma_start3A_593 = arith.constant 0 : i32
      %dma_start3A_594 = tpu.memref_slice %arg9[%dma_start3A_585, %dma_start3A_592, %dma_start3A_593] : memref<4x32x128xf32, #tpu.memory_space<vmem>> -> memref<1x32x128xf32, #tpu.memory_space<vmem>>
      %dma_start3A_595 = tpu.memref_squeeze %dma_start3A_594 : memref<1x32x128xf32, #tpu.memory_space<vmem>> -> memref<32x128xf32, #tpu.memory_space<vmem>>
      %dma_start3A_596 = arith.constant 0 : i32
      %dma_start3A_597 = tpu.memref_slice %arg4[%dma_start3A_596, %multiple_of3A_577] : memref<32x1000000xf32, #tpu.memory_space<hbm>> -> memref<32x128xf32, #tpu.memory_space<hbm>>
      tpu.enqueue_dma source(%dma_start3A_597 : memref<32x128xf32, #tpu.memory_space<hbm>>) target(%dma_start3A_595 : memref<32x128xf32, #tpu.memory_space<vmem>>) target_semaphore(%arg13 : memref<!tpu.dma_semaphore, #tpu.memory_space<semaphore_mem>>)
      %dma_start3A_598 = arith.constant 2 : i32
      %dma_start3A_599 = arith.constant 0 : i32
      %dma_start3A_600 = arith.constant 0 : i32
      %dma_start3A_601 = tpu.memref_slice %arg10[%dma_start3A_598, %dma_start3A_599, %dma_start3A_600] : memref<4x32x128xf32, #tpu.memory_space<vmem>> -> memref<1x32x128xf32, #tpu.memory_space<vmem>>
      %dma_start3A_602 = tpu.memref_squeeze %dma_start3A_601 : memref<1x32x128xf32, #tpu.memory_space<vmem>> -> memref<32x128xf32, #tpu.memory_space<vmem>>
      %dma_start3A_603 = arith.constant 0 : i32
      %dma_start3A_604 = tpu.memref_slice %arg5[%dma_start3A_603, %multiple_of3A_584] : memref<32x1000000xf32, #tpu.memory_space<hbm>> -> memref<32x128xf32, #tpu.memory_space<hbm>>
      %dma_start3A_605 = arith.constant 0 : i32
      %dma_start3A_606 = arith.constant 0 : i32
      %dma_start3A_607 = tpu.memref_slice %arg10[%dma_start3A_598, %dma_start3A_605, %dma_start3A_606] : memref<4x32x128xf32, #tpu.memory_space<vmem>> -> memref<1x32x128xf32, #tpu.memory_space<vmem>>
      %dma_start3A_608 = tpu.memref_squeeze %dma_start3A_607 : memref<1x32x128xf32, #tpu.memory_space<vmem>> -> memref<32x128xf32, #tpu.memory_space<vmem>>
      %dma_start3A_609 = arith.constant 0 : i32
      %dma_start3A_610 = tpu.memref_slice %arg5[%dma_start3A_609, %multiple_of3A_584] : memref<32x1000000xf32, #tpu.memory_space<hbm>> -> memref<32x128xf32, #tpu.memory_space<hbm>>
      tpu.enqueue_dma source(%dma_start3A_610 : memref<32x128xf32, #tpu.memory_space<hbm>>) target(%dma_start3A_608 : memref<32x128xf32, #tpu.memory_space<vmem>>) target_semaphore(%arg13 : memref<!tpu.dma_semaphore, #tpu.memory_space<semaphore_mem>>)
      %slice3A_611 = vector.extract_strided_slice %get3A_27 {offsets = [7], sizes = [1], strides = [1]} : vector<16xi32> to vector<1xi32>
      %squeeze3A_612 = vector.extract %slice3A_611[0] : i32 from vector<1xi32>
      %shift_right_arithmetic3A_613 = arith.constant 7 : i32
      %shift_right_arithmetic3A_614 = arith.shrsi %squeeze3A_612, %shift_right_arithmetic3A_613 : i32
      %shift_left3A_615 = arith.constant 7 : i32
      %shift_left3A_616 = arith.shli %shift_right_arithmetic3A_614, %shift_left3A_615 : i32
      %multiple_of3A_617 = tpu.assume_multiple %shift_left3A_616, 128 : i32
      %slice3A_618 = vector.extract_strided_slice %get3A_29 {offsets = [7], sizes = [1], strides = [1]} : vector<16xi32> to vector<1xi32>
      %squeeze3A_619 = vector.extract %slice3A_618[0] : i32 from vector<1xi32>
      %shift_right_arithmetic3A_620 = arith.constant 7 : i32
      %shift_right_arithmetic3A_621 = arith.shrsi %squeeze3A_619, %shift_right_arithmetic3A_620 : i32
      %shift_left3A_622 = arith.constant 7 : i32
      %shift_left3A_623 = arith.shli %shift_right_arithmetic3A_621, %shift_left3A_622 : i32
      %multiple_of3A_624 = tpu.assume_multiple %shift_left3A_623, 128 : i32
      %dma_start3A_625 = arith.constant 3 : i32
      %dma_start3A_626 = arith.constant 0 : i32
      %dma_start3A_627 = arith.constant 0 : i32
      %dma_start3A_628 = tpu.memref_slice %arg9[%dma_start3A_625, %dma_start3A_626, %dma_start3A_627] : memref<4x32x128xf32, #tpu.memory_space<vmem>> -> memref<1x32x128xf32, #tpu.memory_space<vmem>>
      %dma_start3A_629 = tpu.memref_squeeze %dma_start3A_628 : memref<1x32x128xf32, #tpu.memory_space<vmem>> -> memref<32x128xf32, #tpu.memory_space<vmem>>
      %dma_start3A_630 = arith.constant 0 : i32
      %dma_start3A_631 = tpu.memref_slice %arg4[%dma_start3A_630, %multiple_of3A_617] : memref<32x1000000xf32, #tpu.memory_space<hbm>> -> memref<32x128xf32, #tpu.memory_space<hbm>>
      %dma_start3A_632 = arith.constant 0 : i32
      %dma_start3A_633 = arith.constant 0 : i32
      %dma_start3A_634 = tpu.memref_slice %arg9[%dma_start3A_625, %dma_start3A_632, %dma_start3A_633] : memref<4x32x128xf32, #tpu.memory_space<vmem>> -> memref<1x32x128xf32, #tpu.memory_space<vmem>>
      %dma_start3A_635 = tpu.memref_squeeze %dma_start3A_634 : memref<1x32x128xf32, #tpu.memory_space<vmem>> -> memref<32x128xf32, #tpu.memory_space<vmem>>
      %dma_start3A_636 = arith.constant 0 : i32
      %dma_start3A_637 = tpu.memref_slice %arg4[%dma_start3A_636, %multiple_of3A_617] : memref<32x1000000xf32, #tpu.memory_space<hbm>> -> memref<32x128xf32, #tpu.memory_space<hbm>>
      tpu.enqueue_dma source(%dma_start3A_637 : memref<32x128xf32, #tpu.memory_space<hbm>>) target(%dma_start3A_635 : memref<32x128xf32, #tpu.memory_space<vmem>>) target_semaphore(%arg13 : memref<!tpu.dma_semaphore, #tpu.memory_space<semaphore_mem>>)
      %dma_start3A_638 = arith.constant 3 : i32
      %dma_start3A_639 = arith.constant 0 : i32
      %dma_start3A_640 = arith.constant 0 : i32
      %dma_start3A_641 = tpu.memref_slice %arg10[%dma_start3A_638, %dma_start3A_639, %dma_start3A_640] : memref<4x32x128xf32, #tpu.memory_space<vmem>> -> memref<1x32x128xf32, #tpu.memory_space<vmem>>
      %dma_start3A_642 = tpu.memref_squeeze %dma_start3A_641 : memref<1x32x128xf32, #tpu.memory_space<vmem>> -> memref<32x128xf32, #tpu.memory_space<vmem>>
      %dma_start3A_643 = arith.constant 0 : i32
      %dma_start3A_644 = tpu.memref_slice %arg5[%dma_start3A_643, %multiple_of3A_624] : memref<32x1000000xf32, #tpu.memory_space<hbm>> -> memref<32x128xf32, #tpu.memory_space<hbm>>
      %dma_start3A_645 = arith.constant 0 : i32
      %dma_start3A_646 = arith.constant 0 : i32
      %dma_start3A_647 = tpu.memref_slice %arg10[%dma_start3A_638, %dma_start3A_645, %dma_start3A_646] : memref<4x32x128xf32, #tpu.memory_space<vmem>> -> memref<1x32x128xf32, #tpu.memory_space<vmem>>
      %dma_start3A_648 = tpu.memref_squeeze %dma_start3A_647 : memref<1x32x128xf32, #tpu.memory_space<vmem>> -> memref<32x128xf32, #tpu.memory_space<vmem>>
      %dma_start3A_649 = arith.constant 0 : i32
      %dma_start3A_650 = tpu.memref_slice %arg5[%dma_start3A_649, %multiple_of3A_624] : memref<32x1000000xf32, #tpu.memory_space<hbm>> -> memref<32x128xf32, #tpu.memory_space<hbm>>
      tpu.enqueue_dma source(%dma_start3A_650 : memref<32x128xf32, #tpu.memory_space<hbm>>) target(%dma_start3A_648 : memref<32x128xf32, #tpu.memory_space<vmem>>) target_semaphore(%arg13 : memref<!tpu.dma_semaphore, #tpu.memory_space<semaphore_mem>>)
      %dma_wait3A_651 = arith.constant 0 : i32
      %dma_wait3A_652 = arith.constant 0 : i32
      %dma_wait3A_653 = arith.constant 0 : i32
      %dma_wait3A_654 = tpu.memref_slice %arg9[%dma_wait3A_651, %dma_wait3A_652, %dma_wait3A_653] : memref<4x32x128xf32, #tpu.memory_space<vmem>> -> memref<1x32x128xf32, #tpu.memory_space<vmem>>
      %dma_wait3A_655 = tpu.memref_squeeze %dma_wait3A_654 : memref<1x32x128xf32, #tpu.memory_space<vmem>> -> memref<32x128xf32, #tpu.memory_space<vmem>>
      %dma_wait3A_656 = arith.constant 0 : i32
      %dma_wait3A_657 = tpu.memref_slice %arg4[%dma_wait3A_656, %multiple_of3A_497] : memref<32x1000000xf32, #tpu.memory_space<hbm>> -> memref<32x128xf32, #tpu.memory_space<hbm>>
      %dma_wait3A_658 = arith.constant 0 : i32
      %dma_wait3A_659 = arith.constant 0 : i32
      %dma_wait3A_660 = tpu.memref_slice %arg9[%dma_wait3A_651, %dma_wait3A_658, %dma_wait3A_659] : memref<4x32x128xf32, #tpu.memory_space<vmem>> -> memref<1x32x128xf32, #tpu.memory_space<vmem>>
      %dma_wait3A_661 = tpu.memref_squeeze %dma_wait3A_660 : memref<1x32x128xf32, #tpu.memory_space<vmem>> -> memref<32x128xf32, #tpu.memory_space<vmem>>
      %dma_wait3A_662 = arith.constant 0 : i32
      %dma_wait3A_663 = tpu.memref_slice %arg4[%dma_wait3A_662, %multiple_of3A_497] : memref<32x1000000xf32, #tpu.memory_space<hbm>> -> memref<32x128xf32, #tpu.memory_space<hbm>>
      tpu.wait_dma2 semaphore(%arg13 : memref<!tpu.dma_semaphore, #tpu.memory_space<semaphore_mem>>) src(%dma_wait3A_663 : memref<32x128xf32, #tpu.memory_space<hbm>>) dst(%dma_wait3A_661 : memref<32x128xf32, #tpu.memory_space<vmem>>)
      %dma_wait3A_664 = arith.constant 0 : i32
      %dma_wait3A_665 = arith.constant 0 : i32
      %dma_wait3A_666 = arith.constant 0 : i32
      %dma_wait3A_667 = tpu.memref_slice %arg10[%dma_wait3A_664, %dma_wait3A_665, %dma_wait3A_666] : memref<4x32x128xf32, #tpu.memory_space<vmem>> -> memref<1x32x128xf32, #tpu.memory_space<vmem>>
      %dma_wait3A_668 = tpu.memref_squeeze %dma_wait3A_667 : memref<1x32x128xf32, #tpu.memory_space<vmem>> -> memref<32x128xf32, #tpu.memory_space<vmem>>
      %dma_wait3A_669 = arith.constant 0 : i32
      %dma_wait3A_670 = tpu.memref_slice %arg5[%dma_wait3A_669, %multiple_of3A_504] : memref<32x1000000xf32, #tpu.memory_space<hbm>> -> memref<32x128xf32, #tpu.memory_space<hbm>>
      %dma_wait3A_671 = arith.constant 0 : i32
      %dma_wait3A_672 = arith.constant 0 : i32
      %dma_wait3A_673 = tpu.memref_slice %arg10[%dma_wait3A_664, %dma_wait3A_671, %dma_wait3A_672] : memref<4x32x128xf32, #tpu.memory_space<vmem>> -> memref<1x32x128xf32, #tpu.memory_space<vmem>>
      %dma_wait3A_674 = tpu.memref_squeeze %dma_wait3A_673 : memref<1x32x128xf32, #tpu.memory_space<vmem>> -> memref<32x128xf32, #tpu.memory_space<vmem>>
      %dma_wait3A_675 = arith.constant 0 : i32
      %dma_wait3A_676 = tpu.memref_slice %arg5[%dma_wait3A_675, %multiple_of3A_504] : memref<32x1000000xf32, #tpu.memory_space<hbm>> -> memref<32x128xf32, #tpu.memory_space<hbm>>
      tpu.wait_dma2 semaphore(%arg13 : memref<!tpu.dma_semaphore, #tpu.memory_space<semaphore_mem>>) src(%dma_wait3A_676 : memref<32x128xf32, #tpu.memory_space<hbm>>) dst(%dma_wait3A_674 : memref<32x128xf32, #tpu.memory_space<vmem>>)
      %dma_wait3A_677 = arith.constant 1 : i32
      %dma_wait3A_678 = arith.constant 0 : i32
      %dma_wait3A_679 = arith.constant 0 : i32
      %dma_wait3A_680 = tpu.memref_slice %arg9[%dma_wait3A_677, %dma_wait3A_678, %dma_wait3A_679] : memref<4x32x128xf32, #tpu.memory_space<vmem>> -> memref<1x32x128xf32, #tpu.memory_space<vmem>>
      %dma_wait3A_681 = tpu.memref_squeeze %dma_wait3A_680 : memref<1x32x128xf32, #tpu.memory_space<vmem>> -> memref<32x128xf32, #tpu.memory_space<vmem>>
      %dma_wait3A_682 = arith.constant 0 : i32
      %dma_wait3A_683 = tpu.memref_slice %arg4[%dma_wait3A_682, %multiple_of3A_537] : memref<32x1000000xf32, #tpu.memory_space<hbm>> -> memref<32x128xf32, #tpu.memory_space<hbm>>
      %dma_wait3A_684 = arith.constant 0 : i32
      %dma_wait3A_685 = arith.constant 0 : i32
      %dma_wait3A_686 = tpu.memref_slice %arg9[%dma_wait3A_677, %dma_wait3A_684, %dma_wait3A_685] : memref<4x32x128xf32, #tpu.memory_space<vmem>> -> memref<1x32x128xf32, #tpu.memory_space<vmem>>
      %dma_wait3A_687 = tpu.memref_squeeze %dma_wait3A_686 : memref<1x32x128xf32, #tpu.memory_space<vmem>> -> memref<32x128xf32, #tpu.memory_space<vmem>>
      %dma_wait3A_688 = arith.constant 0 : i32
      %dma_wait3A_689 = tpu.memref_slice %arg4[%dma_wait3A_688, %multiple_of3A_537] : memref<32x1000000xf32, #tpu.memory_space<hbm>> -> memref<32x128xf32, #tpu.memory_space<hbm>>
      tpu.wait_dma2 semaphore(%arg13 : memref<!tpu.dma_semaphore, #tpu.memory_space<semaphore_mem>>) src(%dma_wait3A_689 : memref<32x128xf32, #tpu.memory_space<hbm>>) dst(%dma_wait3A_687 : memref<32x128xf32, #tpu.memory_space<vmem>>)
      %dma_wait3A_690 = arith.constant 1 : i32
      %dma_wait3A_691 = arith.constant 0 : i32
      %dma_wait3A_692 = arith.constant 0 : i32
      %dma_wait3A_693 = tpu.memref_slice %arg10[%dma_wait3A_690, %dma_wait3A_691, %dma_wait3A_692] : memref<4x32x128xf32, #tpu.memory_space<vmem>> -> memref<1x32x128xf32, #tpu.memory_space<vmem>>
      %dma_wait3A_694 = tpu.memref_squeeze %dma_wait3A_693 : memref<1x32x128xf32, #tpu.memory_space<vmem>> -> memref<32x128xf32, #tpu.memory_space<vmem>>
      %dma_wait3A_695 = arith.constant 0 : i32
      %dma_wait3A_696 = tpu.memref_slice %arg5[%dma_wait3A_695, %multiple_of3A_544] : memref<32x1000000xf32, #tpu.memory_space<hbm>> -> memref<32x128xf32, #tpu.memory_space<hbm>>
      %dma_wait3A_697 = arith.constant 0 : i32
      %dma_wait3A_698 = arith.constant 0 : i32
      %dma_wait3A_699 = tpu.memref_slice %arg10[%dma_wait3A_690, %dma_wait3A_697, %dma_wait3A_698] : memref<4x32x128xf32, #tpu.memory_space<vmem>> -> memref<1x32x128xf32, #tpu.memory_space<vmem>>
      %dma_wait3A_700 = tpu.memref_squeeze %dma_wait3A_699 : memref<1x32x128xf32, #tpu.memory_space<vmem>> -> memref<32x128xf32, #tpu.memory_space<vmem>>
      %dma_wait3A_701 = arith.constant 0 : i32
      %dma_wait3A_702 = tpu.memref_slice %arg5[%dma_wait3A_701, %multiple_of3A_544] : memref<32x1000000xf32, #tpu.memory_space<hbm>> -> memref<32x128xf32, #tpu.memory_space<hbm>>
      tpu.wait_dma2 semaphore(%arg13 : memref<!tpu.dma_semaphore, #tpu.memory_space<semaphore_mem>>) src(%dma_wait3A_702 : memref<32x128xf32, #tpu.memory_space<hbm>>) dst(%dma_wait3A_700 : memref<32x128xf32, #tpu.memory_space<vmem>>)
      %dma_wait3A_703 = arith.constant 2 : i32
      %dma_wait3A_704 = arith.constant 0 : i32
      %dma_wait3A_705 = arith.constant 0 : i32
      %dma_wait3A_706 = tpu.memref_slice %arg9[%dma_wait3A_703, %dma_wait3A_704, %dma_wait3A_705] : memref<4x32x128xf32, #tpu.memory_space<vmem>> -> memref<1x32x128xf32, #tpu.memory_space<vmem>>
      %dma_wait3A_707 = tpu.memref_squeeze %dma_wait3A_706 : memref<1x32x128xf32, #tpu.memory_space<vmem>> -> memref<32x128xf32, #tpu.memory_space<vmem>>
      %dma_wait3A_708 = arith.constant 0 : i32
      %dma_wait3A_709 = tpu.memref_slice %arg4[%dma_wait3A_708, %multiple_of3A_577] : memref<32x1000000xf32, #tpu.memory_space<hbm>> -> memref<32x128xf32, #tpu.memory_space<hbm>>
      %dma_wait3A_710 = arith.constant 0 : i32
      %dma_wait3A_711 = arith.constant 0 : i32
      %dma_wait3A_712 = tpu.memref_slice %arg9[%dma_wait3A_703, %dma_wait3A_710, %dma_wait3A_711] : memref<4x32x128xf32, #tpu.memory_space<vmem>> -> memref<1x32x128xf32, #tpu.memory_space<vmem>>
      %dma_wait3A_713 = tpu.memref_squeeze %dma_wait3A_712 : memref<1x32x128xf32, #tpu.memory_space<vmem>> -> memref<32x128xf32, #tpu.memory_space<vmem>>
      %dma_wait3A_714 = arith.constant 0 : i32
      %dma_wait3A_715 = tpu.memref_slice %arg4[%dma_wait3A_714, %multiple_of3A_577] : memref<32x1000000xf32, #tpu.memory_space<hbm>> -> memref<32x128xf32, #tpu.memory_space<hbm>>
      tpu.wait_dma2 semaphore(%arg13 : memref<!tpu.dma_semaphore, #tpu.memory_space<semaphore_mem>>) src(%dma_wait3A_715 : memref<32x128xf32, #tpu.memory_space<hbm>>) dst(%dma_wait3A_713 : memref<32x128xf32, #tpu.memory_space<vmem>>)
      %dma_wait3A_716 = arith.constant 2 : i32
      %dma_wait3A_717 = arith.constant 0 : i32
      %dma_wait3A_718 = arith.constant 0 : i32
      %dma_wait3A_719 = tpu.memref_slice %arg10[%dma_wait3A_716, %dma_wait3A_717, %dma_wait3A_718] : memref<4x32x128xf32, #tpu.memory_space<vmem>> -> memref<1x32x128xf32, #tpu.memory_space<vmem>>
      %dma_wait3A_720 = tpu.memref_squeeze %dma_wait3A_719 : memref<1x32x128xf32, #tpu.memory_space<vmem>> -> memref<32x128xf32, #tpu.memory_space<vmem>>
      %dma_wait3A_721 = arith.constant 0 : i32
      %dma_wait3A_722 = tpu.memref_slice %arg5[%dma_wait3A_721, %multiple_of3A_584] : memref<32x1000000xf32, #tpu.memory_space<hbm>> -> memref<32x128xf32, #tpu.memory_space<hbm>>
      %dma_wait3A_723 = arith.constant 0 : i32
      %dma_wait3A_724 = arith.constant 0 : i32
      %dma_wait3A_725 = tpu.memref_slice %arg10[%dma_wait3A_716, %dma_wait3A_723, %dma_wait3A_724] : memref<4x32x128xf32, #tpu.memory_space<vmem>> -> memref<1x32x128xf32, #tpu.memory_space<vmem>>
      %dma_wait3A_726 = tpu.memref_squeeze %dma_wait3A_725 : memref<1x32x128xf32, #tpu.memory_space<vmem>> -> memref<32x128xf32, #tpu.memory_space<vmem>>
      %dma_wait3A_727 = arith.constant 0 : i32
      %dma_wait3A_728 = tpu.memref_slice %arg5[%dma_wait3A_727, %multiple_of3A_584] : memref<32x1000000xf32, #tpu.memory_space<hbm>> -> memref<32x128xf32, #tpu.memory_space<hbm>>
      tpu.wait_dma2 semaphore(%arg13 : memref<!tpu.dma_semaphore, #tpu.memory_space<semaphore_mem>>) src(%dma_wait3A_728 : memref<32x128xf32, #tpu.memory_space<hbm>>) dst(%dma_wait3A_726 : memref<32x128xf32, #tpu.memory_space<vmem>>)
      %dma_wait3A_729 = arith.constant 3 : i32
      %dma_wait3A_730 = arith.constant 0 : i32
      %dma_wait3A_731 = arith.constant 0 : i32
      %dma_wait3A_732 = tpu.memref_slice %arg9[%dma_wait3A_729, %dma_wait3A_730, %dma_wait3A_731] : memref<4x32x128xf32, #tpu.memory_space<vmem>> -> memref<1x32x128xf32, #tpu.memory_space<vmem>>
      %dma_wait3A_733 = tpu.memref_squeeze %dma_wait3A_732 : memref<1x32x128xf32, #tpu.memory_space<vmem>> -> memref<32x128xf32, #tpu.memory_space<vmem>>
      %dma_wait3A_734 = arith.constant 0 : i32
      %dma_wait3A_735 = tpu.memref_slice %arg4[%dma_wait3A_734, %multiple_of3A_617] : memref<32x1000000xf32, #tpu.memory_space<hbm>> -> memref<32x128xf32, #tpu.memory_space<hbm>>
      %dma_wait3A_736 = arith.constant 0 : i32
      %dma_wait3A_737 = arith.constant 0 : i32
      %dma_wait3A_738 = tpu.memref_slice %arg9[%dma_wait3A_729, %dma_wait3A_736, %dma_wait3A_737] : memref<4x32x128xf32, #tpu.memory_space<vmem>> -> memref<1x32x128xf32, #tpu.memory_space<vmem>>
      %dma_wait3A_739 = tpu.memref_squeeze %dma_wait3A_738 : memref<1x32x128xf32, #tpu.memory_space<vmem>> -> memref<32x128xf32, #tpu.memory_space<vmem>>
      %dma_wait3A_740 = arith.constant 0 : i32
      %dma_wait3A_741 = tpu.memref_slice %arg4[%dma_wait3A_740, %multiple_of3A_617] : memref<32x1000000xf32, #tpu.memory_space<hbm>> -> memref<32x128xf32, #tpu.memory_space<hbm>>
      tpu.wait_dma2 semaphore(%arg13 : memref<!tpu.dma_semaphore, #tpu.memory_space<semaphore_mem>>) src(%dma_wait3A_741 : memref<32x128xf32, #tpu.memory_space<hbm>>) dst(%dma_wait3A_739 : memref<32x128xf32, #tpu.memory_space<vmem>>)
      %dma_wait3A_742 = arith.constant 3 : i32
      %dma_wait3A_743 = arith.constant 0 : i32
      %dma_wait3A_744 = arith.constant 0 : i32
      %dma_wait3A_745 = tpu.memref_slice %arg10[%dma_wait3A_742, %dma_wait3A_743, %dma_wait3A_744] : memref<4x32x128xf32, #tpu.memory_space<vmem>> -> memref<1x32x128xf32, #tpu.memory_space<vmem>>
      %dma_wait3A_746 = tpu.memref_squeeze %dma_wait3A_745 : memref<1x32x128xf32, #tpu.memory_space<vmem>> -> memref<32x128xf32, #tpu.memory_space<vmem>>
      %dma_wait3A_747 = arith.constant 0 : i32
      %dma_wait3A_748 = tpu.memref_slice %arg5[%dma_wait3A_747, %multiple_of3A_624] : memref<32x1000000xf32, #tpu.memory_space<hbm>> -> memref<32x128xf32, #tpu.memory_space<hbm>>
      %dma_wait3A_749 = arith.constant 0 : i32
      %dma_wait3A_750 = arith.constant 0 : i32
      %dma_wait3A_751 = tpu.memref_slice %arg10[%dma_wait3A_742, %dma_wait3A_749, %dma_wait3A_750] : memref<4x32x128xf32, #tpu.memory_space<vmem>> -> memref<1x32x128xf32, #tpu.memory_space<vmem>>
      %dma_wait3A_752 = tpu.memref_squeeze %dma_wait3A_751 : memref<1x32x128xf32, #tpu.memory_space<vmem>> -> memref<32x128xf32, #tpu.memory_space<vmem>>
      %dma_wait3A_753 = arith.constant 0 : i32
      %dma_wait3A_754 = tpu.memref_slice %arg5[%dma_wait3A_753, %multiple_of3A_624] : memref<32x1000000xf32, #tpu.memory_space<hbm>> -> memref<32x128xf32, #tpu.memory_space<hbm>>
      tpu.wait_dma2 semaphore(%arg13 : memref<!tpu.dma_semaphore, #tpu.memory_space<semaphore_mem>>) src(%dma_wait3A_754 : memref<32x128xf32, #tpu.memory_space<hbm>>) dst(%dma_wait3A_752 : memref<32x128xf32, #tpu.memory_space<vmem>>)
      %slice3A_755 = vector.extract_strided_slice %and3A_31 {offsets = [4], sizes = [1], strides = [1]} : vector<16xi32> to vector<1xi32>
      %squeeze3A_756 = vector.extract %slice3A_755[0] : i32 from vector<1xi32>
      %broadcast_in_dim3A_757 = vector.broadcast %squeeze3A_756 : i32 to vector<16xi32>
      %slice3A_758 = vector.extract_strided_slice %and3A_34 {offsets = [4], sizes = [1], strides = [1]} : vector<16xi32> to vector<1xi32>
      %squeeze3A_759 = vector.extract %slice3A_758[0] : i32 from vector<1xi32>
      %broadcast_in_dim3A_760 = vector.broadcast %squeeze3A_759 : i32 to vector<16xi32>
      %gather3A_761 = arith.constant 0 : i32
      %gather3A_762 = arith.constant 0 : i32
      %gather3A_763 = arith.constant 0 : i32
      %gather3A_764 = tpu.memref_slice %arg9[%gather3A_761, %gather3A_762, %gather3A_763] : memref<4x32x128xf32, #tpu.memory_space<vmem>> -> memref<1x32x128xf32, #tpu.memory_space<vmem>>
      %gather3A_765 = tpu.memref_squeeze %gather3A_764 : memref<1x32x128xf32, #tpu.memory_space<vmem>> -> memref<32x128xf32, #tpu.memory_space<vmem>>
      %gather3A_766 = tpu.vector_load_idx %gather3A_765[%iota3A, %broadcast_in_dim3A_757] : memref<32x128xf32, #tpu.memory_space<vmem>>[vector<16xi32>, vector<16xi32>], vector<16xf32>,
      %add3A_767 = arith.constant 4 : i32
      %add3A_768 = arith.addi %mul3A_26, %add3A_767 : i32
      %swap3A_769 = arith.index_cast %add3A_768 : i32 to index
      %swap3A_770 = arith.constant 0 : index
      %swap3A_771 = tpu.vector_load %arg11[%swap3A_769, %swap3A_770] {strides = array<i32>} : memref<512x64xf32, #tpu.memory_space<vmem>>, vector<16xf32>,
      tpu.vector_store %arg11[%swap3A_769, %swap3A_770], %gather3A_766 {strides = array<i32>} : memref<512x64xf32, #tpu.memory_space<vmem>>, vector<16xf32>,
      %gather3A_772 = arith.constant 0 : i32
      %gather3A_773 = arith.constant 0 : i32
      %gather3A_774 = arith.constant 0 : i32
      %gather3A_775 = tpu.memref_slice %arg9[%gather3A_772, %gather3A_773, %gather3A_774] : memref<4x32x128xf32, #tpu.memory_space<vmem>> -> memref<1x32x128xf32, #tpu.memory_space<vmem>>
      %gather3A_776 = tpu.memref_squeeze %gather3A_775 : memref<1x32x128xf32, #tpu.memory_space<vmem>> -> memref<32x128xf32, #tpu.memory_space<vmem>>
      %gather3A_777 = tpu.vector_load_idx %gather3A_776[%add3A_11, %broadcast_in_dim3A_757] : memref<32x128xf32, #tpu.memory_space<vmem>>[vector<16xi32>, vector<16xi32>], vector<16xf32>,
      %add3A_778 = arith.constant 4 : i32
      %add3A_779 = arith.addi %mul3A_26, %add3A_778 : i32
      %swap3A_780 = arith.index_cast %add3A_779 : i32 to index
      %swap3A_781 = arith.constant 16 : index
      %swap3A_782 = tpu.vector_load %arg11[%swap3A_780, %swap3A_781] {strides = array<i32>} : memref<512x64xf32, #tpu.memory_space<vmem>>, vector<16xf32>,
      tpu.vector_store %arg11[%swap3A_780, %swap3A_781], %gather3A_777 {strides = array<i32>} : memref<512x64xf32, #tpu.memory_space<vmem>>, vector<16xf32>,
      %gather3A_783 = arith.constant 0 : i32
      %gather3A_784 = arith.constant 0 : i32
      %gather3A_785 = arith.constant 0 : i32
      %gather3A_786 = tpu.memref_slice %arg10[%gather3A_783, %gather3A_784, %gather3A_785] : memref<4x32x128xf32, #tpu.memory_space<vmem>> -> memref<1x32x128xf32, #tpu.memory_space<vmem>>
      %gather3A_787 = tpu.memref_squeeze %gather3A_786 : memref<1x32x128xf32, #tpu.memory_space<vmem>> -> memref<32x128xf32, #tpu.memory_space<vmem>>
      %gather3A_788 = tpu.vector_load_idx %gather3A_787[%iota3A, %broadcast_in_dim3A_760] : memref<32x128xf32, #tpu.memory_space<vmem>>[vector<16xi32>, vector<16xi32>], vector<16xf32>,
      %add3A_789 = arith.constant 4 : i32
      %add3A_790 = arith.addi %mul3A_26, %add3A_789 : i32
      %swap3A_791 = arith.index_cast %add3A_790 : i32 to index
      %swap3A_792 = arith.constant 32 : index
      %swap3A_793 = tpu.vector_load %arg11[%swap3A_791, %swap3A_792] {strides = array<i32>} : memref<512x64xf32, #tpu.memory_space<vmem>>, vector<16xf32>,
      tpu.vector_store %arg11[%swap3A_791, %swap3A_792], %gather3A_788 {strides = array<i32>} : memref<512x64xf32, #tpu.memory_space<vmem>>, vector<16xf32>,
      %gather3A_794 = arith.constant 0 : i32
      %gather3A_795 = arith.constant 0 : i32
      %gather3A_796 = arith.constant 0 : i32
      %gather3A_797 = tpu.memref_slice %arg10[%gather3A_794, %gather3A_795, %gather3A_796] : memref<4x32x128xf32, #tpu.memory_space<vmem>> -> memref<1x32x128xf32, #tpu.memory_space<vmem>>
      %gather3A_798 = tpu.memref_squeeze %gather3A_797 : memref<1x32x128xf32, #tpu.memory_space<vmem>> -> memref<32x128xf32, #tpu.memory_space<vmem>>
      %gather3A_799 = tpu.vector_load_idx %gather3A_798[%add3A_11, %broadcast_in_dim3A_760] : memref<32x128xf32, #tpu.memory_space<vmem>>[vector<16xi32>, vector<16xi32>], vector<16xf32>,
      %add3A_800 = arith.constant 4 : i32
      %add3A_801 = arith.addi %mul3A_26, %add3A_800 : i32
      %swap3A_802 = arith.index_cast %add3A_801 : i32 to index
      %swap3A_803 = arith.constant 48 : index
      %swap3A_804 = tpu.vector_load %arg11[%swap3A_802, %swap3A_803] {strides = array<i32>} : memref<512x64xf32, #tpu.memory_space<vmem>>, vector<16xf32>,
      tpu.vector_store %arg11[%swap3A_802, %swap3A_803], %gather3A_799 {strides = array<i32>} : memref<512x64xf32, #tpu.memory_space<vmem>>, vector<16xf32>,
      %slice3A_805 = vector.extract_strided_slice %and3A_31 {offsets = [5], sizes = [1], strides = [1]} : vector<16xi32> to vector<1xi32>
      %squeeze3A_806 = vector.extract %slice3A_805[0] : i32 from vector<1xi32>
      %broadcast_in_dim3A_807 = vector.broadcast %squeeze3A_806 : i32 to vector<16xi32>
      %slice3A_808 = vector.extract_strided_slice %and3A_34 {offsets = [5], sizes = [1], strides = [1]} : vector<16xi32> to vector<1xi32>
      %squeeze3A_809 = vector.extract %slice3A_808[0] : i32 from vector<1xi32>
      %broadcast_in_dim3A_810 = vector.broadcast %squeeze3A_809 : i32 to vector<16xi32>
      %gather3A_811 = arith.constant 1 : i32
      %gather3A_812 = arith.constant 0 : i32
      %gather3A_813 = arith.constant 0 : i32
      %gather3A_814 = tpu.memref_slice %arg9[%gather3A_811, %gather3A_812, %gather3A_813] : memref<4x32x128xf32, #tpu.memory_space<vmem>> -> memref<1x32x128xf32, #tpu.memory_space<vmem>>
      %gather3A_815 = tpu.memref_squeeze %gather3A_814 : memref<1x32x128xf32, #tpu.memory_space<vmem>> -> memref<32x128xf32, #tpu.memory_space<vmem>>
      %gather3A_816 = tpu.vector_load_idx %gather3A_815[%iota3A, %broadcast_in_dim3A_807] : memref<32x128xf32, #tpu.memory_space<vmem>>[vector<16xi32>, vector<16xi32>], vector<16xf32>,
      %add3A_817 = arith.constant 5 : i32
      %add3A_818 = arith.addi %mul3A_26, %add3A_817 : i32
      %swap3A_819 = arith.index_cast %add3A_818 : i32 to index
      %swap3A_820 = arith.constant 0 : index
      %swap3A_821 = tpu.vector_load %arg11[%swap3A_819, %swap3A_820] {strides = array<i32>} : memref<512x64xf32, #tpu.memory_space<vmem>>, vector<16xf32>,
      tpu.vector_store %arg11[%swap3A_819, %swap3A_820], %gather3A_816 {strides = array<i32>} : memref<512x64xf32, #tpu.memory_space<vmem>>, vector<16xf32>,
      %gather3A_822 = arith.constant 1 : i32
      %gather3A_823 = arith.constant 0 : i32
      %gather3A_824 = arith.constant 0 : i32
      %gather3A_825 = tpu.memref_slice %arg9[%gather3A_822, %gather3A_823, %gather3A_824] : memref<4x32x128xf32, #tpu.memory_space<vmem>> -> memref<1x32x128xf32, #tpu.memory_space<vmem>>
      %gather3A_826 = tpu.memref_squeeze %gather3A_825 : memref<1x32x128xf32, #tpu.memory_space<vmem>> -> memref<32x128xf32, #tpu.memory_space<vmem>>
      %gather3A_827 = tpu.vector_load_idx %gather3A_826[%add3A_11, %broadcast_in_dim3A_807] : memref<32x128xf32, #tpu.memory_space<vmem>>[vector<16xi32>, vector<16xi32>], vector<16xf32>,
      %add3A_828 = arith.constant 5 : i32
      %add3A_829 = arith.addi %mul3A_26, %add3A_828 : i32
      %swap3A_830 = arith.index_cast %add3A_829 : i32 to index
      %swap3A_831 = arith.constant 16 : index
      %swap3A_832 = tpu.vector_load %arg11[%swap3A_830, %swap3A_831] {strides = array<i32>} : memref<512x64xf32, #tpu.memory_space<vmem>>, vector<16xf32>,
      tpu.vector_store %arg11[%swap3A_830, %swap3A_831], %gather3A_827 {strides = array<i32>} : memref<512x64xf32, #tpu.memory_space<vmem>>, vector<16xf32>,
      %gather3A_833 = arith.constant 1 : i32
      %gather3A_834 = arith.constant 0 : i32
      %gather3A_835 = arith.constant 0 : i32
      %gather3A_836 = tpu.memref_slice %arg10[%gather3A_833, %gather3A_834, %gather3A_835] : memref<4x32x128xf32, #tpu.memory_space<vmem>> -> memref<1x32x128xf32, #tpu.memory_space<vmem>>
      %gather3A_837 = tpu.memref_squeeze %gather3A_836 : memref<1x32x128xf32, #tpu.memory_space<vmem>> -> memref<32x128xf32, #tpu.memory_space<vmem>>
      %gather3A_838 = tpu.vector_load_idx %gather3A_837[%iota3A, %broadcast_in_dim3A_810] : memref<32x128xf32, #tpu.memory_space<vmem>>[vector<16xi32>, vector<16xi32>], vector<16xf32>,
      %add3A_839 = arith.constant 5 : i32
      %add3A_840 = arith.addi %mul3A_26, %add3A_839 : i32
      %swap3A_841 = arith.index_cast %add3A_840 : i32 to index
      %swap3A_842 = arith.constant 32 : index
      %swap3A_843 = tpu.vector_load %arg11[%swap3A_841, %swap3A_842] {strides = array<i32>} : memref<512x64xf32, #tpu.memory_space<vmem>>, vector<16xf32>,
      tpu.vector_store %arg11[%swap3A_841, %swap3A_842], %gather3A_838 {strides = array<i32>} : memref<512x64xf32, #tpu.memory_space<vmem>>, vector<16xf32>,
      %gather3A_844 = arith.constant 1 : i32
      %gather3A_845 = arith.constant 0 : i32
      %gather3A_846 = arith.constant 0 : i32
      %gather3A_847 = tpu.memref_slice %arg10[%gather3A_844, %gather3A_845, %gather3A_846] : memref<4x32x128xf32, #tpu.memory_space<vmem>> -> memref<1x32x128xf32, #tpu.memory_space<vmem>>
      %gather3A_848 = tpu.memref_squeeze %gather3A_847 : memref<1x32x128xf32, #tpu.memory_space<vmem>> -> memref<32x128xf32, #tpu.memory_space<vmem>>
      %gather3A_849 = tpu.vector_load_idx %gather3A_848[%add3A_11, %broadcast_in_dim3A_810] : memref<32x128xf32, #tpu.memory_space<vmem>>[vector<16xi32>, vector<16xi32>], vector<16xf32>,
      %add3A_850 = arith.constant 5 : i32
      %add3A_851 = arith.addi %mul3A_26, %add3A_850 : i32
      %swap3A_852 = arith.index_cast %add3A_851 : i32 to index
      %swap3A_853 = arith.constant 48 : index
      %swap3A_854 = tpu.vector_load %arg11[%swap3A_852, %swap3A_853] {strides = array<i32>} : memref<512x64xf32, #tpu.memory_space<vmem>>, vector<16xf32>,
      tpu.vector_store %arg11[%swap3A_852, %swap3A_853], %gather3A_849 {strides = array<i32>} : memref<512x64xf32, #tpu.memory_space<vmem>>, vector<16xf32>,
      %slice3A_855 = vector.extract_strided_slice %and3A_31 {offsets = [6], sizes = [1], strides = [1]} : vector<16xi32> to vector<1xi32>
      %squeeze3A_856 = vector.extract %slice3A_855[0] : i32 from vector<1xi32>
      %broadcast_in_dim3A_857 = vector.broadcast %squeeze3A_856 : i32 to vector<16xi32>
      %slice3A_858 = vector.extract_strided_slice %and3A_34 {offsets = [6], sizes = [1], strides = [1]} : vector<16xi32> to vector<1xi32>
      %squeeze3A_859 = vector.extract %slice3A_858[0] : i32 from vector<1xi32>
      %broadcast_in_dim3A_860 = vector.broadcast %squeeze3A_859 : i32 to vector<16xi32>
      %gather3A_861 = arith.constant 2 : i32
      %gather3A_862 = arith.constant 0 : i32
      %gather3A_863 = arith.constant 0 : i32
      %gather3A_864 = tpu.memref_slice %arg9[%gather3A_861, %gather3A_862, %gather3A_863] : memref<4x32x128xf32, #tpu.memory_space<vmem>> -> memref<1x32x128xf32, #tpu.memory_space<vmem>>
      %gather3A_865 = tpu.memref_squeeze %gather3A_864 : memref<1x32x128xf32, #tpu.memory_space<vmem>> -> memref<32x128xf32, #tpu.memory_space<vmem>>
      %gather3A_866 = tpu.vector_load_idx %gather3A_865[%iota3A, %broadcast_in_dim3A_857] : memref<32x128xf32, #tpu.memory_space<vmem>>[vector<16xi32>, vector<16xi32>], vector<16xf32>,
      %add3A_867 = arith.constant 6 : i32
      %add3A_868 = arith.addi %mul3A_26, %add3A_867 : i32
      %swap3A_869 = arith.index_cast %add3A_868 : i32 to index
      %swap3A_870 = arith.constant 0 : index
      %swap3A_871 = tpu.vector_load %arg11[%swap3A_869, %swap3A_870] {strides = array<i32>} : memref<512x64xf32, #tpu.memory_space<vmem>>, vector<16xf32>,
      tpu.vector_store %arg11[%swap3A_869, %swap3A_870], %gather3A_866 {strides = array<i32>} : memref<512x64xf32, #tpu.memory_space<vmem>>, vector<16xf32>,
      %gather3A_872 = arith.constant 2 : i32
      %gather3A_873 = arith.constant 0 : i32
      %gather3A_874 = arith.constant 0 : i32
      %gather3A_875 = tpu.memref_slice %arg9[%gather3A_872, %gather3A_873, %gather3A_874] : memref<4x32x128xf32, #tpu.memory_space<vmem>> -> memref<1x32x128xf32, #tpu.memory_space<vmem>>
      %gather3A_876 = tpu.memref_squeeze %gather3A_875 : memref<1x32x128xf32, #tpu.memory_space<vmem>> -> memref<32x128xf32, #tpu.memory_space<vmem>>
      %gather3A_877 = tpu.vector_load_idx %gather3A_876[%add3A_11, %broadcast_in_dim3A_857] : memref<32x128xf32, #tpu.memory_space<vmem>>[vector<16xi32>, vector<16xi32>], vector<16xf32>,
      %add3A_878 = arith.constant 6 : i32
      %add3A_879 = arith.addi %mul3A_26, %add3A_878 : i32
      %swap3A_880 = arith.index_cast %add3A_879 : i32 to index
      %swap3A_881 = arith.constant 16 : index
      %swap3A_882 = tpu.vector_load %arg11[%swap3A_880, %swap3A_881] {strides = array<i32>} : memref<512x64xf32, #tpu.memory_space<vmem>>, vector<16xf32>,
      tpu.vector_store %arg11[%swap3A_880, %swap3A_881], %gather3A_877 {strides = array<i32>} : memref<512x64xf32, #tpu.memory_space<vmem>>, vector<16xf32>,
      %gather3A_883 = arith.constant 2 : i32
      %gather3A_884 = arith.constant 0 : i32
      %gather3A_885 = arith.constant 0 : i32
      %gather3A_886 = tpu.memref_slice %arg10[%gather3A_883, %gather3A_884, %gather3A_885] : memref<4x32x128xf32, #tpu.memory_space<vmem>> -> memref<1x32x128xf32, #tpu.memory_space<vmem>>
      %gather3A_887 = tpu.memref_squeeze %gather3A_886 : memref<1x32x128xf32, #tpu.memory_space<vmem>> -> memref<32x128xf32, #tpu.memory_space<vmem>>
      %gather3A_888 = tpu.vector_load_idx %gather3A_887[%iota3A, %broadcast_in_dim3A_860] : memref<32x128xf32, #tpu.memory_space<vmem>>[vector<16xi32>, vector<16xi32>], vector<16xf32>,
      %add3A_889 = arith.constant 6 : i32
      %add3A_890 = arith.addi %mul3A_26, %add3A_889 : i32
      %swap3A_891 = arith.index_cast %add3A_890 : i32 to index
      %swap3A_892 = arith.constant 32 : index
      %swap3A_893 = tpu.vector_load %arg11[%swap3A_891, %swap3A_892] {strides = array<i32>} : memref<512x64xf32, #tpu.memory_space<vmem>>, vector<16xf32>,
      tpu.vector_store %arg11[%swap3A_891, %swap3A_892], %gather3A_888 {strides = array<i32>} : memref<512x64xf32, #tpu.memory_space<vmem>>, vector<16xf32>,
      %gather3A_894 = arith.constant 2 : i32
      %gather3A_895 = arith.constant 0 : i32
      %gather3A_896 = arith.constant 0 : i32
      %gather3A_897 = tpu.memref_slice %arg10[%gather3A_894, %gather3A_895, %gather3A_896] : memref<4x32x128xf32, #tpu.memory_space<vmem>> -> memref<1x32x128xf32, #tpu.memory_space<vmem>>
      %gather3A_898 = tpu.memref_squeeze %gather3A_897 : memref<1x32x128xf32, #tpu.memory_space<vmem>> -> memref<32x128xf32, #tpu.memory_space<vmem>>
      %gather3A_899 = tpu.vector_load_idx %gather3A_898[%add3A_11, %broadcast_in_dim3A_860] : memref<32x128xf32, #tpu.memory_space<vmem>>[vector<16xi32>, vector<16xi32>], vector<16xf32>,
      %add3A_900 = arith.constant 6 : i32
      %add3A_901 = arith.addi %mul3A_26, %add3A_900 : i32
      %swap3A_902 = arith.index_cast %add3A_901 : i32 to index
      %swap3A_903 = arith.constant 48 : index
      %swap3A_904 = tpu.vector_load %arg11[%swap3A_902, %swap3A_903] {strides = array<i32>} : memref<512x64xf32, #tpu.memory_space<vmem>>, vector<16xf32>,
      tpu.vector_store %arg11[%swap3A_902, %swap3A_903], %gather3A_899 {strides = array<i32>} : memref<512x64xf32, #tpu.memory_space<vmem>>, vector<16xf32>,
      %slice3A_905 = vector.extract_strided_slice %and3A_31 {offsets = [7], sizes = [1], strides = [1]} : vector<16xi32> to vector<1xi32>
      %squeeze3A_906 = vector.extract %slice3A_905[0] : i32 from vector<1xi32>
      %broadcast_in_dim3A_907 = vector.broadcast %squeeze3A_906 : i32 to vector<16xi32>
      %slice3A_908 = vector.extract_strided_slice %and3A_34 {offsets = [7], sizes = [1], strides = [1]} : vector<16xi32> to vector<1xi32>
      %squeeze3A_909 = vector.extract %slice3A_908[0] : i32 from vector<1xi32>
      %broadcast_in_dim3A_910 = vector.broadcast %squeeze3A_909 : i32 to vector<16xi32>
      %gather3A_911 = arith.constant 3 : i32
      %gather3A_912 = arith.constant 0 : i32
      %gather3A_913 = arith.constant 0 : i32
      %gather3A_914 = tpu.memref_slice %arg9[%gather3A_911, %gather3A_912, %gather3A_913] : memref<4x32x128xf32, #tpu.memory_space<vmem>> -> memref<1x32x128xf32, #tpu.memory_space<vmem>>
      %gather3A_915 = tpu.memref_squeeze %gather3A_914 : memref<1x32x128xf32, #tpu.memory_space<vmem>> -> memref<32x128xf32, #tpu.memory_space<vmem>>
      %gather3A_916 = tpu.vector_load_idx %gather3A_915[%iota3A, %broadcast_in_dim3A_907] : memref<32x128xf32, #tpu.memory_space<vmem>>[vector<16xi32>, vector<16xi32>], vector<16xf32>,
      %add3A_917 = arith.constant 7 : i32
      %add3A_918 = arith.addi %mul3A_26, %add3A_917 : i32
      %swap3A_919 = arith.index_cast %add3A_918 : i32 to index
      %swap3A_920 = arith.constant 0 : index
      %swap3A_921 = tpu.vector_load %arg11[%swap3A_919, %swap3A_920] {strides = array<i32>} : memref<512x64xf32, #tpu.memory_space<vmem>>, vector<16xf32>,
      tpu.vector_store %arg11[%swap3A_919, %swap3A_920], %gather3A_916 {strides = array<i32>} : memref<512x64xf32, #tpu.memory_space<vmem>>, vector<16xf32>,
      %gather3A_922 = arith.constant 3 : i32
      %gather3A_923 = arith.constant 0 : i32
      %gather3A_924 = arith.constant 0 : i32
      %gather3A_925 = tpu.memref_slice %arg9[%gather3A_922, %gather3A_923, %gather3A_924] : memref<4x32x128xf32, #tpu.memory_space<vmem>> -> memref<1x32x128xf32, #tpu.memory_space<vmem>>
      %gather3A_926 = tpu.memref_squeeze %gather3A_925 : memref<1x32x128xf32, #tpu.memory_space<vmem>> -> memref<32x128xf32, #tpu.memory_space<vmem>>
      %gather3A_927 = tpu.vector_load_idx %gather3A_926[%add3A_11, %broadcast_in_dim3A_907] : memref<32x128xf32, #tpu.memory_space<vmem>>[vector<16xi32>, vector<16xi32>], vector<16xf32>,
      %add3A_928 = arith.constant 7 : i32
      %add3A_929 = arith.addi %mul3A_26, %add3A_928 : i32
      %swap3A_930 = arith.index_cast %add3A_929 : i32 to index
      %swap3A_931 = arith.constant 16 : index
      %swap3A_932 = tpu.vector_load %arg11[%swap3A_930, %swap3A_931] {strides = array<i32>} : memref<512x64xf32, #tpu.memory_space<vmem>>, vector<16xf32>,
      tpu.vector_store %arg11[%swap3A_930, %swap3A_931], %gather3A_927 {strides = array<i32>} : memref<512x64xf32, #tpu.memory_space<vmem>>, vector<16xf32>,
      %gather3A_933 = arith.constant 3 : i32
      %gather3A_934 = arith.constant 0 : i32
      %gather3A_935 = arith.constant 0 : i32
      %gather3A_936 = tpu.memref_slice %arg10[%gather3A_933, %gather3A_934, %gather3A_935] : memref<4x32x128xf32, #tpu.memory_space<vmem>> -> memref<1x32x128xf32, #tpu.memory_space<vmem>>
      %gather3A_937 = tpu.memref_squeeze %gather3A_936 : memref<1x32x128xf32, #tpu.memory_space<vmem>> -> memref<32x128xf32, #tpu.memory_space<vmem>>
      %gather3A_938 = tpu.vector_load_idx %gather3A_937[%iota3A, %broadcast_in_dim3A_910] : memref<32x128xf32, #tpu.memory_space<vmem>>[vector<16xi32>, vector<16xi32>], vector<16xf32>,
      %add3A_939 = arith.constant 7 : i32
      %add3A_940 = arith.addi %mul3A_26, %add3A_939 : i32
      %swap3A_941 = arith.index_cast %add3A_940 : i32 to index
      %swap3A_942 = arith.constant 32 : index
      %swap3A_943 = tpu.vector_load %arg11[%swap3A_941, %swap3A_942] {strides = array<i32>} : memref<512x64xf32, #tpu.memory_space<vmem>>, vector<16xf32>,
      tpu.vector_store %arg11[%swap3A_941, %swap3A_942], %gather3A_938 {strides = array<i32>} : memref<512x64xf32, #tpu.memory_space<vmem>>, vector<16xf32>,
      %gather3A_944 = arith.constant 3 : i32
      %gather3A_945 = arith.constant 0 : i32
      %gather3A_946 = arith.constant 0 : i32
      %gather3A_947 = tpu.memref_slice %arg10[%gather3A_944, %gather3A_945, %gather3A_946] : memref<4x32x128xf32, #tpu.memory_space<vmem>> -> memref<1x32x128xf32, #tpu.memory_space<vmem>>
      %gather3A_948 = tpu.memref_squeeze %gather3A_947 : memref<1x32x128xf32, #tpu.memory_space<vmem>> -> memref<32x128xf32, #tpu.memory_space<vmem>>
      %gather3A_949 = tpu.vector_load_idx %gather3A_948[%add3A_11, %broadcast_in_dim3A_910] : memref<32x128xf32, #tpu.memory_space<vmem>>[vector<16xi32>, vector<16xi32>], vector<16xf32>,
      %add3A_950 = arith.constant 7 : i32
      %add3A_951 = arith.addi %mul3A_26, %add3A_950 : i32
      %swap3A_952 = arith.index_cast %add3A_951 : i32 to index
      %swap3A_953 = arith.constant 48 : index
      %swap3A_954 = tpu.vector_load %arg11[%swap3A_952, %swap3A_953] {strides = array<i32>} : memref<512x64xf32, #tpu.memory_space<vmem>>, vector<16xf32>,
      tpu.vector_store %arg11[%swap3A_952, %swap3A_953], %gather3A_949 {strides = array<i32>} : memref<512x64xf32, #tpu.memory_space<vmem>>, vector<16xf32>,
      %slice3A_955 = vector.extract_strided_slice %get3A_27 {offsets = [8], sizes = [1], strides = [1]} : vector<16xi32> to vector<1xi32>
      %squeeze3A_956 = vector.extract %slice3A_955[0] : i32 from vector<1xi32>
      %shift_right_arithmetic3A_957 = arith.constant 7 : i32
      %shift_right_arithmetic3A_958 = arith.shrsi %squeeze3A_956, %shift_right_arithmetic3A_957 : i32
      %shift_left3A_959 = arith.constant 7 : i32
      %shift_left3A_960 = arith.shli %shift_right_arithmetic3A_958, %shift_left3A_959 : i32
      %multiple_of3A_961 = tpu.assume_multiple %shift_left3A_960, 128 : i32
      %slice3A_962 = vector.extract_strided_slice %get3A_29 {offsets = [8], sizes = [1], strides = [1]} : vector<16xi32> to vector<1xi32>
      %squeeze3A_963 = vector.extract %slice3A_962[0] : i32 from vector<1xi32>
      %shift_right_arithmetic3A_964 = arith.constant 7 : i32
      %shift_right_arithmetic3A_965 = arith.shrsi %squeeze3A_963, %shift_right_arithmetic3A_964 : i32
      %shift_left3A_966 = arith.constant 7 : i32
      %shift_left3A_967 = arith.shli %shift_right_arithmetic3A_965, %shift_left3A_966 : i32
      %multiple_of3A_968 = tpu.assume_multiple %shift_left3A_967, 128 : i32
      %dma_start3A_969 = arith.constant 0 : i32
      %dma_start3A_970 = arith.constant 0 : i32
      %dma_start3A_971 = arith.constant 0 : i32
      %dma_start3A_972 = tpu.memref_slice %arg9[%dma_start3A_969, %dma_start3A_970, %dma_start3A_971] : memref<4x32x128xf32, #tpu.memory_space<vmem>> -> memref<1x32x128xf32, #tpu.memory_space<vmem>>
      %dma_start3A_973 = tpu.memref_squeeze %dma_start3A_972 : memref<1x32x128xf32, #tpu.memory_space<vmem>> -> memref<32x128xf32, #tpu.memory_space<vmem>>
      %dma_start3A_974 = arith.constant 0 : i32
      %dma_start3A_975 = tpu.memref_slice %arg4[%dma_start3A_974, %multiple_of3A_961] : memref<32x1000000xf32, #tpu.memory_space<hbm>> -> memref<32x128xf32, #tpu.memory_space<hbm>>
      %dma_start3A_976 = arith.constant 0 : i32
      %dma_start3A_977 = arith.constant 0 : i32
      %dma_start3A_978 = tpu.memref_slice %arg9[%dma_start3A_969, %dma_start3A_976, %dma_start3A_977] : memref<4x32x128xf32, #tpu.memory_space<vmem>> -> memref<1x32x128xf32, #tpu.memory_space<vmem>>
      %dma_start3A_979 = tpu.memref_squeeze %dma_start3A_978 : memref<1x32x128xf32, #tpu.memory_space<vmem>> -> memref<32x128xf32, #tpu.memory_space<vmem>>
      %dma_start3A_980 = arith.constant 0 : i32
      %dma_start3A_981 = tpu.memref_slice %arg4[%dma_start3A_980, %multiple_of3A_961] : memref<32x1000000xf32, #tpu.memory_space<hbm>> -> memref<32x128xf32, #tpu.memory_space<hbm>>
      tpu.enqueue_dma source(%dma_start3A_981 : memref<32x128xf32, #tpu.memory_space<hbm>>) target(%dma_start3A_979 : memref<32x128xf32, #tpu.memory_space<vmem>>) target_semaphore(%arg13 : memref<!tpu.dma_semaphore, #tpu.memory_space<semaphore_mem>>)
      %dma_start3A_982 = arith.constant 0 : i32
      %dma_start3A_983 = arith.constant 0 : i32
      %dma_start3A_984 = arith.constant 0 : i32
      %dma_start3A_985 = tpu.memref_slice %arg10[%dma_start3A_982, %dma_start3A_983, %dma_start3A_984] : memref<4x32x128xf32, #tpu.memory_space<vmem>> -> memref<1x32x128xf32, #tpu.memory_space<vmem>>
      %dma_start3A_986 = tpu.memref_squeeze %dma_start3A_985 : memref<1x32x128xf32, #tpu.memory_space<vmem>> -> memref<32x128xf32, #tpu.memory_space<vmem>>
      %dma_start3A_987 = arith.constant 0 : i32
      %dma_start3A_988 = tpu.memref_slice %arg5[%dma_start3A_987, %multiple_of3A_968] : memref<32x1000000xf32, #tpu.memory_space<hbm>> -> memref<32x128xf32, #tpu.memory_space<hbm>>
      %dma_start3A_989 = arith.constant 0 : i32
      %dma_start3A_990 = arith.constant 0 : i32
      %dma_start3A_991 = tpu.memref_slice %arg10[%dma_start3A_982, %dma_start3A_989, %dma_start3A_990] : memref<4x32x128xf32, #tpu.memory_space<vmem>> -> memref<1x32x128xf32, #tpu.memory_space<vmem>>
      %dma_start3A_992 = tpu.memref_squeeze %dma_start3A_991 : memref<1x32x128xf32, #tpu.memory_space<vmem>> -> memref<32x128xf32, #tpu.memory_space<vmem>>
      %dma_start3A_993 = arith.constant 0 : i32
      %dma_start3A_994 = tpu.memref_slice %arg5[%dma_start3A_993, %multiple_of3A_968] : memref<32x1000000xf32, #tpu.memory_space<hbm>> -> memref<32x128xf32, #tpu.memory_space<hbm>>
      tpu.enqueue_dma source(%dma_start3A_994 : memref<32x128xf32, #tpu.memory_space<hbm>>) target(%dma_start3A_992 : memref<32x128xf32, #tpu.memory_space<vmem>>) target_semaphore(%arg13 : memref<!tpu.dma_semaphore, #tpu.memory_space<semaphore_mem>>)
      %slice3A_995 = vector.extract_strided_slice %get3A_27 {offsets = [9], sizes = [1], strides = [1]} : vector<16xi32> to vector<1xi32>
      %squeeze3A_996 = vector.extract %slice3A_995[0] : i32 from vector<1xi32>
      %shift_right_arithmetic3A_997 = arith.constant 7 : i32
      %shift_right_arithmetic3A_998 = arith.shrsi %squeeze3A_996, %shift_right_arithmetic3A_997 : i32
      %shift_left3A_999 = arith.constant 7 : i32
      %shift_left3A_1000 = arith.shli %shift_right_arithmetic3A_998, %shift_left3A_999 : i32
      %multiple_of3A_1001 = tpu.assume_multiple %shift_left3A_1000, 128 : i32
      %slice3A_1002 = vector.extract_strided_slice %get3A_29 {offsets = [9], sizes = [1], strides = [1]} : vector<16xi32> to vector<1xi32>
      %squeeze3A_1003 = vector.extract %slice3A_1002[0] : i32 from vector<1xi32>
      %shift_right_arithmetic3A_1004 = arith.constant 7 : i32
      %shift_right_arithmetic3A_1005 = arith.shrsi %squeeze3A_1003, %shift_right_arithmetic3A_1004 : i32
      %shift_left3A_1006 = arith.constant 7 : i32
      %shift_left3A_1007 = arith.shli %shift_right_arithmetic3A_1005, %shift_left3A_1006 : i32
      %multiple_of3A_1008 = tpu.assume_multiple %shift_left3A_1007, 128 : i32
      %dma_start3A_1009 = arith.constant 1 : i32
      %dma_start3A_1010 = arith.constant 0 : i32
      %dma_start3A_1011 = arith.constant 0 : i32
      %dma_start3A_1012 = tpu.memref_slice %arg9[%dma_start3A_1009, %dma_start3A_1010, %dma_start3A_1011] : memref<4x32x128xf32, #tpu.memory_space<vmem>> -> memref<1x32x128xf32, #tpu.memory_space<vmem>>
      %dma_start3A_1013 = tpu.memref_squeeze %dma_start3A_1012 : memref<1x32x128xf32, #tpu.memory_space<vmem>> -> memref<32x128xf32, #tpu.memory_space<vmem>>
      %dma_start3A_1014 = arith.constant 0 : i32
      %dma_start3A_1015 = tpu.memref_slice %arg4[%dma_start3A_1014, %multiple_of3A_1001] : memref<32x1000000xf32, #tpu.memory_space<hbm>> -> memref<32x128xf32, #tpu.memory_space<hbm>>
      %dma_start3A_1016 = arith.constant 0 : i32
      %dma_start3A_1017 = arith.constant 0 : i32
      %dma_start3A_1018 = tpu.memref_slice %arg9[%dma_start3A_1009, %dma_start3A_1016, %dma_start3A_1017] : memref<4x32x128xf32, #tpu.memory_space<vmem>> -> memref<1x32x128xf32, #tpu.memory_space<vmem>>
      %dma_start3A_1019 = tpu.memref_squeeze %dma_start3A_1018 : memref<1x32x128xf32, #tpu.memory_space<vmem>> -> memref<32x128xf32, #tpu.memory_space<vmem>>
      %dma_start3A_1020 = arith.constant 0 : i32
      %dma_start3A_1021 = tpu.memref_slice %arg4[%dma_start3A_1020, %multiple_of3A_1001] : memref<32x1000000xf32, #tpu.memory_space<hbm>> -> memref<32x128xf32, #tpu.memory_space<hbm>>
      tpu.enqueue_dma source(%dma_start3A_1021 : memref<32x128xf32, #tpu.memory_space<hbm>>) target(%dma_start3A_1019 : memref<32x128xf32, #tpu.memory_space<vmem>>) target_semaphore(%arg13 : memref<!tpu.dma_semaphore, #tpu.memory_space<semaphore_mem>>)
      %dma_start3A_1022 = arith.constant 1 : i32
      %dma_start3A_1023 = arith.constant 0 : i32
      %dma_start3A_1024 = arith.constant 0 : i32
      %dma_start3A_1025 = tpu.memref_slice %arg10[%dma_start3A_1022, %dma_start3A_1023, %dma_start3A_1024] : memref<4x32x128xf32, #tpu.memory_space<vmem>> -> memref<1x32x128xf32, #tpu.memory_space<vmem>>
      %dma_start3A_1026 = tpu.memref_squeeze %dma_start3A_1025 : memref<1x32x128xf32, #tpu.memory_space<vmem>> -> memref<32x128xf32, #tpu.memory_space<vmem>>
      %dma_start3A_1027 = arith.constant 0 : i32
      %dma_start3A_1028 = tpu.memref_slice %arg5[%dma_start3A_1027, %multiple_of3A_1008] : memref<32x1000000xf32, #tpu.memory_space<hbm>> -> memref<32x128xf32, #tpu.memory_space<hbm>>
      %dma_start3A_1029 = arith.constant 0 : i32
      %dma_start3A_1030 = arith.constant 0 : i32
      %dma_start3A_1031 = tpu.memref_slice %arg10[%dma_start3A_1022, %dma_start3A_1029, %dma_start3A_1030] : memref<4x32x128xf32, #tpu.memory_space<vmem>> -> memref<1x32x128xf32, #tpu.memory_space<vmem>>
      %dma_start3A_1032 = tpu.memref_squeeze %dma_start3A_1031 : memref<1x32x128xf32, #tpu.memory_space<vmem>> -> memref<32x128xf32, #tpu.memory_space<vmem>>
      %dma_start3A_1033 = arith.constant 0 : i32
      %dma_start3A_1034 = tpu.memref_slice %arg5[%dma_start3A_1033, %multiple_of3A_1008] : memref<32x1000000xf32, #tpu.memory_space<hbm>> -> memref<32x128xf32, #tpu.memory_space<hbm>>
      tpu.enqueue_dma source(%dma_start3A_1034 : memref<32x128xf32, #tpu.memory_space<hbm>>) target(%dma_start3A_1032 : memref<32x128xf32, #tpu.memory_space<vmem>>) target_semaphore(%arg13 : memref<!tpu.dma_semaphore, #tpu.memory_space<semaphore_mem>>)
      %slice3A_1035 = vector.extract_strided_slice %get3A_27 {offsets = [10], sizes = [1], strides = [1]} : vector<16xi32> to vector<1xi32>
      %squeeze3A_1036 = vector.extract %slice3A_1035[0] : i32 from vector<1xi32>
      %shift_right_arithmetic3A_1037 = arith.constant 7 : i32
      %shift_right_arithmetic3A_1038 = arith.shrsi %squeeze3A_1036, %shift_right_arithmetic3A_1037 : i32
      %shift_left3A_1039 = arith.constant 7 : i32
      %shift_left3A_1040 = arith.shli %shift_right_arithmetic3A_1038, %shift_left3A_1039 : i32
      %multiple_of3A_1041 = tpu.assume_multiple %shift_left3A_1040, 128 : i32
      %slice3A_1042 = vector.extract_strided_slice %get3A_29 {offsets = [10], sizes = [1], strides = [1]} : vector<16xi32> to vector<1xi32>
      %squeeze3A_1043 = vector.extract %slice3A_1042[0] : i32 from vector<1xi32>
      %shift_right_arithmetic3A_1044 = arith.constant 7 : i32
      %shift_right_arithmetic3A_1045 = arith.shrsi %squeeze3A_1043, %shift_right_arithmetic3A_1044 : i32
      %shift_left3A_1046 = arith.constant 7 : i32
      %shift_left3A_1047 = arith.shli %shift_right_arithmetic3A_1045, %shift_left3A_1046 : i32
      %multiple_of3A_1048 = tpu.assume_multiple %shift_left3A_1047, 128 : i32
      %dma_start3A_1049 = arith.constant 2 : i32
      %dma_start3A_1050 = arith.constant 0 : i32
      %dma_start3A_1051 = arith.constant 0 : i32
      %dma_start3A_1052 = tpu.memref_slice %arg9[%dma_start3A_1049, %dma_start3A_1050, %dma_start3A_1051] : memref<4x32x128xf32, #tpu.memory_space<vmem>> -> memref<1x32x128xf32, #tpu.memory_space<vmem>>
      %dma_start3A_1053 = tpu.memref_squeeze %dma_start3A_1052 : memref<1x32x128xf32, #tpu.memory_space<vmem>> -> memref<32x128xf32, #tpu.memory_space<vmem>>
      %dma_start3A_1054 = arith.constant 0 : i32
      %dma_start3A_1055 = tpu.memref_slice %arg4[%dma_start3A_1054, %multiple_of3A_1041] : memref<32x1000000xf32, #tpu.memory_space<hbm>> -> memref<32x128xf32, #tpu.memory_space<hbm>>
      %dma_start3A_1056 = arith.constant 0 : i32
      %dma_start3A_1057 = arith.constant 0 : i32
      %dma_start3A_1058 = tpu.memref_slice %arg9[%dma_start3A_1049, %dma_start3A_1056, %dma_start3A_1057] : memref<4x32x128xf32, #tpu.memory_space<vmem>> -> memref<1x32x128xf32, #tpu.memory_space<vmem>>
      %dma_start3A_1059 = tpu.memref_squeeze %dma_start3A_1058 : memref<1x32x128xf32, #tpu.memory_space<vmem>> -> memref<32x128xf32, #tpu.memory_space<vmem>>
      %dma_start3A_1060 = arith.constant 0 : i32
      %dma_start3A_1061 = tpu.memref_slice %arg4[%dma_start3A_1060, %multiple_of3A_1041] : memref<32x1000000xf32, #tpu.memory_space<hbm>> -> memref<32x128xf32, #tpu.memory_space<hbm>>
      tpu.enqueue_dma source(%dma_start3A_1061 : memref<32x128xf32, #tpu.memory_space<hbm>>) target(%dma_start3A_1059 : memref<32x128xf32, #tpu.memory_space<vmem>>) target_semaphore(%arg13 : memref<!tpu.dma_semaphore, #tpu.memory_space<semaphore_mem>>)
      %dma_start3A_1062 = arith.constant 2 : i32
      %dma_start3A_1063 = arith.constant 0 : i32
      %dma_start3A_1064 = arith.constant 0 : i32
      %dma_start3A_1065 = tpu.memref_slice %arg10[%dma_start3A_1062, %dma_start3A_1063, %dma_start3A_1064] : memref<4x32x128xf32, #tpu.memory_space<vmem>> -> memref<1x32x128xf32, #tpu.memory_space<vmem>>
      %dma_start3A_1066 = tpu.memref_squeeze %dma_start3A_1065 : memref<1x32x128xf32, #tpu.memory_space<vmem>> -> memref<32x128xf32, #tpu.memory_space<vmem>>
      %dma_start3A_1067 = arith.constant 0 : i32
      %dma_start3A_1068 = tpu.memref_slice %arg5[%dma_start3A_1067, %multiple_of3A_1048] : memref<32x1000000xf32, #tpu.memory_space<hbm>> -> memref<32x128xf32, #tpu.memory_space<hbm>>
      %dma_start3A_1069 = arith.constant 0 : i32
      %dma_start3A_1070 = arith.constant 0 : i32
      %dma_start3A_1071 = tpu.memref_slice %arg10[%dma_start3A_1062, %dma_start3A_1069, %dma_start3A_1070] : memref<4x32x128xf32, #tpu.memory_space<vmem>> -> memref<1x32x128xf32, #tpu.memory_space<vmem>>
      %dma_start3A_1072 = tpu.memref_squeeze %dma_start3A_1071 : memref<1x32x128xf32, #tpu.memory_space<vmem>> -> memref<32x128xf32, #tpu.memory_space<vmem>>
      %dma_start3A_1073 = arith.constant 0 : i32
      %dma_start3A_1074 = tpu.memref_slice %arg5[%dma_start3A_1073, %multiple_of3A_1048] : memref<32x1000000xf32, #tpu.memory_space<hbm>> -> memref<32x128xf32, #tpu.memory_space<hbm>>
      tpu.enqueue_dma source(%dma_start3A_1074 : memref<32x128xf32, #tpu.memory_space<hbm>>) target(%dma_start3A_1072 : memref<32x128xf32, #tpu.memory_space<vmem>>) target_semaphore(%arg13 : memref<!tpu.dma_semaphore, #tpu.memory_space<semaphore_mem>>)
      %slice3A_1075 = vector.extract_strided_slice %get3A_27 {offsets = [11], sizes = [1], strides = [1]} : vector<16xi32> to vector<1xi32>
      %squeeze3A_1076 = vector.extract %slice3A_1075[0] : i32 from vector<1xi32>
      %shift_right_arithmetic3A_1077 = arith.constant 7 : i32
      %shift_right_arithmetic3A_1078 = arith.shrsi %squeeze3A_1076, %shift_right_arithmetic3A_1077 : i32
      %shift_left3A_1079 = arith.constant 7 : i32
      %shift_left3A_1080 = arith.shli %shift_right_arithmetic3A_1078, %shift_left3A_1079 : i32
      %multiple_of3A_1081 = tpu.assume_multiple %shift_left3A_1080, 128 : i32
      %slice3A_1082 = vector.extract_strided_slice %get3A_29 {offsets = [11], sizes = [1], strides = [1]} : vector<16xi32> to vector<1xi32>
      %squeeze3A_1083 = vector.extract %slice3A_1082[0] : i32 from vector<1xi32>
      %shift_right_arithmetic3A_1084 = arith.constant 7 : i32
      %shift_right_arithmetic3A_1085 = arith.shrsi %squeeze3A_1083, %shift_right_arithmetic3A_1084 : i32
      %shift_left3A_1086 = arith.constant 7 : i32
      %shift_left3A_1087 = arith.shli %shift_right_arithmetic3A_1085, %shift_left3A_1086 : i32
      %multiple_of3A_1088 = tpu.assume_multiple %shift_left3A_1087, 128 : i32
      %dma_start3A_1089 = arith.constant 3 : i32
      %dma_start3A_1090 = arith.constant 0 : i32
      %dma_start3A_1091 = arith.constant 0 : i32
      %dma_start3A_1092 = tpu.memref_slice %arg9[%dma_start3A_1089, %dma_start3A_1090, %dma_start3A_1091] : memref<4x32x128xf32, #tpu.memory_space<vmem>> -> memref<1x32x128xf32, #tpu.memory_space<vmem>>
      %dma_start3A_1093 = tpu.memref_squeeze %dma_start3A_1092 : memref<1x32x128xf32, #tpu.memory_space<vmem>> -> memref<32x128xf32, #tpu.memory_space<vmem>>
      %dma_start3A_1094 = arith.constant 0 : i32
      %dma_start3A_1095 = tpu.memref_slice %arg4[%dma_start3A_1094, %multiple_of3A_1081] : memref<32x1000000xf32, #tpu.memory_space<hbm>> -> memref<32x128xf32, #tpu.memory_space<hbm>>
      %dma_start3A_1096 = arith.constant 0 : i32
      %dma_start3A_1097 = arith.constant 0 : i32
      %dma_start3A_1098 = tpu.memref_slice %arg9[%dma_start3A_1089, %dma_start3A_1096, %dma_start3A_1097] : memref<4x32x128xf32, #tpu.memory_space<vmem>> -> memref<1x32x128xf32, #tpu.memory_space<vmem>>
      %dma_start3A_1099 = tpu.memref_squeeze %dma_start3A_1098 : memref<1x32x128xf32, #tpu.memory_space<vmem>> -> memref<32x128xf32, #tpu.memory_space<vmem>>
      %dma_start3A_1100 = arith.constant 0 : i32
      %dma_start3A_1101 = tpu.memref_slice %arg4[%dma_start3A_1100, %multiple_of3A_1081] : memref<32x1000000xf32, #tpu.memory_space<hbm>> -> memref<32x128xf32, #tpu.memory_space<hbm>>
      tpu.enqueue_dma source(%dma_start3A_1101 : memref<32x128xf32, #tpu.memory_space<hbm>>) target(%dma_start3A_1099 : memref<32x128xf32, #tpu.memory_space<vmem>>) target_semaphore(%arg13 : memref<!tpu.dma_semaphore, #tpu.memory_space<semaphore_mem>>)
      %dma_start3A_1102 = arith.constant 3 : i32
      %dma_start3A_1103 = arith.constant 0 : i32
      %dma_start3A_1104 = arith.constant 0 : i32
      %dma_start3A_1105 = tpu.memref_slice %arg10[%dma_start3A_1102, %dma_start3A_1103, %dma_start3A_1104] : memref<4x32x128xf32, #tpu.memory_space<vmem>> -> memref<1x32x128xf32, #tpu.memory_space<vmem>>
      %dma_start3A_1106 = tpu.memref_squeeze %dma_start3A_1105 : memref<1x32x128xf32, #tpu.memory_space<vmem>> -> memref<32x128xf32, #tpu.memory_space<vmem>>
      %dma_start3A_1107 = arith.constant 0 : i32
      %dma_start3A_1108 = tpu.memref_slice %arg5[%dma_start3A_1107, %multiple_of3A_1088] : memref<32x1000000xf32, #tpu.memory_space<hbm>> -> memref<32x128xf32, #tpu.memory_space<hbm>>
      %dma_start3A_1109 = arith.constant 0 : i32
      %dma_start3A_1110 = arith.constant 0 : i32
      %dma_start3A_1111 = tpu.memref_slice %arg10[%dma_start3A_1102, %dma_start3A_1109, %dma_start3A_1110] : memref<4x32x128xf32, #tpu.memory_space<vmem>> -> memref<1x32x128xf32, #tpu.memory_space<vmem>>
      %dma_start3A_1112 = tpu.memref_squeeze %dma_start3A_1111 : memref<1x32x128xf32, #tpu.memory_space<vmem>> -> memref<32x128xf32, #tpu.memory_space<vmem>>
      %dma_start3A_1113 = arith.constant 0 : i32
      %dma_start3A_1114 = tpu.memref_slice %arg5[%dma_start3A_1113, %multiple_of3A_1088] : memref<32x1000000xf32, #tpu.memory_space<hbm>> -> memref<32x128xf32, #tpu.memory_space<hbm>>
      tpu.enqueue_dma source(%dma_start3A_1114 : memref<32x128xf32, #tpu.memory_space<hbm>>) target(%dma_start3A_1112 : memref<32x128xf32, #tpu.memory_space<vmem>>) target_semaphore(%arg13 : memref<!tpu.dma_semaphore, #tpu.memory_space<semaphore_mem>>)
      %dma_wait3A_1115 = arith.constant 0 : i32
      %dma_wait3A_1116 = arith.constant 0 : i32
      %dma_wait3A_1117 = arith.constant 0 : i32
      %dma_wait3A_1118 = tpu.memref_slice %arg9[%dma_wait3A_1115, %dma_wait3A_1116, %dma_wait3A_1117] : memref<4x32x128xf32, #tpu.memory_space<vmem>> -> memref<1x32x128xf32, #tpu.memory_space<vmem>>
      %dma_wait3A_1119 = tpu.memref_squeeze %dma_wait3A_1118 : memref<1x32x128xf32, #tpu.memory_space<vmem>> -> memref<32x128xf32, #tpu.memory_space<vmem>>
      %dma_wait3A_1120 = arith.constant 0 : i32
      %dma_wait3A_1121 = tpu.memref_slice %arg4[%dma_wait3A_1120, %multiple_of3A_961] : memref<32x1000000xf32, #tpu.memory_space<hbm>> -> memref<32x128xf32, #tpu.memory_space<hbm>>
      %dma_wait3A_1122 = arith.constant 0 : i32
      %dma_wait3A_1123 = arith.constant 0 : i32
      %dma_wait3A_1124 = tpu.memref_slice %arg9[%dma_wait3A_1115, %dma_wait3A_1122, %dma_wait3A_1123] : memref<4x32x128xf32, #tpu.memory_space<vmem>> -> memref<1x32x128xf32, #tpu.memory_space<vmem>>
      %dma_wait3A_1125 = tpu.memref_squeeze %dma_wait3A_1124 : memref<1x32x128xf32, #tpu.memory_space<vmem>> -> memref<32x128xf32, #tpu.memory_space<vmem>>
      %dma_wait3A_1126 = arith.constant 0 : i32
      %dma_wait3A_1127 = tpu.memref_slice %arg4[%dma_wait3A_1126, %multiple_of3A_961] : memref<32x1000000xf32, #tpu.memory_space<hbm>> -> memref<32x128xf32, #tpu.memory_space<hbm>>
      tpu.wait_dma2 semaphore(%arg13 : memref<!tpu.dma_semaphore, #tpu.memory_space<semaphore_mem>>) src(%dma_wait3A_1127 : memref<32x128xf32, #tpu.memory_space<hbm>>) dst(%dma_wait3A_1125 : memref<32x128xf32, #tpu.memory_space<vmem>>)
      %dma_wait3A_1128 = arith.constant 0 : i32
      %dma_wait3A_1129 = arith.constant 0 : i32
      %dma_wait3A_1130 = arith.constant 0 : i32
      %dma_wait3A_1131 = tpu.memref_slice %arg10[%dma_wait3A_1128, %dma_wait3A_1129, %dma_wait3A_1130] : memref<4x32x128xf32, #tpu.memory_space<vmem>> -> memref<1x32x128xf32, #tpu.memory_space<vmem>>
      %dma_wait3A_1132 = tpu.memref_squeeze %dma_wait3A_1131 : memref<1x32x128xf32, #tpu.memory_space<vmem>> -> memref<32x128xf32, #tpu.memory_space<vmem>>
      %dma_wait3A_1133 = arith.constant 0 : i32
      %dma_wait3A_1134 = tpu.memref_slice %arg5[%dma_wait3A_1133, %multiple_of3A_968] : memref<32x1000000xf32, #tpu.memory_space<hbm>> -> memref<32x128xf32, #tpu.memory_space<hbm>>
      %dma_wait3A_1135 = arith.constant 0 : i32
      %dma_wait3A_1136 = arith.constant 0 : i32
      %dma_wait3A_1137 = tpu.memref_slice %arg10[%dma_wait3A_1128, %dma_wait3A_1135, %dma_wait3A_1136] : memref<4x32x128xf32, #tpu.memory_space<vmem>> -> memref<1x32x128xf32, #tpu.memory_space<vmem>>
      %dma_wait3A_1138 = tpu.memref_squeeze %dma_wait3A_1137 : memref<1x32x128xf32, #tpu.memory_space<vmem>> -> memref<32x128xf32, #tpu.memory_space<vmem>>
      %dma_wait3A_1139 = arith.constant 0 : i32
      %dma_wait3A_1140 = tpu.memref_slice %arg5[%dma_wait3A_1139, %multiple_of3A_968] : memref<32x1000000xf32, #tpu.memory_space<hbm>> -> memref<32x128xf32, #tpu.memory_space<hbm>>
      tpu.wait_dma2 semaphore(%arg13 : memref<!tpu.dma_semaphore, #tpu.memory_space<semaphore_mem>>) src(%dma_wait3A_1140 : memref<32x128xf32, #tpu.memory_space<hbm>>) dst(%dma_wait3A_1138 : memref<32x128xf32, #tpu.memory_space<vmem>>)
      %dma_wait3A_1141 = arith.constant 1 : i32
      %dma_wait3A_1142 = arith.constant 0 : i32
      %dma_wait3A_1143 = arith.constant 0 : i32
      %dma_wait3A_1144 = tpu.memref_slice %arg9[%dma_wait3A_1141, %dma_wait3A_1142, %dma_wait3A_1143] : memref<4x32x128xf32, #tpu.memory_space<vmem>> -> memref<1x32x128xf32, #tpu.memory_space<vmem>>
      %dma_wait3A_1145 = tpu.memref_squeeze %dma_wait3A_1144 : memref<1x32x128xf32, #tpu.memory_space<vmem>> -> memref<32x128xf32, #tpu.memory_space<vmem>>
      %dma_wait3A_1146 = arith.constant 0 : i32
      %dma_wait3A_1147 = tpu.memref_slice %arg4[%dma_wait3A_1146, %multiple_of3A_1001] : memref<32x1000000xf32, #tpu.memory_space<hbm>> -> memref<32x128xf32, #tpu.memory_space<hbm>>
      %dma_wait3A_1148 = arith.constant 0 : i32
      %dma_wait3A_1149 = arith.constant 0 : i32
      %dma_wait3A_1150 = tpu.memref_slice %arg9[%dma_wait3A_1141, %dma_wait3A_1148, %dma_wait3A_1149] : memref<4x32x128xf32, #tpu.memory_space<vmem>> -> memref<1x32x128xf32, #tpu.memory_space<vmem>>
      %dma_wait3A_1151 = tpu.memref_squeeze %dma_wait3A_1150 : memref<1x32x128xf32, #tpu.memory_space<vmem>> -> memref<32x128xf32, #tpu.memory_space<vmem>>
      %dma_wait3A_1152 = arith.constant 0 : i32
      %dma_wait3A_1153 = tpu.memref_slice %arg4[%dma_wait3A_1152, %multiple_of3A_1001] : memref<32x1000000xf32, #tpu.memory_space<hbm>> -> memref<32x128xf32, #tpu.memory_space<hbm>>
      tpu.wait_dma2 semaphore(%arg13 : memref<!tpu.dma_semaphore, #tpu.memory_space<semaphore_mem>>) src(%dma_wait3A_1153 : memref<32x128xf32, #tpu.memory_space<hbm>>) dst(%dma_wait3A_1151 : memref<32x128xf32, #tpu.memory_space<vmem>>)
      %dma_wait3A_1154 = arith.constant 1 : i32
      %dma_wait3A_1155 = arith.constant 0 : i32
      %dma_wait3A_1156 = arith.constant 0 : i32
      %dma_wait3A_1157 = tpu.memref_slice %arg10[%dma_wait3A_1154, %dma_wait3A_1155, %dma_wait3A_1156] : memref<4x32x128xf32, #tpu.memory_space<vmem>> -> memref<1x32x128xf32, #tpu.memory_space<vmem>>
      %dma_wait3A_1158 = tpu.memref_squeeze %dma_wait3A_1157 : memref<1x32x128xf32, #tpu.memory_space<vmem>> -> memref<32x128xf32, #tpu.memory_space<vmem>>
      %dma_wait3A_1159 = arith.constant 0 : i32
      %dma_wait3A_1160 = tpu.memref_slice %arg5[%dma_wait3A_1159, %multiple_of3A_1008] : memref<32x1000000xf32, #tpu.memory_space<hbm>> -> memref<32x128xf32, #tpu.memory_space<hbm>>
      %dma_wait3A_1161 = arith.constant 0 : i32
      %dma_wait3A_1162 = arith.constant 0 : i32
      %dma_wait3A_1163 = tpu.memref_slice %arg10[%dma_wait3A_1154, %dma_wait3A_1161, %dma_wait3A_1162] : memref<4x32x128xf32, #tpu.memory_space<vmem>> -> memref<1x32x128xf32, #tpu.memory_space<vmem>>
      %dma_wait3A_1164 = tpu.memref_squeeze %dma_wait3A_1163 : memref<1x32x128xf32, #tpu.memory_space<vmem>> -> memref<32x128xf32, #tpu.memory_space<vmem>>
      %dma_wait3A_1165 = arith.constant 0 : i32
      %dma_wait3A_1166 = tpu.memref_slice %arg5[%dma_wait3A_1165, %multiple_of3A_1008] : memref<32x1000000xf32, #tpu.memory_space<hbm>> -> memref<32x128xf32, #tpu.memory_space<hbm>>
      tpu.wait_dma2 semaphore(%arg13 : memref<!tpu.dma_semaphore, #tpu.memory_space<semaphore_mem>>) src(%dma_wait3A_1166 : memref<32x128xf32, #tpu.memory_space<hbm>>) dst(%dma_wait3A_1164 : memref<32x128xf32, #tpu.memory_space<vmem>>)
      %dma_wait3A_1167 = arith.constant 2 : i32
      %dma_wait3A_1168 = arith.constant 0 : i32
      %dma_wait3A_1169 = arith.constant 0 : i32
      %dma_wait3A_1170 = tpu.memref_slice %arg9[%dma_wait3A_1167, %dma_wait3A_1168, %dma_wait3A_1169] : memref<4x32x128xf32, #tpu.memory_space<vmem>> -> memref<1x32x128xf32, #tpu.memory_space<vmem>>
      %dma_wait3A_1171 = tpu.memref_squeeze %dma_wait3A_1170 : memref<1x32x128xf32, #tpu.memory_space<vmem>> -> memref<32x128xf32, #tpu.memory_space<vmem>>
      %dma_wait3A_1172 = arith.constant 0 : i32
      %dma_wait3A_1173 = tpu.memref_slice %arg4[%dma_wait3A_1172, %multiple_of3A_1041] : memref<32x1000000xf32, #tpu.memory_space<hbm>> -> memref<32x128xf32, #tpu.memory_space<hbm>>
      %dma_wait3A_1174 = arith.constant 0 : i32
      %dma_wait3A_1175 = arith.constant 0 : i32
      %dma_wait3A_1176 = tpu.memref_slice %arg9[%dma_wait3A_1167, %dma_wait3A_1174, %dma_wait3A_1175] : memref<4x32x128xf32, #tpu.memory_space<vmem>> -> memref<1x32x128xf32, #tpu.memory_space<vmem>>
      %dma_wait3A_1177 = tpu.memref_squeeze %dma_wait3A_1176 : memref<1x32x128xf32, #tpu.memory_space<vmem>> -> memref<32x128xf32, #tpu.memory_space<vmem>>
      %dma_wait3A_1178 = arith.constant 0 : i32
      %dma_wait3A_1179 = tpu.memref_slice %arg4[%dma_wait3A_1178, %multiple_of3A_1041] : memref<32x1000000xf32, #tpu.memory_space<hbm>> -> memref<32x128xf32, #tpu.memory_space<hbm>>
      tpu.wait_dma2 semaphore(%arg13 : memref<!tpu.dma_semaphore, #tpu.memory_space<semaphore_mem>>) src(%dma_wait3A_1179 : memref<32x128xf32, #tpu.memory_space<hbm>>) dst(%dma_wait3A_1177 : memref<32x128xf32, #tpu.memory_space<vmem>>)
      %dma_wait3A_1180 = arith.constant 2 : i32
      %dma_wait3A_1181 = arith.constant 0 : i32
      %dma_wait3A_1182 = arith.constant 0 : i32
      %dma_wait3A_1183 = tpu.memref_slice %arg10[%dma_wait3A_1180, %dma_wait3A_1181, %dma_wait3A_1182] : memref<4x32x128xf32, #tpu.memory_space<vmem>> -> memref<1x32x128xf32, #tpu.memory_space<vmem>>
      %dma_wait3A_1184 = tpu.memref_squeeze %dma_wait3A_1183 : memref<1x32x128xf32, #tpu.memory_space<vmem>> -> memref<32x128xf32, #tpu.memory_space<vmem>>
      %dma_wait3A_1185 = arith.constant 0 : i32
      %dma_wait3A_1186 = tpu.memref_slice %arg5[%dma_wait3A_1185, %multiple_of3A_1048] : memref<32x1000000xf32, #tpu.memory_space<hbm>> -> memref<32x128xf32, #tpu.memory_space<hbm>>
      %dma_wait3A_1187 = arith.constant 0 : i32
      %dma_wait3A_1188 = arith.constant 0 : i32
      %dma_wait3A_1189 = tpu.memref_slice %arg10[%dma_wait3A_1180, %dma_wait3A_1187, %dma_wait3A_1188] : memref<4x32x128xf32, #tpu.memory_space<vmem>> -> memref<1x32x128xf32, #tpu.memory_space<vmem>>
      %dma_wait3A_1190 = tpu.memref_squeeze %dma_wait3A_1189 : memref<1x32x128xf32, #tpu.memory_space<vmem>> -> memref<32x128xf32, #tpu.memory_space<vmem>>
      %dma_wait3A_1191 = arith.constant 0 : i32
      %dma_wait3A_1192 = tpu.memref_slice %arg5[%dma_wait3A_1191, %multiple_of3A_1048] : memref<32x1000000xf32, #tpu.memory_space<hbm>> -> memref<32x128xf32, #tpu.memory_space<hbm>>
      tpu.wait_dma2 semaphore(%arg13 : memref<!tpu.dma_semaphore, #tpu.memory_space<semaphore_mem>>) src(%dma_wait3A_1192 : memref<32x128xf32, #tpu.memory_space<hbm>>) dst(%dma_wait3A_1190 : memref<32x128xf32, #tpu.memory_space<vmem>>)
      %dma_wait3A_1193 = arith.constant 3 : i32
      %dma_wait3A_1194 = arith.constant 0 : i32
      %dma_wait3A_1195 = arith.constant 0 : i32
      %dma_wait3A_1196 = tpu.memref_slice %arg9[%dma_wait3A_1193, %dma_wait3A_1194, %dma_wait3A_1195] : memref<4x32x128xf32, #tpu.memory_space<vmem>> -> memref<1x32x128xf32, #tpu.memory_space<vmem>>
      %dma_wait3A_1197 = tpu.memref_squeeze %dma_wait3A_1196 : memref<1x32x128xf32, #tpu.memory_space<vmem>> -> memref<32x128xf32, #tpu.memory_space<vmem>>
      %dma_wait3A_1198 = arith.constant 0 : i32
      %dma_wait3A_1199 = tpu.memref_slice %arg4[%dma_wait3A_1198, %multiple_of3A_1081] : memref<32x1000000xf32, #tpu.memory_space<hbm>> -> memref<32x128xf32, #tpu.memory_space<hbm>>
      %dma_wait3A_1200 = arith.constant 0 : i32
      %dma_wait3A_1201 = arith.constant 0 : i32
      %dma_wait3A_1202 = tpu.memref_slice %arg9[%dma_wait3A_1193, %dma_wait3A_1200, %dma_wait3A_1201] : memref<4x32x128xf32, #tpu.memory_space<vmem>> -> memref<1x32x128xf32, #tpu.memory_space<vmem>>
      %dma_wait3A_1203 = tpu.memref_squeeze %dma_wait3A_1202 : memref<1x32x128xf32, #tpu.memory_space<vmem>> -> memref<32x128xf32, #tpu.memory_space<vmem>>
      %dma_wait3A_1204 = arith.constant 0 : i32
      %dma_wait3A_1205 = tpu.memref_slice %arg4[%dma_wait3A_1204, %multiple_of3A_1081] : memref<32x1000000xf32, #tpu.memory_space<hbm>> -> memref<32x128xf32, #tpu.memory_space<hbm>>
      tpu.wait_dma2 semaphore(%arg13 : memref<!tpu.dma_semaphore, #tpu.memory_space<semaphore_mem>>) src(%dma_wait3A_1205 : memref<32x128xf32, #tpu.memory_space<hbm>>) dst(%dma_wait3A_1203 : memref<32x128xf32, #tpu.memory_space<vmem>>)
      %dma_wait3A_1206 = arith.constant 3 : i32
      %dma_wait3A_1207 = arith.constant 0 : i32
      %dma_wait3A_1208 = arith.constant 0 : i32
      %dma_wait3A_1209 = tpu.memref_slice %arg10[%dma_wait3A_1206, %dma_wait3A_1207, %dma_wait3A_1208] : memref<4x32x128xf32, #tpu.memory_space<vmem>> -> memref<1x32x128xf32, #tpu.memory_space<vmem>>
      %dma_wait3A_1210 = tpu.memref_squeeze %dma_wait3A_1209 : memref<1x32x128xf32, #tpu.memory_space<vmem>> -> memref<32x128xf32, #tpu.memory_space<vmem>>
      %dma_wait3A_1211 = arith.constant 0 : i32
      %dma_wait3A_1212 = tpu.memref_slice %arg5[%dma_wait3A_1211, %multiple_of3A_1088] : memref<32x1000000xf32, #tpu.memory_space<hbm>> -> memref<32x128xf32, #tpu.memory_space<hbm>>
      %dma_wait3A_1213 = arith.constant 0 : i32
      %dma_wait3A_1214 = arith.constant 0 : i32
      %dma_wait3A_1215 = tpu.memref_slice %arg10[%dma_wait3A_1206, %dma_wait3A_1213, %dma_wait3A_1214] : memref<4x32x128xf32, #tpu.memory_space<vmem>> -> memref<1x32x128xf32, #tpu.memory_space<vmem>>
      %dma_wait3A_1216 = tpu.memref_squeeze %dma_wait3A_1215 : memref<1x32x128xf32, #tpu.memory_space<vmem>> -> memref<32x128xf32, #tpu.memory_space<vmem>>
      %dma_wait3A_1217 = arith.constant 0 : i32
      %dma_wait3A_1218 = tpu.memref_slice %arg5[%dma_wait3A_1217, %multiple_of3A_1088] : memref<32x1000000xf32, #tpu.memory_space<hbm>> -> memref<32x128xf32, #tpu.memory_space<hbm>>
      tpu.wait_dma2 semaphore(%arg13 : memref<!tpu.dma_semaphore, #tpu.memory_space<semaphore_mem>>) src(%dma_wait3A_1218 : memref<32x128xf32, #tpu.memory_space<hbm>>) dst(%dma_wait3A_1216 : memref<32x128xf32, #tpu.memory_space<vmem>>)
      %slice3A_1219 = vector.extract_strided_slice %and3A_31 {offsets = [8], sizes = [1], strides = [1]} : vector<16xi32> to vector<1xi32>
      %squeeze3A_1220 = vector.extract %slice3A_1219[0] : i32 from vector<1xi32>
      %broadcast_in_dim3A_1221 = vector.broadcast %squeeze3A_1220 : i32 to vector<16xi32>
      %slice3A_1222 = vector.extract_strided_slice %and3A_34 {offsets = [8], sizes = [1], strides = [1]} : vector<16xi32> to vector<1xi32>
      %squeeze3A_1223 = vector.extract %slice3A_1222[0] : i32 from vector<1xi32>
      %broadcast_in_dim3A_1224 = vector.broadcast %squeeze3A_1223 : i32 to vector<16xi32>
      %gather3A_1225 = arith.constant 0 : i32
      %gather3A_1226 = arith.constant 0 : i32
      %gather3A_1227 = arith.constant 0 : i32
      %gather3A_1228 = tpu.memref_slice %arg9[%gather3A_1225, %gather3A_1226, %gather3A_1227] : memref<4x32x128xf32, #tpu.memory_space<vmem>> -> memref<1x32x128xf32, #tpu.memory_space<vmem>>
      %gather3A_1229 = tpu.memref_squeeze %gather3A_1228 : memref<1x32x128xf32, #tpu.memory_space<vmem>> -> memref<32x128xf32, #tpu.memory_space<vmem>>
      %gather3A_1230 = tpu.vector_load_idx %gather3A_1229[%iota3A, %broadcast_in_dim3A_1221] : memref<32x128xf32, #tpu.memory_space<vmem>>[vector<16xi32>, vector<16xi32>], vector<16xf32>,
      %add3A_1231 = arith.constant 8 : i32
      %add3A_1232 = arith.addi %mul3A_26, %add3A_1231 : i32
      %swap3A_1233 = arith.index_cast %add3A_1232 : i32 to index
      %swap3A_1234 = arith.constant 0 : index
      %swap3A_1235 = tpu.vector_load %arg11[%swap3A_1233, %swap3A_1234] {strides = array<i32>} : memref<512x64xf32, #tpu.memory_space<vmem>>, vector<16xf32>,
      tpu.vector_store %arg11[%swap3A_1233, %swap3A_1234], %gather3A_1230 {strides = array<i32>} : memref<512x64xf32, #tpu.memory_space<vmem>>, vector<16xf32>,
      %gather3A_1236 = arith.constant 0 : i32
      %gather3A_1237 = arith.constant 0 : i32
      %gather3A_1238 = arith.constant 0 : i32
      %gather3A_1239 = tpu.memref_slice %arg9[%gather3A_1236, %gather3A_1237, %gather3A_1238] : memref<4x32x128xf32, #tpu.memory_space<vmem>> -> memref<1x32x128xf32, #tpu.memory_space<vmem>>
      %gather3A_1240 = tpu.memref_squeeze %gather3A_1239 : memref<1x32x128xf32, #tpu.memory_space<vmem>> -> memref<32x128xf32, #tpu.memory_space<vmem>>
      %gather3A_1241 = tpu.vector_load_idx %gather3A_1240[%add3A_11, %broadcast_in_dim3A_1221] : memref<32x128xf32, #tpu.memory_space<vmem>>[vector<16xi32>, vector<16xi32>], vector<16xf32>,
      %add3A_1242 = arith.constant 8 : i32
      %add3A_1243 = arith.addi %mul3A_26, %add3A_1242 : i32
      %swap3A_1244 = arith.index_cast %add3A_1243 : i32 to index
      %swap3A_1245 = arith.constant 16 : index
      %swap3A_1246 = tpu.vector_load %arg11[%swap3A_1244, %swap3A_1245] {strides = array<i32>} : memref<512x64xf32, #tpu.memory_space<vmem>>, vector<16xf32>,
      tpu.vector_store %arg11[%swap3A_1244, %swap3A_1245], %gather3A_1241 {strides = array<i32>} : memref<512x64xf32, #tpu.memory_space<vmem>>, vector<16xf32>,
      %gather3A_1247 = arith.constant 0 : i32
      %gather3A_1248 = arith.constant 0 : i32
      %gather3A_1249 = arith.constant 0 : i32
      %gather3A_1250 = tpu.memref_slice %arg10[%gather3A_1247, %gather3A_1248, %gather3A_1249] : memref<4x32x128xf32, #tpu.memory_space<vmem>> -> memref<1x32x128xf32, #tpu.memory_space<vmem>>
      %gather3A_1251 = tpu.memref_squeeze %gather3A_1250 : memref<1x32x128xf32, #tpu.memory_space<vmem>> -> memref<32x128xf32, #tpu.memory_space<vmem>>
      %gather3A_1252 = tpu.vector_load_idx %gather3A_1251[%iota3A, %broadcast_in_dim3A_1224] : memref<32x128xf32, #tpu.memory_space<vmem>>[vector<16xi32>, vector<16xi32>], vector<16xf32>,
      %add3A_1253 = arith.constant 8 : i32
      %add3A_1254 = arith.addi %mul3A_26, %add3A_1253 : i32
      %swap3A_1255 = arith.index_cast %add3A_1254 : i32 to index
      %swap3A_1256 = arith.constant 32 : index
      %swap3A_1257 = tpu.vector_load %arg11[%swap3A_1255, %swap3A_1256] {strides = array<i32>} : memref<512x64xf32, #tpu.memory_space<vmem>>, vector<16xf32>,
      tpu.vector_store %arg11[%swap3A_1255, %swap3A_1256], %gather3A_1252 {strides = array<i32>} : memref<512x64xf32, #tpu.memory_space<vmem>>, vector<16xf32>,
      %gather3A_1258 = arith.constant 0 : i32
      %gather3A_1259 = arith.constant 0 : i32
      %gather3A_1260 = arith.constant 0 : i32
      %gather3A_1261 = tpu.memref_slice %arg10[%gather3A_1258, %gather3A_1259, %gather3A_1260] : memref<4x32x128xf32, #tpu.memory_space<vmem>> -> memref<1x32x128xf32, #tpu.memory_space<vmem>>
      %gather3A_1262 = tpu.memref_squeeze %gather3A_1261 : memref<1x32x128xf32, #tpu.memory_space<vmem>> -> memref<32x128xf32, #tpu.memory_space<vmem>>
      %gather3A_1263 = tpu.vector_load_idx %gather3A_1262[%add3A_11, %broadcast_in_dim3A_1224] : memref<32x128xf32, #tpu.memory_space<vmem>>[vector<16xi32>, vector<16xi32>], vector<16xf32>,
      %add3A_1264 = arith.constant 8 : i32
      %add3A_1265 = arith.addi %mul3A_26, %add3A_1264 : i32
      %swap3A_1266 = arith.index_cast %add3A_1265 : i32 to index
      %swap3A_1267 = arith.constant 48 : index
      %swap3A_1268 = tpu.vector_load %arg11[%swap3A_1266, %swap3A_1267] {strides = array<i32>} : memref<512x64xf32, #tpu.memory_space<vmem>>, vector<16xf32>,
      tpu.vector_store %arg11[%swap3A_1266, %swap3A_1267], %gather3A_1263 {strides = array<i32>} : memref<512x64xf32, #tpu.memory_space<vmem>>, vector<16xf32>,
      %slice3A_1269 = vector.extract_strided_slice %and3A_31 {offsets = [9], sizes = [1], strides = [1]} : vector<16xi32> to vector<1xi32>
      %squeeze3A_1270 = vector.extract %slice3A_1269[0] : i32 from vector<1xi32>
      %broadcast_in_dim3A_1271 = vector.broadcast %squeeze3A_1270 : i32 to vector<16xi32>
      %slice3A_1272 = vector.extract_strided_slice %and3A_34 {offsets = [9], sizes = [1], strides = [1]} : vector<16xi32> to vector<1xi32>
      %squeeze3A_1273 = vector.extract %slice3A_1272[0] : i32 from vector<1xi32>
      %broadcast_in_dim3A_1274 = vector.broadcast %squeeze3A_1273 : i32 to vector<16xi32>
      %gather3A_1275 = arith.constant 1 : i32
      %gather3A_1276 = arith.constant 0 : i32
      %gather3A_1277 = arith.constant 0 : i32
      %gather3A_1278 = tpu.memref_slice %arg9[%gather3A_1275, %gather3A_1276, %gather3A_1277] : memref<4x32x128xf32, #tpu.memory_space<vmem>> -> memref<1x32x128xf32, #tpu.memory_space<vmem>>
      %gather3A_1279 = tpu.memref_squeeze %gather3A_1278 : memref<1x32x128xf32, #tpu.memory_space<vmem>> -> memref<32x128xf32, #tpu.memory_space<vmem>>
      %gather3A_1280 = tpu.vector_load_idx %gather3A_1279[%iota3A, %broadcast_in_dim3A_1271] : memref<32x128xf32, #tpu.memory_space<vmem>>[vector<16xi32>, vector<16xi32>], vector<16xf32>,
      %add3A_1281 = arith.constant 9 : i32
      %add3A_1282 = arith.addi %mul3A_26, %add3A_1281 : i32
      %swap3A_1283 = arith.index_cast %add3A_1282 : i32 to index
      %swap3A_1284 = arith.constant 0 : index
      %swap3A_1285 = tpu.vector_load %arg11[%swap3A_1283, %swap3A_1284] {strides = array<i32>} : memref<512x64xf32, #tpu.memory_space<vmem>>, vector<16xf32>,
      tpu.vector_store %arg11[%swap3A_1283, %swap3A_1284], %gather3A_1280 {strides = array<i32>} : memref<512x64xf32, #tpu.memory_space<vmem>>, vector<16xf32>,
      %gather3A_1286 = arith.constant 1 : i32
      %gather3A_1287 = arith.constant 0 : i32
      %gather3A_1288 = arith.constant 0 : i32
      %gather3A_1289 = tpu.memref_slice %arg9[%gather3A_1286, %gather3A_1287, %gather3A_1288] : memref<4x32x128xf32, #tpu.memory_space<vmem>> -> memref<1x32x128xf32, #tpu.memory_space<vmem>>
      %gather3A_1290 = tpu.memref_squeeze %gather3A_1289 : memref<1x32x128xf32, #tpu.memory_space<vmem>> -> memref<32x128xf32, #tpu.memory_space<vmem>>
      %gather3A_1291 = tpu.vector_load_idx %gather3A_1290[%add3A_11, %broadcast_in_dim3A_1271] : memref<32x128xf32, #tpu.memory_space<vmem>>[vector<16xi32>, vector<16xi32>], vector<16xf32>,
      %add3A_1292 = arith.constant 9 : i32
      %add3A_1293 = arith.addi %mul3A_26, %add3A_1292 : i32
      %swap3A_1294 = arith.index_cast %add3A_1293 : i32 to index
      %swap3A_1295 = arith.constant 16 : index
      %swap3A_1296 = tpu.vector_load %arg11[%swap3A_1294, %swap3A_1295] {strides = array<i32>} : memref<512x64xf32, #tpu.memory_space<vmem>>, vector<16xf32>,
      tpu.vector_store %arg11[%swap3A_1294, %swap3A_1295], %gather3A_1291 {strides = array<i32>} : memref<512x64xf32, #tpu.memory_space<vmem>>, vector<16xf32>,
      %gather3A_1297 = arith.constant 1 : i32
      %gather3A_1298 = arith.constant 0 : i32
      %gather3A_1299 = arith.constant 0 : i32
      %gather3A_1300 = tpu.memref_slice %arg10[%gather3A_1297, %gather3A_1298, %gather3A_1299] : memref<4x32x128xf32, #tpu.memory_space<vmem>> -> memref<1x32x128xf32, #tpu.memory_space<vmem>>
      %gather3A_1301 = tpu.memref_squeeze %gather3A_1300 : memref<1x32x128xf32, #tpu.memory_space<vmem>> -> memref<32x128xf32, #tpu.memory_space<vmem>>
      %gather3A_1302 = tpu.vector_load_idx %gather3A_1301[%iota3A, %broadcast_in_dim3A_1274] : memref<32x128xf32, #tpu.memory_space<vmem>>[vector<16xi32>, vector<16xi32>], vector<16xf32>,
      %add3A_1303 = arith.constant 9 : i32
      %add3A_1304 = arith.addi %mul3A_26, %add3A_1303 : i32
      %swap3A_1305 = arith.index_cast %add3A_1304 : i32 to index
      %swap3A_1306 = arith.constant 32 : index
      %swap3A_1307 = tpu.vector_load %arg11[%swap3A_1305, %swap3A_1306] {strides = array<i32>} : memref<512x64xf32, #tpu.memory_space<vmem>>, vector<16xf32>,
      tpu.vector_store %arg11[%swap3A_1305, %swap3A_1306], %gather3A_1302 {strides = array<i32>} : memref<512x64xf32, #tpu.memory_space<vmem>>, vector<16xf32>,
      %gather3A_1308 = arith.constant 1 : i32
      %gather3A_1309 = arith.constant 0 : i32
      %gather3A_1310 = arith.constant 0 : i32
      %gather3A_1311 = tpu.memref_slice %arg10[%gather3A_1308, %gather3A_1309, %gather3A_1310] : memref<4x32x128xf32, #tpu.memory_space<vmem>> -> memref<1x32x128xf32, #tpu.memory_space<vmem>>
      %gather3A_1312 = tpu.memref_squeeze %gather3A_1311 : memref<1x32x128xf32, #tpu.memory_space<vmem>> -> memref<32x128xf32, #tpu.memory_space<vmem>>
      %gather3A_1313 = tpu.vector_load_idx %gather3A_1312[%add3A_11, %broadcast_in_dim3A_1274] : memref<32x128xf32, #tpu.memory_space<vmem>>[vector<16xi32>, vector<16xi32>], vector<16xf32>,
      %add3A_1314 = arith.constant 9 : i32
      %add3A_1315 = arith.addi %mul3A_26, %add3A_1314 : i32
      %swap3A_1316 = arith.index_cast %add3A_1315 : i32 to index
      %swap3A_1317 = arith.constant 48 : index
      %swap3A_1318 = tpu.vector_load %arg11[%swap3A_1316, %swap3A_1317] {strides = array<i32>} : memref<512x64xf32, #tpu.memory_space<vmem>>, vector<16xf32>,
      tpu.vector_store %arg11[%swap3A_1316, %swap3A_1317], %gather3A_1313 {strides = array<i32>} : memref<512x64xf32, #tpu.memory_space<vmem>>, vector<16xf32>,
      %slice3A_1319 = vector.extract_strided_slice %and3A_31 {offsets = [10], sizes = [1], strides = [1]} : vector<16xi32> to vector<1xi32>
      %squeeze3A_1320 = vector.extract %slice3A_1319[0] : i32 from vector<1xi32>
      %broadcast_in_dim3A_1321 = vector.broadcast %squeeze3A_1320 : i32 to vector<16xi32>
      %slice3A_1322 = vector.extract_strided_slice %and3A_34 {offsets = [10], sizes = [1], strides = [1]} : vector<16xi32> to vector<1xi32>
      %squeeze3A_1323 = vector.extract %slice3A_1322[0] : i32 from vector<1xi32>
      %broadcast_in_dim3A_1324 = vector.broadcast %squeeze3A_1323 : i32 to vector<16xi32>
      %gather3A_1325 = arith.constant 2 : i32
      %gather3A_1326 = arith.constant 0 : i32
      %gather3A_1327 = arith.constant 0 : i32
      %gather3A_1328 = tpu.memref_slice %arg9[%gather3A_1325, %gather3A_1326, %gather3A_1327] : memref<4x32x128xf32, #tpu.memory_space<vmem>> -> memref<1x32x128xf32, #tpu.memory_space<vmem>>
      %gather3A_1329 = tpu.memref_squeeze %gather3A_1328 : memref<1x32x128xf32, #tpu.memory_space<vmem>> -> memref<32x128xf32, #tpu.memory_space<vmem>>
      %gather3A_1330 = tpu.vector_load_idx %gather3A_1329[%iota3A, %broadcast_in_dim3A_1321] : memref<32x128xf32, #tpu.memory_space<vmem>>[vector<16xi32>, vector<16xi32>], vector<16xf32>,
      %add3A_1331 = arith.constant 10 : i32
      %add3A_1332 = arith.addi %mul3A_26, %add3A_1331 : i32
      %swap3A_1333 = arith.index_cast %add3A_1332 : i32 to index
      %swap3A_1334 = arith.constant 0 : index
      %swap3A_1335 = tpu.vector_load %arg11[%swap3A_1333, %swap3A_1334] {strides = array<i32>} : memref<512x64xf32, #tpu.memory_space<vmem>>, vector<16xf32>,
      tpu.vector_store %arg11[%swap3A_1333, %swap3A_1334], %gather3A_1330 {strides = array<i32>} : memref<512x64xf32, #tpu.memory_space<vmem>>, vector<16xf32>,
      %gather3A_1336 = arith.constant 2 : i32
      %gather3A_1337 = arith.constant 0 : i32
      %gather3A_1338 = arith.constant 0 : i32
      %gather3A_1339 = tpu.memref_slice %arg9[%gather3A_1336, %gather3A_1337, %gather3A_1338] : memref<4x32x128xf32, #tpu.memory_space<vmem>> -> memref<1x32x128xf32, #tpu.memory_space<vmem>>
      %gather3A_1340 = tpu.memref_squeeze %gather3A_1339 : memref<1x32x128xf32, #tpu.memory_space<vmem>> -> memref<32x128xf32, #tpu.memory_space<vmem>>
      %gather3A_1341 = tpu.vector_load_idx %gather3A_1340[%add3A_11, %broadcast_in_dim3A_1321] : memref<32x128xf32, #tpu.memory_space<vmem>>[vector<16xi32>, vector<16xi32>], vector<16xf32>,
      %add3A_1342 = arith.constant 10 : i32
      %add3A_1343 = arith.addi %mul3A_26, %add3A_1342 : i32
      %swap3A_1344 = arith.index_cast %add3A_1343 : i32 to index
      %swap3A_1345 = arith.constant 16 : index
      %swap3A_1346 = tpu.vector_load %arg11[%swap3A_1344, %swap3A_1345] {strides = array<i32>} : memref<512x64xf32, #tpu.memory_space<vmem>>, vector<16xf32>,
      tpu.vector_store %arg11[%swap3A_1344, %swap3A_1345], %gather3A_1341 {strides = array<i32>} : memref<512x64xf32, #tpu.memory_space<vmem>>, vector<16xf32>,
      %gather3A_1347 = arith.constant 2 : i32
      %gather3A_1348 = arith.constant 0 : i32
      %gather3A_1349 = arith.constant 0 : i32
      %gather3A_1350 = tpu.memref_slice %arg10[%gather3A_1347, %gather3A_1348, %gather3A_1349] : memref<4x32x128xf32, #tpu.memory_space<vmem>> -> memref<1x32x128xf32, #tpu.memory_space<vmem>>
      %gather3A_1351 = tpu.memref_squeeze %gather3A_1350 : memref<1x32x128xf32, #tpu.memory_space<vmem>> -> memref<32x128xf32, #tpu.memory_space<vmem>>
      %gather3A_1352 = tpu.vector_load_idx %gather3A_1351[%iota3A, %broadcast_in_dim3A_1324] : memref<32x128xf32, #tpu.memory_space<vmem>>[vector<16xi32>, vector<16xi32>], vector<16xf32>,
      %add3A_1353 = arith.constant 10 : i32
      %add3A_1354 = arith.addi %mul3A_26, %add3A_1353 : i32
      %swap3A_1355 = arith.index_cast %add3A_1354 : i32 to index
      %swap3A_1356 = arith.constant 32 : index
      %swap3A_1357 = tpu.vector_load %arg11[%swap3A_1355, %swap3A_1356] {strides = array<i32>} : memref<512x64xf32, #tpu.memory_space<vmem>>, vector<16xf32>,
      tpu.vector_store %arg11[%swap3A_1355, %swap3A_1356], %gather3A_1352 {strides = array<i32>} : memref<512x64xf32, #tpu.memory_space<vmem>>, vector<16xf32>,
      %gather3A_1358 = arith.constant 2 : i32
      %gather3A_1359 = arith.constant 0 : i32
      %gather3A_1360 = arith.constant 0 : i32
      %gather3A_1361 = tpu.memref_slice %arg10[%gather3A_1358, %gather3A_1359, %gather3A_1360] : memref<4x32x128xf32, #tpu.memory_space<vmem>> -> memref<1x32x128xf32, #tpu.memory_space<vmem>>
      %gather3A_1362 = tpu.memref_squeeze %gather3A_1361 : memref<1x32x128xf32, #tpu.memory_space<vmem>> -> memref<32x128xf32, #tpu.memory_space<vmem>>
      %gather3A_1363 = tpu.vector_load_idx %gather3A_1362[%add3A_11, %broadcast_in_dim3A_1324] : memref<32x128xf32, #tpu.memory_space<vmem>>[vector<16xi32>, vector<16xi32>], vector<16xf32>,
      %add3A_1364 = arith.constant 10 : i32
      %add3A_1365 = arith.addi %mul3A_26, %add3A_1364 : i32
      %swap3A_1366 = arith.index_cast %add3A_1365 : i32 to index
      %swap3A_1367 = arith.constant 48 : index
      %swap3A_1368 = tpu.vector_load %arg11[%swap3A_1366, %swap3A_1367] {strides = array<i32>} : memref<512x64xf32, #tpu.memory_space<vmem>>, vector<16xf32>,
      tpu.vector_store %arg11[%swap3A_1366, %swap3A_1367], %gather3A_1363 {strides = array<i32>} : memref<512x64xf32, #tpu.memory_space<vmem>>, vector<16xf32>,
      %slice3A_1369 = vector.extract_strided_slice %and3A_31 {offsets = [11], sizes = [1], strides = [1]} : vector<16xi32> to vector<1xi32>
      %squeeze3A_1370 = vector.extract %slice3A_1369[0] : i32 from vector<1xi32>
      %broadcast_in_dim3A_1371 = vector.broadcast %squeeze3A_1370 : i32 to vector<16xi32>
      %slice3A_1372 = vector.extract_strided_slice %and3A_34 {offsets = [11], sizes = [1], strides = [1]} : vector<16xi32> to vector<1xi32>
      %squeeze3A_1373 = vector.extract %slice3A_1372[0] : i32 from vector<1xi32>
      %broadcast_in_dim3A_1374 = vector.broadcast %squeeze3A_1373 : i32 to vector<16xi32>
      %gather3A_1375 = arith.constant 3 : i32
      %gather3A_1376 = arith.constant 0 : i32
      %gather3A_1377 = arith.constant 0 : i32
      %gather3A_1378 = tpu.memref_slice %arg9[%gather3A_1375, %gather3A_1376, %gather3A_1377] : memref<4x32x128xf32, #tpu.memory_space<vmem>> -> memref<1x32x128xf32, #tpu.memory_space<vmem>>
      %gather3A_1379 = tpu.memref_squeeze %gather3A_1378 : memref<1x32x128xf32, #tpu.memory_space<vmem>> -> memref<32x128xf32, #tpu.memory_space<vmem>>
      %gather3A_1380 = tpu.vector_load_idx %gather3A_1379[%iota3A, %broadcast_in_dim3A_1371] : memref<32x128xf32, #tpu.memory_space<vmem>>[vector<16xi32>, vector<16xi32>], vector<16xf32>,
      %add3A_1381 = arith.constant 11 : i32
      %add3A_1382 = arith.addi %mul3A_26, %add3A_1381 : i32
      %swap3A_1383 = arith.index_cast %add3A_1382 : i32 to index
      %swap3A_1384 = arith.constant 0 : index
      %swap3A_1385 = tpu.vector_load %arg11[%swap3A_1383, %swap3A_1384] {strides = array<i32>} : memref<512x64xf32, #tpu.memory_space<vmem>>, vector<16xf32>,
      tpu.vector_store %arg11[%swap3A_1383, %swap3A_1384], %gather3A_1380 {strides = array<i32>} : memref<512x64xf32, #tpu.memory_space<vmem>>, vector<16xf32>,
      %gather3A_1386 = arith.constant 3 : i32
      %gather3A_1387 = arith.constant 0 : i32
      %gather3A_1388 = arith.constant 0 : i32
      %gather3A_1389 = tpu.memref_slice %arg9[%gather3A_1386, %gather3A_1387, %gather3A_1388] : memref<4x32x128xf32, #tpu.memory_space<vmem>> -> memref<1x32x128xf32, #tpu.memory_space<vmem>>
      %gather3A_1390 = tpu.memref_squeeze %gather3A_1389 : memref<1x32x128xf32, #tpu.memory_space<vmem>> -> memref<32x128xf32, #tpu.memory_space<vmem>>
      %gather3A_1391 = tpu.vector_load_idx %gather3A_1390[%add3A_11, %broadcast_in_dim3A_1371] : memref<32x128xf32, #tpu.memory_space<vmem>>[vector<16xi32>, vector<16xi32>], vector<16xf32>,
      %add3A_1392 = arith.constant 11 : i32
      %add3A_1393 = arith.addi %mul3A_26, %add3A_1392 : i32
      %swap3A_1394 = arith.index_cast %add3A_1393 : i32 to index
      %swap3A_1395 = arith.constant 16 : index
      %swap3A_1396 = tpu.vector_load %arg11[%swap3A_1394, %swap3A_1395] {strides = array<i32>} : memref<512x64xf32, #tpu.memory_space<vmem>>, vector<16xf32>,
      tpu.vector_store %arg11[%swap3A_1394, %swap3A_1395], %gather3A_1391 {strides = array<i32>} : memref<512x64xf32, #tpu.memory_space<vmem>>, vector<16xf32>,
      %gather3A_1397 = arith.constant 3 : i32
      %gather3A_1398 = arith.constant 0 : i32
      %gather3A_1399 = arith.constant 0 : i32
      %gather3A_1400 = tpu.memref_slice %arg10[%gather3A_1397, %gather3A_1398, %gather3A_1399] : memref<4x32x128xf32, #tpu.memory_space<vmem>> -> memref<1x32x128xf32, #tpu.memory_space<vmem>>
      %gather3A_1401 = tpu.memref_squeeze %gather3A_1400 : memref<1x32x128xf32, #tpu.memory_space<vmem>> -> memref<32x128xf32, #tpu.memory_space<vmem>>
      %gather3A_1402 = tpu.vector_load_idx %gather3A_1401[%iota3A, %broadcast_in_dim3A_1374] : memref<32x128xf32, #tpu.memory_space<vmem>>[vector<16xi32>, vector<16xi32>], vector<16xf32>,
      %add3A_1403 = arith.constant 11 : i32
      %add3A_1404 = arith.addi %mul3A_26, %add3A_1403 : i32
      %swap3A_1405 = arith.index_cast %add3A_1404 : i32 to index
      %swap3A_1406 = arith.constant 32 : index
      %swap3A_1407 = tpu.vector_load %arg11[%swap3A_1405, %swap3A_1406] {strides = array<i32>} : memref<512x64xf32, #tpu.memory_space<vmem>>, vector<16xf32>,
      tpu.vector_store %arg11[%swap3A_1405, %swap3A_1406], %gather3A_1402 {strides = array<i32>} : memref<512x64xf32, #tpu.memory_space<vmem>>, vector<16xf32>,
      %gather3A_1408 = arith.constant 3 : i32
      %gather3A_1409 = arith.constant 0 : i32
      %gather3A_1410 = arith.constant 0 : i32
      %gather3A_1411 = tpu.memref_slice %arg10[%gather3A_1408, %gather3A_1409, %gather3A_1410] : memref<4x32x128xf32, #tpu.memory_space<vmem>> -> memref<1x32x128xf32, #tpu.memory_space<vmem>>
      %gather3A_1412 = tpu.memref_squeeze %gather3A_1411 : memref<1x32x128xf32, #tpu.memory_space<vmem>> -> memref<32x128xf32, #tpu.memory_space<vmem>>
      %gather3A_1413 = tpu.vector_load_idx %gather3A_1412[%add3A_11, %broadcast_in_dim3A_1374] : memref<32x128xf32, #tpu.memory_space<vmem>>[vector<16xi32>, vector<16xi32>], vector<16xf32>,
      %add3A_1414 = arith.constant 11 : i32
      %add3A_1415 = arith.addi %mul3A_26, %add3A_1414 : i32
      %swap3A_1416 = arith.index_cast %add3A_1415 : i32 to index
      %swap3A_1417 = arith.constant 48 : index
      %swap3A_1418 = tpu.vector_load %arg11[%swap3A_1416, %swap3A_1417] {strides = array<i32>} : memref<512x64xf32, #tpu.memory_space<vmem>>, vector<16xf32>,
      tpu.vector_store %arg11[%swap3A_1416, %swap3A_1417], %gather3A_1413 {strides = array<i32>} : memref<512x64xf32, #tpu.memory_space<vmem>>, vector<16xf32>,
      %slice3A_1419 = vector.extract_strided_slice %get3A_27 {offsets = [12], sizes = [1], strides = [1]} : vector<16xi32> to vector<1xi32>
      %squeeze3A_1420 = vector.extract %slice3A_1419[0] : i32 from vector<1xi32>
      %shift_right_arithmetic3A_1421 = arith.constant 7 : i32
      %shift_right_arithmetic3A_1422 = arith.shrsi %squeeze3A_1420, %shift_right_arithmetic3A_1421 : i32
      %shift_left3A_1423 = arith.constant 7 : i32
      %shift_left3A_1424 = arith.shli %shift_right_arithmetic3A_1422, %shift_left3A_1423 : i32
      %multiple_of3A_1425 = tpu.assume_multiple %shift_left3A_1424, 128 : i32
      %slice3A_1426 = vector.extract_strided_slice %get3A_29 {offsets = [12], sizes = [1], strides = [1]} : vector<16xi32> to vector<1xi32>
      %squeeze3A_1427 = vector.extract %slice3A_1426[0] : i32 from vector<1xi32>
      %shift_right_arithmetic3A_1428 = arith.constant 7 : i32
      %shift_right_arithmetic3A_1429 = arith.shrsi %squeeze3A_1427, %shift_right_arithmetic3A_1428 : i32
      %shift_left3A_1430 = arith.constant 7 : i32
      %shift_left3A_1431 = arith.shli %shift_right_arithmetic3A_1429, %shift_left3A_1430 : i32
      %multiple_of3A_1432 = tpu.assume_multiple %shift_left3A_1431, 128 : i32
      %dma_start3A_1433 = arith.constant 0 : i32
      %dma_start3A_1434 = arith.constant 0 : i32
      %dma_start3A_1435 = arith.constant 0 : i32
      %dma_start3A_1436 = tpu.memref_slice %arg9[%dma_start3A_1433, %dma_start3A_1434, %dma_start3A_1435] : memref<4x32x128xf32, #tpu.memory_space<vmem>> -> memref<1x32x128xf32, #tpu.memory_space<vmem>>
      %dma_start3A_1437 = tpu.memref_squeeze %dma_start3A_1436 : memref<1x32x128xf32, #tpu.memory_space<vmem>> -> memref<32x128xf32, #tpu.memory_space<vmem>>
      %dma_start3A_1438 = arith.constant 0 : i32
      %dma_start3A_1439 = tpu.memref_slice %arg4[%dma_start3A_1438, %multiple_of3A_1425] : memref<32x1000000xf32, #tpu.memory_space<hbm>> -> memref<32x128xf32, #tpu.memory_space<hbm>>
      %dma_start3A_1440 = arith.constant 0 : i32
      %dma_start3A_1441 = arith.constant 0 : i32
      %dma_start3A_1442 = tpu.memref_slice %arg9[%dma_start3A_1433, %dma_start3A_1440, %dma_start3A_1441] : memref<4x32x128xf32, #tpu.memory_space<vmem>> -> memref<1x32x128xf32, #tpu.memory_space<vmem>>
      %dma_start3A_1443 = tpu.memref_squeeze %dma_start3A_1442 : memref<1x32x128xf32, #tpu.memory_space<vmem>> -> memref<32x128xf32, #tpu.memory_space<vmem>>
      %dma_start3A_1444 = arith.constant 0 : i32
      %dma_start3A_1445 = tpu.memref_slice %arg4[%dma_start3A_1444, %multiple_of3A_1425] : memref<32x1000000xf32, #tpu.memory_space<hbm>> -> memref<32x128xf32, #tpu.memory_space<hbm>>
      tpu.enqueue_dma source(%dma_start3A_1445 : memref<32x128xf32, #tpu.memory_space<hbm>>) target(%dma_start3A_1443 : memref<32x128xf32, #tpu.memory_space<vmem>>) target_semaphore(%arg13 : memref<!tpu.dma_semaphore, #tpu.memory_space<semaphore_mem>>)
      %dma_start3A_1446 = arith.constant 0 : i32
      %dma_start3A_1447 = arith.constant 0 : i32
      %dma_start3A_1448 = arith.constant 0 : i32
      %dma_start3A_1449 = tpu.memref_slice %arg10[%dma_start3A_1446, %dma_start3A_1447, %dma_start3A_1448] : memref<4x32x128xf32, #tpu.memory_space<vmem>> -> memref<1x32x128xf32, #tpu.memory_space<vmem>>
      %dma_start3A_1450 = tpu.memref_squeeze %dma_start3A_1449 : memref<1x32x128xf32, #tpu.memory_space<vmem>> -> memref<32x128xf32, #tpu.memory_space<vmem>>
      %dma_start3A_1451 = arith.constant 0 : i32
      %dma_start3A_1452 = tpu.memref_slice %arg5[%dma_start3A_1451, %multiple_of3A_1432] : memref<32x1000000xf32, #tpu.memory_space<hbm>> -> memref<32x128xf32, #tpu.memory_space<hbm>>
      %dma_start3A_1453 = arith.constant 0 : i32
      %dma_start3A_1454 = arith.constant 0 : i32
      %dma_start3A_1455 = tpu.memref_slice %arg10[%dma_start3A_1446, %dma_start3A_1453, %dma_start3A_1454] : memref<4x32x128xf32, #tpu.memory_space<vmem>> -> memref<1x32x128xf32, #tpu.memory_space<vmem>>
      %dma_start3A_1456 = tpu.memref_squeeze %dma_start3A_1455 : memref<1x32x128xf32, #tpu.memory_space<vmem>> -> memref<32x128xf32, #tpu.memory_space<vmem>>
      %dma_start3A_1457 = arith.constant 0 : i32
      %dma_start3A_1458 = tpu.memref_slice %arg5[%dma_start3A_1457, %multiple_of3A_1432] : memref<32x1000000xf32, #tpu.memory_space<hbm>> -> memref<32x128xf32, #tpu.memory_space<hbm>>
      tpu.enqueue_dma source(%dma_start3A_1458 : memref<32x128xf32, #tpu.memory_space<hbm>>) target(%dma_start3A_1456 : memref<32x128xf32, #tpu.memory_space<vmem>>) target_semaphore(%arg13 : memref<!tpu.dma_semaphore, #tpu.memory_space<semaphore_mem>>)
      %slice3A_1459 = vector.extract_strided_slice %get3A_27 {offsets = [13], sizes = [1], strides = [1]} : vector<16xi32> to vector<1xi32>
      %squeeze3A_1460 = vector.extract %slice3A_1459[0] : i32 from vector<1xi32>
      %shift_right_arithmetic3A_1461 = arith.constant 7 : i32
      %shift_right_arithmetic3A_1462 = arith.shrsi %squeeze3A_1460, %shift_right_arithmetic3A_1461 : i32
      %shift_left3A_1463 = arith.constant 7 : i32
      %shift_left3A_1464 = arith.shli %shift_right_arithmetic3A_1462, %shift_left3A_1463 : i32
      %multiple_of3A_1465 = tpu.assume_multiple %shift_left3A_1464, 128 : i32
      %slice3A_1466 = vector.extract_strided_slice %get3A_29 {offsets = [13], sizes = [1], strides = [1]} : vector<16xi32> to vector<1xi32>
      %squeeze3A_1467 = vector.extract %slice3A_1466[0] : i32 from vector<1xi32>
      %shift_right_arithmetic3A_1468 = arith.constant 7 : i32
      %shift_right_arithmetic3A_1469 = arith.shrsi %squeeze3A_1467, %shift_right_arithmetic3A_1468 : i32
      %shift_left3A_1470 = arith.constant 7 : i32
      %shift_left3A_1471 = arith.shli %shift_right_arithmetic3A_1469, %shift_left3A_1470 : i32
      %multiple_of3A_1472 = tpu.assume_multiple %shift_left3A_1471, 128 : i32
      %dma_start3A_1473 = arith.constant 1 : i32
      %dma_start3A_1474 = arith.constant 0 : i32
      %dma_start3A_1475 = arith.constant 0 : i32
      %dma_start3A_1476 = tpu.memref_slice %arg9[%dma_start3A_1473, %dma_start3A_1474, %dma_start3A_1475] : memref<4x32x128xf32, #tpu.memory_space<vmem>> -> memref<1x32x128xf32, #tpu.memory_space<vmem>>
      %dma_start3A_1477 = tpu.memref_squeeze %dma_start3A_1476 : memref<1x32x128xf32, #tpu.memory_space<vmem>> -> memref<32x128xf32, #tpu.memory_space<vmem>>
      %dma_start3A_1478 = arith.constant 0 : i32
      %dma_start3A_1479 = tpu.memref_slice %arg4[%dma_start3A_1478, %multiple_of3A_1465] : memref<32x1000000xf32, #tpu.memory_space<hbm>> -> memref<32x128xf32, #tpu.memory_space<hbm>>
      %dma_start3A_1480 = arith.constant 0 : i32
      %dma_start3A_1481 = arith.constant 0 : i32
      %dma_start3A_1482 = tpu.memref_slice %arg9[%dma_start3A_1473, %dma_start3A_1480, %dma_start3A_1481] : memref<4x32x128xf32, #tpu.memory_space<vmem>> -> memref<1x32x128xf32, #tpu.memory_space<vmem>>
      %dma_start3A_1483 = tpu.memref_squeeze %dma_start3A_1482 : memref<1x32x128xf32, #tpu.memory_space<vmem>> -> memref<32x128xf32, #tpu.memory_space<vmem>>
      %dma_start3A_1484 = arith.constant 0 : i32
      %dma_start3A_1485 = tpu.memref_slice %arg4[%dma_start3A_1484, %multiple_of3A_1465] : memref<32x1000000xf32, #tpu.memory_space<hbm>> -> memref<32x128xf32, #tpu.memory_space<hbm>>
      tpu.enqueue_dma source(%dma_start3A_1485 : memref<32x128xf32, #tpu.memory_space<hbm>>) target(%dma_start3A_1483 : memref<32x128xf32, #tpu.memory_space<vmem>>) target_semaphore(%arg13 : memref<!tpu.dma_semaphore, #tpu.memory_space<semaphore_mem>>)
      %dma_start3A_1486 = arith.constant 1 : i32
      %dma_start3A_1487 = arith.constant 0 : i32
      %dma_start3A_1488 = arith.constant 0 : i32
      %dma_start3A_1489 = tpu.memref_slice %arg10[%dma_start3A_1486, %dma_start3A_1487, %dma_start3A_1488] : memref<4x32x128xf32, #tpu.memory_space<vmem>> -> memref<1x32x128xf32, #tpu.memory_space<vmem>>
      %dma_start3A_1490 = tpu.memref_squeeze %dma_start3A_1489 : memref<1x32x128xf32, #tpu.memory_space<vmem>> -> memref<32x128xf32, #tpu.memory_space<vmem>>
      %dma_start3A_1491 = arith.constant 0 : i32
      %dma_start3A_1492 = tpu.memref_slice %arg5[%dma_start3A_1491, %multiple_of3A_1472] : memref<32x1000000xf32, #tpu.memory_space<hbm>> -> memref<32x128xf32, #tpu.memory_space<hbm>>
      %dma_start3A_1493 = arith.constant 0 : i32
      %dma_start3A_1494 = arith.constant 0 : i32
      %dma_start3A_1495 = tpu.memref_slice %arg10[%dma_start3A_1486, %dma_start3A_1493, %dma_start3A_1494] : memref<4x32x128xf32, #tpu.memory_space<vmem>> -> memref<1x32x128xf32, #tpu.memory_space<vmem>>
      %dma_start3A_1496 = tpu.memref_squeeze %dma_start3A_1495 : memref<1x32x128xf32, #tpu.memory_space<vmem>> -> memref<32x128xf32, #tpu.memory_space<vmem>>
      %dma_start3A_1497 = arith.constant 0 : i32
      %dma_start3A_1498 = tpu.memref_slice %arg5[%dma_start3A_1497, %multiple_of3A_1472] : memref<32x1000000xf32, #tpu.memory_space<hbm>> -> memref<32x128xf32, #tpu.memory_space<hbm>>
      tpu.enqueue_dma source(%dma_start3A_1498 : memref<32x128xf32, #tpu.memory_space<hbm>>) target(%dma_start3A_1496 : memref<32x128xf32, #tpu.memory_space<vmem>>) target_semaphore(%arg13 : memref<!tpu.dma_semaphore, #tpu.memory_space<semaphore_mem>>)
      %slice3A_1499 = vector.extract_strided_slice %get3A_27 {offsets = [14], sizes = [1], strides = [1]} : vector<16xi32> to vector<1xi32>
      %squeeze3A_1500 = vector.extract %slice3A_1499[0] : i32 from vector<1xi32>
      %shift_right_arithmetic3A_1501 = arith.constant 7 : i32
      %shift_right_arithmetic3A_1502 = arith.shrsi %squeeze3A_1500, %shift_right_arithmetic3A_1501 : i32
      %shift_left3A_1503 = arith.constant 7 : i32
      %shift_left3A_1504 = arith.shli %shift_right_arithmetic3A_1502, %shift_left3A_1503 : i32
      %multiple_of3A_1505 = tpu.assume_multiple %shift_left3A_1504, 128 : i32
      %slice3A_1506 = vector.extract_strided_slice %get3A_29 {offsets = [14], sizes = [1], strides = [1]} : vector<16xi32> to vector<1xi32>
      %squeeze3A_1507 = vector.extract %slice3A_1506[0] : i32 from vector<1xi32>
      %shift_right_arithmetic3A_1508 = arith.constant 7 : i32
      %shift_right_arithmetic3A_1509 = arith.shrsi %squeeze3A_1507, %shift_right_arithmetic3A_1508 : i32
      %shift_left3A_1510 = arith.constant 7 : i32
      %shift_left3A_1511 = arith.shli %shift_right_arithmetic3A_1509, %shift_left3A_1510 : i32
      %multiple_of3A_1512 = tpu.assume_multiple %shift_left3A_1511, 128 : i32
      %dma_start3A_1513 = arith.constant 2 : i32
      %dma_start3A_1514 = arith.constant 0 : i32
      %dma_start3A_1515 = arith.constant 0 : i32
      %dma_start3A_1516 = tpu.memref_slice %arg9[%dma_start3A_1513, %dma_start3A_1514, %dma_start3A_1515] : memref<4x32x128xf32, #tpu.memory_space<vmem>> -> memref<1x32x128xf32, #tpu.memory_space<vmem>>
      %dma_start3A_1517 = tpu.memref_squeeze %dma_start3A_1516 : memref<1x32x128xf32, #tpu.memory_space<vmem>> -> memref<32x128xf32, #tpu.memory_space<vmem>>
      %dma_start3A_1518 = arith.constant 0 : i32
      %dma_start3A_1519 = tpu.memref_slice %arg4[%dma_start3A_1518, %multiple_of3A_1505] : memref<32x1000000xf32, #tpu.memory_space<hbm>> -> memref<32x128xf32, #tpu.memory_space<hbm>>
      %dma_start3A_1520 = arith.constant 0 : i32
      %dma_start3A_1521 = arith.constant 0 : i32
      %dma_start3A_1522 = tpu.memref_slice %arg9[%dma_start3A_1513, %dma_start3A_1520, %dma_start3A_1521] : memref<4x32x128xf32, #tpu.memory_space<vmem>> -> memref<1x32x128xf32, #tpu.memory_space<vmem>>
      %dma_start3A_1523 = tpu.memref_squeeze %dma_start3A_1522 : memref<1x32x128xf32, #tpu.memory_space<vmem>> -> memref<32x128xf32, #tpu.memory_space<vmem>>
      %dma_start3A_1524 = arith.constant 0 : i32
      %dma_start3A_1525 = tpu.memref_slice %arg4[%dma_start3A_1524, %multiple_of3A_1505] : memref<32x1000000xf32, #tpu.memory_space<hbm>> -> memref<32x128xf32, #tpu.memory_space<hbm>>
      tpu.enqueue_dma source(%dma_start3A_1525 : memref<32x128xf32, #tpu.memory_space<hbm>>) target(%dma_start3A_1523 : memref<32x128xf32, #tpu.memory_space<vmem>>) target_semaphore(%arg13 : memref<!tpu.dma_semaphore, #tpu.memory_space<semaphore_mem>>)
      %dma_start3A_1526 = arith.constant 2 : i32
      %dma_start3A_1527 = arith.constant 0 : i32
      %dma_start3A_1528 = arith.constant 0 : i32
      %dma_start3A_1529 = tpu.memref_slice %arg10[%dma_start3A_1526, %dma_start3A_1527, %dma_start3A_1528] : memref<4x32x128xf32, #tpu.memory_space<vmem>> -> memref<1x32x128xf32, #tpu.memory_space<vmem>>
      %dma_start3A_1530 = tpu.memref_squeeze %dma_start3A_1529 : memref<1x32x128xf32, #tpu.memory_space<vmem>> -> memref<32x128xf32, #tpu.memory_space<vmem>>
      %dma_start3A_1531 = arith.constant 0 : i32
      %dma_start3A_1532 = tpu.memref_slice %arg5[%dma_start3A_1531, %multiple_of3A_1512] : memref<32x1000000xf32, #tpu.memory_space<hbm>> -> memref<32x128xf32, #tpu.memory_space<hbm>>
      %dma_start3A_1533 = arith.constant 0 : i32
      %dma_start3A_1534 = arith.constant 0 : i32
      %dma_start3A_1535 = tpu.memref_slice %arg10[%dma_start3A_1526, %dma_start3A_1533, %dma_start3A_1534] : memref<4x32x128xf32, #tpu.memory_space<vmem>> -> memref<1x32x128xf32, #tpu.memory_space<vmem>>
      %dma_start3A_1536 = tpu.memref_squeeze %dma_start3A_1535 : memref<1x32x128xf32, #tpu.memory_space<vmem>> -> memref<32x128xf32, #tpu.memory_space<vmem>>
      %dma_start3A_1537 = arith.constant 0 : i32
      %dma_start3A_1538 = tpu.memref_slice %arg5[%dma_start3A_1537, %multiple_of3A_1512] : memref<32x1000000xf32, #tpu.memory_space<hbm>> -> memref<32x128xf32, #tpu.memory_space<hbm>>
      tpu.enqueue_dma source(%dma_start3A_1538 : memref<32x128xf32, #tpu.memory_space<hbm>>) target(%dma_start3A_1536 : memref<32x128xf32, #tpu.memory_space<vmem>>) target_semaphore(%arg13 : memref<!tpu.dma_semaphore, #tpu.memory_space<semaphore_mem>>)
      %slice3A_1539 = vector.extract_strided_slice %get3A_27 {offsets = [15], sizes = [1], strides = [1]} : vector<16xi32> to vector<1xi32>
      %squeeze3A_1540 = vector.extract %slice3A_1539[0] : i32 from vector<1xi32>
      %shift_right_arithmetic3A_1541 = arith.constant 7 : i32
      %shift_right_arithmetic3A_1542 = arith.shrsi %squeeze3A_1540, %shift_right_arithmetic3A_1541 : i32
      %shift_left3A_1543 = arith.constant 7 : i32
      %shift_left3A_1544 = arith.shli %shift_right_arithmetic3A_1542, %shift_left3A_1543 : i32
      %multiple_of3A_1545 = tpu.assume_multiple %shift_left3A_1544, 128 : i32
      %slice3A_1546 = vector.extract_strided_slice %get3A_29 {offsets = [15], sizes = [1], strides = [1]} : vector<16xi32> to vector<1xi32>
      %squeeze3A_1547 = vector.extract %slice3A_1546[0] : i32 from vector<1xi32>
      %shift_right_arithmetic3A_1548 = arith.constant 7 : i32
      %shift_right_arithmetic3A_1549 = arith.shrsi %squeeze3A_1547, %shift_right_arithmetic3A_1548 : i32
      %shift_left3A_1550 = arith.constant 7 : i32
      %shift_left3A_1551 = arith.shli %shift_right_arithmetic3A_1549, %shift_left3A_1550 : i32
      %multiple_of3A_1552 = tpu.assume_multiple %shift_left3A_1551, 128 : i32
      %dma_start3A_1553 = arith.constant 3 : i32
      %dma_start3A_1554 = arith.constant 0 : i32
      %dma_start3A_1555 = arith.constant 0 : i32
      %dma_start3A_1556 = tpu.memref_slice %arg9[%dma_start3A_1553, %dma_start3A_1554, %dma_start3A_1555] : memref<4x32x128xf32, #tpu.memory_space<vmem>> -> memref<1x32x128xf32, #tpu.memory_space<vmem>>
      %dma_start3A_1557 = tpu.memref_squeeze %dma_start3A_1556 : memref<1x32x128xf32, #tpu.memory_space<vmem>> -> memref<32x128xf32, #tpu.memory_space<vmem>>
      %dma_start3A_1558 = arith.constant 0 : i32
      %dma_start3A_1559 = tpu.memref_slice %arg4[%dma_start3A_1558, %multiple_of3A_1545] : memref<32x1000000xf32, #tpu.memory_space<hbm>> -> memref<32x128xf32, #tpu.memory_space<hbm>>
      %dma_start3A_1560 = arith.constant 0 : i32
      %dma_start3A_1561 = arith.constant 0 : i32
      %dma_start3A_1562 = tpu.memref_slice %arg9[%dma_start3A_1553, %dma_start3A_1560, %dma_start3A_1561] : memref<4x32x128xf32, #tpu.memory_space<vmem>> -> memref<1x32x128xf32, #tpu.memory_space<vmem>>
      %dma_start3A_1563 = tpu.memref_squeeze %dma_start3A_1562 : memref<1x32x128xf32, #tpu.memory_space<vmem>> -> memref<32x128xf32, #tpu.memory_space<vmem>>
      %dma_start3A_1564 = arith.constant 0 : i32
      %dma_start3A_1565 = tpu.memref_slice %arg4[%dma_start3A_1564, %multiple_of3A_1545] : memref<32x1000000xf32, #tpu.memory_space<hbm>> -> memref<32x128xf32, #tpu.memory_space<hbm>>
      tpu.enqueue_dma source(%dma_start3A_1565 : memref<32x128xf32, #tpu.memory_space<hbm>>) target(%dma_start3A_1563 : memref<32x128xf32, #tpu.memory_space<vmem>>) target_semaphore(%arg13 : memref<!tpu.dma_semaphore, #tpu.memory_space<semaphore_mem>>)
      %dma_start3A_1566 = arith.constant 3 : i32
      %dma_start3A_1567 = arith.constant 0 : i32
      %dma_start3A_1568 = arith.constant 0 : i32
      %dma_start3A_1569 = tpu.memref_slice %arg10[%dma_start3A_1566, %dma_start3A_1567, %dma_start3A_1568] : memref<4x32x128xf32, #tpu.memory_space<vmem>> -> memref<1x32x128xf32, #tpu.memory_space<vmem>>
      %dma_start3A_1570 = tpu.memref_squeeze %dma_start3A_1569 : memref<1x32x128xf32, #tpu.memory_space<vmem>> -> memref<32x128xf32, #tpu.memory_space<vmem>>
      %dma_start3A_1571 = arith.constant 0 : i32
      %dma_start3A_1572 = tpu.memref_slice %arg5[%dma_start3A_1571, %multiple_of3A_1552] : memref<32x1000000xf32, #tpu.memory_space<hbm>> -> memref<32x128xf32, #tpu.memory_space<hbm>>
      %dma_start3A_1573 = arith.constant 0 : i32
      %dma_start3A_1574 = arith.constant 0 : i32
      %dma_start3A_1575 = tpu.memref_slice %arg10[%dma_start3A_1566, %dma_start3A_1573, %dma_start3A_1574] : memref<4x32x128xf32, #tpu.memory_space<vmem>> -> memref<1x32x128xf32, #tpu.memory_space<vmem>>
      %dma_start3A_1576 = tpu.memref_squeeze %dma_start3A_1575 : memref<1x32x128xf32, #tpu.memory_space<vmem>> -> memref<32x128xf32, #tpu.memory_space<vmem>>
      %dma_start3A_1577 = arith.constant 0 : i32
      %dma_start3A_1578 = tpu.memref_slice %arg5[%dma_start3A_1577, %multiple_of3A_1552] : memref<32x1000000xf32, #tpu.memory_space<hbm>> -> memref<32x128xf32, #tpu.memory_space<hbm>>
      tpu.enqueue_dma source(%dma_start3A_1578 : memref<32x128xf32, #tpu.memory_space<hbm>>) target(%dma_start3A_1576 : memref<32x128xf32, #tpu.memory_space<vmem>>) target_semaphore(%arg13 : memref<!tpu.dma_semaphore, #tpu.memory_space<semaphore_mem>>)
      %dma_wait3A_1579 = arith.constant 0 : i32
      %dma_wait3A_1580 = arith.constant 0 : i32
      %dma_wait3A_1581 = arith.constant 0 : i32
      %dma_wait3A_1582 = tpu.memref_slice %arg9[%dma_wait3A_1579, %dma_wait3A_1580, %dma_wait3A_1581] : memref<4x32x128xf32, #tpu.memory_space<vmem>> -> memref<1x32x128xf32, #tpu.memory_space<vmem>>
      %dma_wait3A_1583 = tpu.memref_squeeze %dma_wait3A_1582 : memref<1x32x128xf32, #tpu.memory_space<vmem>> -> memref<32x128xf32, #tpu.memory_space<vmem>>
      %dma_wait3A_1584 = arith.constant 0 : i32
      %dma_wait3A_1585 = tpu.memref_slice %arg4[%dma_wait3A_1584, %multiple_of3A_1425] : memref<32x1000000xf32, #tpu.memory_space<hbm>> -> memref<32x128xf32, #tpu.memory_space<hbm>>
      %dma_wait3A_1586 = arith.constant 0 : i32
      %dma_wait3A_1587 = arith.constant 0 : i32
      %dma_wait3A_1588 = tpu.memref_slice %arg9[%dma_wait3A_1579, %dma_wait3A_1586, %dma_wait3A_1587] : memref<4x32x128xf32, #tpu.memory_space<vmem>> -> memref<1x32x128xf32, #tpu.memory_space<vmem>>
      %dma_wait3A_1589 = tpu.memref_squeeze %dma_wait3A_1588 : memref<1x32x128xf32, #tpu.memory_space<vmem>> -> memref<32x128xf32, #tpu.memory_space<vmem>>
      %dma_wait3A_1590 = arith.constant 0 : i32
      %dma_wait3A_1591 = tpu.memref_slice %arg4[%dma_wait3A_1590, %multiple_of3A_1425] : memref<32x1000000xf32, #tpu.memory_space<hbm>> -> memref<32x128xf32, #tpu.memory_space<hbm>>
      tpu.wait_dma2 semaphore(%arg13 : memref<!tpu.dma_semaphore, #tpu.memory_space<semaphore_mem>>) src(%dma_wait3A_1591 : memref<32x128xf32, #tpu.memory_space<hbm>>) dst(%dma_wait3A_1589 : memref<32x128xf32, #tpu.memory_space<vmem>>)
      %dma_wait3A_1592 = arith.constant 0 : i32
      %dma_wait3A_1593 = arith.constant 0 : i32
      %dma_wait3A_1594 = arith.constant 0 : i32
      %dma_wait3A_1595 = tpu.memref_slice %arg10[%dma_wait3A_1592, %dma_wait3A_1593, %dma_wait3A_1594] : memref<4x32x128xf32, #tpu.memory_space<vmem>> -> memref<1x32x128xf32, #tpu.memory_space<vmem>>
      %dma_wait3A_1596 = tpu.memref_squeeze %dma_wait3A_1595 : memref<1x32x128xf32, #tpu.memory_space<vmem>> -> memref<32x128xf32, #tpu.memory_space<vmem>>
      %dma_wait3A_1597 = arith.constant 0 : i32
      %dma_wait3A_1598 = tpu.memref_slice %arg5[%dma_wait3A_1597, %multiple_of3A_1432] : memref<32x1000000xf32, #tpu.memory_space<hbm>> -> memref<32x128xf32, #tpu.memory_space<hbm>>
      %dma_wait3A_1599 = arith.constant 0 : i32
      %dma_wait3A_1600 = arith.constant 0 : i32
      %dma_wait3A_1601 = tpu.memref_slice %arg10[%dma_wait3A_1592, %dma_wait3A_1599, %dma_wait3A_1600] : memref<4x32x128xf32, #tpu.memory_space<vmem>> -> memref<1x32x128xf32, #tpu.memory_space<vmem>>
      %dma_wait3A_1602 = tpu.memref_squeeze %dma_wait3A_1601 : memref<1x32x128xf32, #tpu.memory_space<vmem>> -> memref<32x128xf32, #tpu.memory_space<vmem>>
      %dma_wait3A_1603 = arith.constant 0 : i32
      %dma_wait3A_1604 = tpu.memref_slice %arg5[%dma_wait3A_1603, %multiple_of3A_1432] : memref<32x1000000xf32, #tpu.memory_space<hbm>> -> memref<32x128xf32, #tpu.memory_space<hbm>>
      tpu.wait_dma2 semaphore(%arg13 : memref<!tpu.dma_semaphore, #tpu.memory_space<semaphore_mem>>) src(%dma_wait3A_1604 : memref<32x128xf32, #tpu.memory_space<hbm>>) dst(%dma_wait3A_1602 : memref<32x128xf32, #tpu.memory_space<vmem>>)
      %dma_wait3A_1605 = arith.constant 1 : i32
      %dma_wait3A_1606 = arith.constant 0 : i32
      %dma_wait3A_1607 = arith.constant 0 : i32
      %dma_wait3A_1608 = tpu.memref_slice %arg9[%dma_wait3A_1605, %dma_wait3A_1606, %dma_wait3A_1607] : memref<4x32x128xf32, #tpu.memory_space<vmem>> -> memref<1x32x128xf32, #tpu.memory_space<vmem>>
      %dma_wait3A_1609 = tpu.memref_squeeze %dma_wait3A_1608 : memref<1x32x128xf32, #tpu.memory_space<vmem>> -> memref<32x128xf32, #tpu.memory_space<vmem>>
      %dma_wait3A_1610 = arith.constant 0 : i32
      %dma_wait3A_1611 = tpu.memref_slice %arg4[%dma_wait3A_1610, %multiple_of3A_1465] : memref<32x1000000xf32, #tpu.memory_space<hbm>> -> memref<32x128xf32, #tpu.memory_space<hbm>>
      %dma_wait3A_1612 = arith.constant 0 : i32
      %dma_wait3A_1613 = arith.constant 0 : i32
      %dma_wait3A_1614 = tpu.memref_slice %arg9[%dma_wait3A_1605, %dma_wait3A_1612, %dma_wait3A_1613] : memref<4x32x128xf32, #tpu.memory_space<vmem>> -> memref<1x32x128xf32, #tpu.memory_space<vmem>>
      %dma_wait3A_1615 = tpu.memref_squeeze %dma_wait3A_1614 : memref<1x32x128xf32, #tpu.memory_space<vmem>> -> memref<32x128xf32, #tpu.memory_space<vmem>>
      %dma_wait3A_1616 = arith.constant 0 : i32
      %dma_wait3A_1617 = tpu.memref_slice %arg4[%dma_wait3A_1616, %multiple_of3A_1465] : memref<32x1000000xf32, #tpu.memory_space<hbm>> -> memref<32x128xf32, #tpu.memory_space<hbm>>
      tpu.wait_dma2 semaphore(%arg13 : memref<!tpu.dma_semaphore, #tpu.memory_space<semaphore_mem>>) src(%dma_wait3A_1617 : memref<32x128xf32, #tpu.memory_space<hbm>>) dst(%dma_wait3A_1615 : memref<32x128xf32, #tpu.memory_space<vmem>>)
      %dma_wait3A_1618 = arith.constant 1 : i32
      %dma_wait3A_1619 = arith.constant 0 : i32
      %dma_wait3A_1620 = arith.constant 0 : i32
      %dma_wait3A_1621 = tpu.memref_slice %arg10[%dma_wait3A_1618, %dma_wait3A_1619, %dma_wait3A_1620] : memref<4x32x128xf32, #tpu.memory_space<vmem>> -> memref<1x32x128xf32, #tpu.memory_space<vmem>>
      %dma_wait3A_1622 = tpu.memref_squeeze %dma_wait3A_1621 : memref<1x32x128xf32, #tpu.memory_space<vmem>> -> memref<32x128xf32, #tpu.memory_space<vmem>>
      %dma_wait3A_1623 = arith.constant 0 : i32
      %dma_wait3A_1624 = tpu.memref_slice %arg5[%dma_wait3A_1623, %multiple_of3A_1472] : memref<32x1000000xf32, #tpu.memory_space<hbm>> -> memref<32x128xf32, #tpu.memory_space<hbm>>
      %dma_wait3A_1625 = arith.constant 0 : i32
      %dma_wait3A_1626 = arith.constant 0 : i32
      %dma_wait3A_1627 = tpu.memref_slice %arg10[%dma_wait3A_1618, %dma_wait3A_1625, %dma_wait3A_1626] : memref<4x32x128xf32, #tpu.memory_space<vmem>> -> memref<1x32x128xf32, #tpu.memory_space<vmem>>
      %dma_wait3A_1628 = tpu.memref_squeeze %dma_wait3A_1627 : memref<1x32x128xf32, #tpu.memory_space<vmem>> -> memref<32x128xf32, #tpu.memory_space<vmem>>
      %dma_wait3A_1629 = arith.constant 0 : i32
      %dma_wait3A_1630 = tpu.memref_slice %arg5[%dma_wait3A_1629, %multiple_of3A_1472] : memref<32x1000000xf32, #tpu.memory_space<hbm>> -> memref<32x128xf32, #tpu.memory_space<hbm>>
      tpu.wait_dma2 semaphore(%arg13 : memref<!tpu.dma_semaphore, #tpu.memory_space<semaphore_mem>>) src(%dma_wait3A_1630 : memref<32x128xf32, #tpu.memory_space<hbm>>) dst(%dma_wait3A_1628 : memref<32x128xf32, #tpu.memory_space<vmem>>)
      %dma_wait3A_1631 = arith.constant 2 : i32
      %dma_wait3A_1632 = arith.constant 0 : i32
      %dma_wait3A_1633 = arith.constant 0 : i32
      %dma_wait3A_1634 = tpu.memref_slice %arg9[%dma_wait3A_1631, %dma_wait3A_1632, %dma_wait3A_1633] : memref<4x32x128xf32, #tpu.memory_space<vmem>> -> memref<1x32x128xf32, #tpu.memory_space<vmem>>
      %dma_wait3A_1635 = tpu.memref_squeeze %dma_wait3A_1634 : memref<1x32x128xf32, #tpu.memory_space<vmem>> -> memref<32x128xf32, #tpu.memory_space<vmem>>
      %dma_wait3A_1636 = arith.constant 0 : i32
      %dma_wait3A_1637 = tpu.memref_slice %arg4[%dma_wait3A_1636, %multiple_of3A_1505] : memref<32x1000000xf32, #tpu.memory_space<hbm>> -> memref<32x128xf32, #tpu.memory_space<hbm>>
      %dma_wait3A_1638 = arith.constant 0 : i32
      %dma_wait3A_1639 = arith.constant 0 : i32
      %dma_wait3A_1640 = tpu.memref_slice %arg9[%dma_wait3A_1631, %dma_wait3A_1638, %dma_wait3A_1639] : memref<4x32x128xf32, #tpu.memory_space<vmem>> -> memref<1x32x128xf32, #tpu.memory_space<vmem>>
      %dma_wait3A_1641 = tpu.memref_squeeze %dma_wait3A_1640 : memref<1x32x128xf32, #tpu.memory_space<vmem>> -> memref<32x128xf32, #tpu.memory_space<vmem>>
      %dma_wait3A_1642 = arith.constant 0 : i32
      %dma_wait3A_1643 = tpu.memref_slice %arg4[%dma_wait3A_1642, %multiple_of3A_1505] : memref<32x1000000xf32, #tpu.memory_space<hbm>> -> memref<32x128xf32, #tpu.memory_space<hbm>>
      tpu.wait_dma2 semaphore(%arg13 : memref<!tpu.dma_semaphore, #tpu.memory_space<semaphore_mem>>) src(%dma_wait3A_1643 : memref<32x128xf32, #tpu.memory_space<hbm>>) dst(%dma_wait3A_1641 : memref<32x128xf32, #tpu.memory_space<vmem>>)
      %dma_wait3A_1644 = arith.constant 2 : i32
      %dma_wait3A_1645 = arith.constant 0 : i32
      %dma_wait3A_1646 = arith.constant 0 : i32
      %dma_wait3A_1647 = tpu.memref_slice %arg10[%dma_wait3A_1644, %dma_wait3A_1645, %dma_wait3A_1646] : memref<4x32x128xf32, #tpu.memory_space<vmem>> -> memref<1x32x128xf32, #tpu.memory_space<vmem>>
      %dma_wait3A_1648 = tpu.memref_squeeze %dma_wait3A_1647 : memref<1x32x128xf32, #tpu.memory_space<vmem>> -> memref<32x128xf32, #tpu.memory_space<vmem>>
      %dma_wait3A_1649 = arith.constant 0 : i32
      %dma_wait3A_1650 = tpu.memref_slice %arg5[%dma_wait3A_1649, %multiple_of3A_1512] : memref<32x1000000xf32, #tpu.memory_space<hbm>> -> memref<32x128xf32, #tpu.memory_space<hbm>>
      %dma_wait3A_1651 = arith.constant 0 : i32
      %dma_wait3A_1652 = arith.constant 0 : i32
      %dma_wait3A_1653 = tpu.memref_slice %arg10[%dma_wait3A_1644, %dma_wait3A_1651, %dma_wait3A_1652] : memref<4x32x128xf32, #tpu.memory_space<vmem>> -> memref<1x32x128xf32, #tpu.memory_space<vmem>>
      %dma_wait3A_1654 = tpu.memref_squeeze %dma_wait3A_1653 : memref<1x32x128xf32, #tpu.memory_space<vmem>> -> memref<32x128xf32, #tpu.memory_space<vmem>>
      %dma_wait3A_1655 = arith.constant 0 : i32
      %dma_wait3A_1656 = tpu.memref_slice %arg5[%dma_wait3A_1655, %multiple_of3A_1512] : memref<32x1000000xf32, #tpu.memory_space<hbm>> -> memref<32x128xf32, #tpu.memory_space<hbm>>
      tpu.wait_dma2 semaphore(%arg13 : memref<!tpu.dma_semaphore, #tpu.memory_space<semaphore_mem>>) src(%dma_wait3A_1656 : memref<32x128xf32, #tpu.memory_space<hbm>>) dst(%dma_wait3A_1654 : memref<32x128xf32, #tpu.memory_space<vmem>>)
      %dma_wait3A_1657 = arith.constant 3 : i32
      %dma_wait3A_1658 = arith.constant 0 : i32
      %dma_wait3A_1659 = arith.constant 0 : i32
      %dma_wait3A_1660 = tpu.memref_slice %arg9[%dma_wait3A_1657, %dma_wait3A_1658, %dma_wait3A_1659] : memref<4x32x128xf32, #tpu.memory_space<vmem>> -> memref<1x32x128xf32, #tpu.memory_space<vmem>>
      %dma_wait3A_1661 = tpu.memref_squeeze %dma_wait3A_1660 : memref<1x32x128xf32, #tpu.memory_space<vmem>> -> memref<32x128xf32, #tpu.memory_space<vmem>>
      %dma_wait3A_1662 = arith.constant 0 : i32
      %dma_wait3A_1663 = tpu.memref_slice %arg4[%dma_wait3A_1662, %multiple_of3A_1545] : memref<32x1000000xf32, #tpu.memory_space<hbm>> -> memref<32x128xf32, #tpu.memory_space<hbm>>
      %dma_wait3A_1664 = arith.constant 0 : i32
      %dma_wait3A_1665 = arith.constant 0 : i32
      %dma_wait3A_1666 = tpu.memref_slice %arg9[%dma_wait3A_1657, %dma_wait3A_1664, %dma_wait3A_1665] : memref<4x32x128xf32, #tpu.memory_space<vmem>> -> memref<1x32x128xf32, #tpu.memory_space<vmem>>
      %dma_wait3A_1667 = tpu.memref_squeeze %dma_wait3A_1666 : memref<1x32x128xf32, #tpu.memory_space<vmem>> -> memref<32x128xf32, #tpu.memory_space<vmem>>
      %dma_wait3A_1668 = arith.constant 0 : i32
      %dma_wait3A_1669 = tpu.memref_slice %arg4[%dma_wait3A_1668, %multiple_of3A_1545] : memref<32x1000000xf32, #tpu.memory_space<hbm>> -> memref<32x128xf32, #tpu.memory_space<hbm>>
      tpu.wait_dma2 semaphore(%arg13 : memref<!tpu.dma_semaphore, #tpu.memory_space<semaphore_mem>>) src(%dma_wait3A_1669 : memref<32x128xf32, #tpu.memory_space<hbm>>) dst(%dma_wait3A_1667 : memref<32x128xf32, #tpu.memory_space<vmem>>)
      %dma_wait3A_1670 = arith.constant 3 : i32
      %dma_wait3A_1671 = arith.constant 0 : i32
      %dma_wait3A_1672 = arith.constant 0 : i32
      %dma_wait3A_1673 = tpu.memref_slice %arg10[%dma_wait3A_1670, %dma_wait3A_1671, %dma_wait3A_1672] : memref<4x32x128xf32, #tpu.memory_space<vmem>> -> memref<1x32x128xf32, #tpu.memory_space<vmem>>
      %dma_wait3A_1674 = tpu.memref_squeeze %dma_wait3A_1673 : memref<1x32x128xf32, #tpu.memory_space<vmem>> -> memref<32x128xf32, #tpu.memory_space<vmem>>
      %dma_wait3A_1675 = arith.constant 0 : i32
      %dma_wait3A_1676 = tpu.memref_slice %arg5[%dma_wait3A_1675, %multiple_of3A_1552] : memref<32x1000000xf32, #tpu.memory_space<hbm>> -> memref<32x128xf32, #tpu.memory_space<hbm>>
      %dma_wait3A_1677 = arith.constant 0 : i32
      %dma_wait3A_1678 = arith.constant 0 : i32
      %dma_wait3A_1679 = tpu.memref_slice %arg10[%dma_wait3A_1670, %dma_wait3A_1677, %dma_wait3A_1678] : memref<4x32x128xf32, #tpu.memory_space<vmem>> -> memref<1x32x128xf32, #tpu.memory_space<vmem>>
      %dma_wait3A_1680 = tpu.memref_squeeze %dma_wait3A_1679 : memref<1x32x128xf32, #tpu.memory_space<vmem>> -> memref<32x128xf32, #tpu.memory_space<vmem>>
      %dma_wait3A_1681 = arith.constant 0 : i32
      %dma_wait3A_1682 = tpu.memref_slice %arg5[%dma_wait3A_1681, %multiple_of3A_1552] : memref<32x1000000xf32, #tpu.memory_space<hbm>> -> memref<32x128xf32, #tpu.memory_space<hbm>>
      tpu.wait_dma2 semaphore(%arg13 : memref<!tpu.dma_semaphore, #tpu.memory_space<semaphore_mem>>) src(%dma_wait3A_1682 : memref<32x128xf32, #tpu.memory_space<hbm>>) dst(%dma_wait3A_1680 : memref<32x128xf32, #tpu.memory_space<vmem>>)
      %slice3A_1683 = vector.extract_strided_slice %and3A_31 {offsets = [12], sizes = [1], strides = [1]} : vector<16xi32> to vector<1xi32>
      %squeeze3A_1684 = vector.extract %slice3A_1683[0] : i32 from vector<1xi32>
      %broadcast_in_dim3A_1685 = vector.broadcast %squeeze3A_1684 : i32 to vector<16xi32>
      %slice3A_1686 = vector.extract_strided_slice %and3A_34 {offsets = [12], sizes = [1], strides = [1]} : vector<16xi32> to vector<1xi32>
      %squeeze3A_1687 = vector.extract %slice3A_1686[0] : i32 from vector<1xi32>
      %broadcast_in_dim3A_1688 = vector.broadcast %squeeze3A_1687 : i32 to vector<16xi32>
      %gather3A_1689 = arith.constant 0 : i32
      %gather3A_1690 = arith.constant 0 : i32
      %gather3A_1691 = arith.constant 0 : i32
      %gather3A_1692 = tpu.memref_slice %arg9[%gather3A_1689, %gather3A_1690, %gather3A_1691] : memref<4x32x128xf32, #tpu.memory_space<vmem>> -> memref<1x32x128xf32, #tpu.memory_space<vmem>>
      %gather3A_1693 = tpu.memref_squeeze %gather3A_1692 : memref<1x32x128xf32, #tpu.memory_space<vmem>> -> memref<32x128xf32, #tpu.memory_space<vmem>>
      %gather3A_1694 = tpu.vector_load_idx %gather3A_1693[%iota3A, %broadcast_in_dim3A_1685] : memref<32x128xf32, #tpu.memory_space<vmem>>[vector<16xi32>, vector<16xi32>], vector<16xf32>,
      %add3A_1695 = arith.constant 12 : i32
      %add3A_1696 = arith.addi %mul3A_26, %add3A_1695 : i32
      %swap3A_1697 = arith.index_cast %add3A_1696 : i32 to index
      %swap3A_1698 = arith.constant 0 : index
      %swap3A_1699 = tpu.vector_load %arg11[%swap3A_1697, %swap3A_1698] {strides = array<i32>} : memref<512x64xf32, #tpu.memory_space<vmem>>, vector<16xf32>,
      tpu.vector_store %arg11[%swap3A_1697, %swap3A_1698], %gather3A_1694 {strides = array<i32>} : memref<512x64xf32, #tpu.memory_space<vmem>>, vector<16xf32>,
      %gather3A_1700 = arith.constant 0 : i32
      %gather3A_1701 = arith.constant 0 : i32
      %gather3A_1702 = arith.constant 0 : i32
      %gather3A_1703 = tpu.memref_slice %arg9[%gather3A_1700, %gather3A_1701, %gather3A_1702] : memref<4x32x128xf32, #tpu.memory_space<vmem>> -> memref<1x32x128xf32, #tpu.memory_space<vmem>>
      %gather3A_1704 = tpu.memref_squeeze %gather3A_1703 : memref<1x32x128xf32, #tpu.memory_space<vmem>> -> memref<32x128xf32, #tpu.memory_space<vmem>>
      %gather3A_1705 = tpu.vector_load_idx %gather3A_1704[%add3A_11, %broadcast_in_dim3A_1685] : memref<32x128xf32, #tpu.memory_space<vmem>>[vector<16xi32>, vector<16xi32>], vector<16xf32>,
      %add3A_1706 = arith.constant 12 : i32
      %add3A_1707 = arith.addi %mul3A_26, %add3A_1706 : i32
      %swap3A_1708 = arith.index_cast %add3A_1707 : i32 to index
      %swap3A_1709 = arith.constant 16 : index
      %swap3A_1710 = tpu.vector_load %arg11[%swap3A_1708, %swap3A_1709] {strides = array<i32>} : memref<512x64xf32, #tpu.memory_space<vmem>>, vector<16xf32>,
      tpu.vector_store %arg11[%swap3A_1708, %swap3A_1709], %gather3A_1705 {strides = array<i32>} : memref<512x64xf32, #tpu.memory_space<vmem>>, vector<16xf32>,
      %gather3A_1711 = arith.constant 0 : i32
      %gather3A_1712 = arith.constant 0 : i32
      %gather3A_1713 = arith.constant 0 : i32
      %gather3A_1714 = tpu.memref_slice %arg10[%gather3A_1711, %gather3A_1712, %gather3A_1713] : memref<4x32x128xf32, #tpu.memory_space<vmem>> -> memref<1x32x128xf32, #tpu.memory_space<vmem>>
      %gather3A_1715 = tpu.memref_squeeze %gather3A_1714 : memref<1x32x128xf32, #tpu.memory_space<vmem>> -> memref<32x128xf32, #tpu.memory_space<vmem>>
      %gather3A_1716 = tpu.vector_load_idx %gather3A_1715[%iota3A, %broadcast_in_dim3A_1688] : memref<32x128xf32, #tpu.memory_space<vmem>>[vector<16xi32>, vector<16xi32>], vector<16xf32>,
      %add3A_1717 = arith.constant 12 : i32
      %add3A_1718 = arith.addi %mul3A_26, %add3A_1717 : i32
      %swap3A_1719 = arith.index_cast %add3A_1718 : i32 to index
      %swap3A_1720 = arith.constant 32 : index
      %swap3A_1721 = tpu.vector_load %arg11[%swap3A_1719, %swap3A_1720] {strides = array<i32>} : memref<512x64xf32, #tpu.memory_space<vmem>>, vector<16xf32>,
      tpu.vector_store %arg11[%swap3A_1719, %swap3A_1720], %gather3A_1716 {strides = array<i32>} : memref<512x64xf32, #tpu.memory_space<vmem>>, vector<16xf32>,
      %gather3A_1722 = arith.constant 0 : i32
      %gather3A_1723 = arith.constant 0 : i32
      %gather3A_1724 = arith.constant 0 : i32
      %gather3A_1725 = tpu.memref_slice %arg10[%gather3A_1722, %gather3A_1723, %gather3A_1724] : memref<4x32x128xf32, #tpu.memory_space<vmem>> -> memref<1x32x128xf32, #tpu.memory_space<vmem>>
      %gather3A_1726 = tpu.memref_squeeze %gather3A_1725 : memref<1x32x128xf32, #tpu.memory_space<vmem>> -> memref<32x128xf32, #tpu.memory_space<vmem>>
      %gather3A_1727 = tpu.vector_load_idx %gather3A_1726[%add3A_11, %broadcast_in_dim3A_1688] : memref<32x128xf32, #tpu.memory_space<vmem>>[vector<16xi32>, vector<16xi32>], vector<16xf32>,
      %add3A_1728 = arith.constant 12 : i32
      %add3A_1729 = arith.addi %mul3A_26, %add3A_1728 : i32
      %swap3A_1730 = arith.index_cast %add3A_1729 : i32 to index
      %swap3A_1731 = arith.constant 48 : index
      %swap3A_1732 = tpu.vector_load %arg11[%swap3A_1730, %swap3A_1731] {strides = array<i32>} : memref<512x64xf32, #tpu.memory_space<vmem>>, vector<16xf32>,
      tpu.vector_store %arg11[%swap3A_1730, %swap3A_1731], %gather3A_1727 {strides = array<i32>} : memref<512x64xf32, #tpu.memory_space<vmem>>, vector<16xf32>,
      %slice3A_1733 = vector.extract_strided_slice %and3A_31 {offsets = [13], sizes = [1], strides = [1]} : vector<16xi32> to vector<1xi32>
      %squeeze3A_1734 = vector.extract %slice3A_1733[0] : i32 from vector<1xi32>
      %broadcast_in_dim3A_1735 = vector.broadcast %squeeze3A_1734 : i32 to vector<16xi32>
      %slice3A_1736 = vector.extract_strided_slice %and3A_34 {offsets = [13], sizes = [1], strides = [1]} : vector<16xi32> to vector<1xi32>
      %squeeze3A_1737 = vector.extract %slice3A_1736[0] : i32 from vector<1xi32>
      %broadcast_in_dim3A_1738 = vector.broadcast %squeeze3A_1737 : i32 to vector<16xi32>
      %gather3A_1739 = arith.constant 1 : i32
      %gather3A_1740 = arith.constant 0 : i32
      %gather3A_1741 = arith.constant 0 : i32
      %gather3A_1742 = tpu.memref_slice %arg9[%gather3A_1739, %gather3A_1740, %gather3A_1741] : memref<4x32x128xf32, #tpu.memory_space<vmem>> -> memref<1x32x128xf32, #tpu.memory_space<vmem>>
      %gather3A_1743 = tpu.memref_squeeze %gather3A_1742 : memref<1x32x128xf32, #tpu.memory_space<vmem>> -> memref<32x128xf32, #tpu.memory_space<vmem>>
      %gather3A_1744 = tpu.vector_load_idx %gather3A_1743[%iota3A, %broadcast_in_dim3A_1735] : memref<32x128xf32, #tpu.memory_space<vmem>>[vector<16xi32>, vector<16xi32>], vector<16xf32>,
      %add3A_1745 = arith.constant 13 : i32
      %add3A_1746 = arith.addi %mul3A_26, %add3A_1745 : i32
      %swap3A_1747 = arith.index_cast %add3A_1746 : i32 to index
      %swap3A_1748 = arith.constant 0 : index
      %swap3A_1749 = tpu.vector_load %arg11[%swap3A_1747, %swap3A_1748] {strides = array<i32>} : memref<512x64xf32, #tpu.memory_space<vmem>>, vector<16xf32>,
      tpu.vector_store %arg11[%swap3A_1747, %swap3A_1748], %gather3A_1744 {strides = array<i32>} : memref<512x64xf32, #tpu.memory_space<vmem>>, vector<16xf32>,
      %gather3A_1750 = arith.constant 1 : i32
      %gather3A_1751 = arith.constant 0 : i32
      %gather3A_1752 = arith.constant 0 : i32
      %gather3A_1753 = tpu.memref_slice %arg9[%gather3A_1750, %gather3A_1751, %gather3A_1752] : memref<4x32x128xf32, #tpu.memory_space<vmem>> -> memref<1x32x128xf32, #tpu.memory_space<vmem>>
      %gather3A_1754 = tpu.memref_squeeze %gather3A_1753 : memref<1x32x128xf32, #tpu.memory_space<vmem>> -> memref<32x128xf32, #tpu.memory_space<vmem>>
      %gather3A_1755 = tpu.vector_load_idx %gather3A_1754[%add3A_11, %broadcast_in_dim3A_1735] : memref<32x128xf32, #tpu.memory_space<vmem>>[vector<16xi32>, vector<16xi32>], vector<16xf32>,
      %add3A_1756 = arith.constant 13 : i32
      %add3A_1757 = arith.addi %mul3A_26, %add3A_1756 : i32
      %swap3A_1758 = arith.index_cast %add3A_1757 : i32 to index
      %swap3A_1759 = arith.constant 16 : index
      %swap3A_1760 = tpu.vector_load %arg11[%swap3A_1758, %swap3A_1759] {strides = array<i32>} : memref<512x64xf32, #tpu.memory_space<vmem>>, vector<16xf32>,
      tpu.vector_store %arg11[%swap3A_1758, %swap3A_1759], %gather3A_1755 {strides = array<i32>} : memref<512x64xf32, #tpu.memory_space<vmem>>, vector<16xf32>,
      %gather3A_1761 = arith.constant 1 : i32
      %gather3A_1762 = arith.constant 0 : i32
      %gather3A_1763 = arith.constant 0 : i32
      %gather3A_1764 = tpu.memref_slice %arg10[%gather3A_1761, %gather3A_1762, %gather3A_1763] : memref<4x32x128xf32, #tpu.memory_space<vmem>> -> memref<1x32x128xf32, #tpu.memory_space<vmem>>
      %gather3A_1765 = tpu.memref_squeeze %gather3A_1764 : memref<1x32x128xf32, #tpu.memory_space<vmem>> -> memref<32x128xf32, #tpu.memory_space<vmem>>
      %gather3A_1766 = tpu.vector_load_idx %gather3A_1765[%iota3A, %broadcast_in_dim3A_1738] : memref<32x128xf32, #tpu.memory_space<vmem>>[vector<16xi32>, vector<16xi32>], vector<16xf32>,
      %add3A_1767 = arith.constant 13 : i32
      %add3A_1768 = arith.addi %mul3A_26, %add3A_1767 : i32
      %swap3A_1769 = arith.index_cast %add3A_1768 : i32 to index
      %swap3A_1770 = arith.constant 32 : index
      %swap3A_1771 = tpu.vector_load %arg11[%swap3A_1769, %swap3A_1770] {strides = array<i32>} : memref<512x64xf32, #tpu.memory_space<vmem>>, vector<16xf32>,
      tpu.vector_store %arg11[%swap3A_1769, %swap3A_1770], %gather3A_1766 {strides = array<i32>} : memref<512x64xf32, #tpu.memory_space<vmem>>, vector<16xf32>,
      %gather3A_1772 = arith.constant 1 : i32
      %gather3A_1773 = arith.constant 0 : i32
      %gather3A_1774 = arith.constant 0 : i32
      %gather3A_1775 = tpu.memref_slice %arg10[%gather3A_1772, %gather3A_1773, %gather3A_1774] : memref<4x32x128xf32, #tpu.memory_space<vmem>> -> memref<1x32x128xf32, #tpu.memory_space<vmem>>
      %gather3A_1776 = tpu.memref_squeeze %gather3A_1775 : memref<1x32x128xf32, #tpu.memory_space<vmem>> -> memref<32x128xf32, #tpu.memory_space<vmem>>
      %gather3A_1777 = tpu.vector_load_idx %gather3A_1776[%add3A_11, %broadcast_in_dim3A_1738] : memref<32x128xf32, #tpu.memory_space<vmem>>[vector<16xi32>, vector<16xi32>], vector<16xf32>,
      %add3A_1778 = arith.constant 13 : i32
      %add3A_1779 = arith.addi %mul3A_26, %add3A_1778 : i32
      %swap3A_1780 = arith.index_cast %add3A_1779 : i32 to index
      %swap3A_1781 = arith.constant 48 : index
      %swap3A_1782 = tpu.vector_load %arg11[%swap3A_1780, %swap3A_1781] {strides = array<i32>} : memref<512x64xf32, #tpu.memory_space<vmem>>, vector<16xf32>,
      tpu.vector_store %arg11[%swap3A_1780, %swap3A_1781], %gather3A_1777 {strides = array<i32>} : memref<512x64xf32, #tpu.memory_space<vmem>>, vector<16xf32>,
      %slice3A_1783 = vector.extract_strided_slice %and3A_31 {offsets = [14], sizes = [1], strides = [1]} : vector<16xi32> to vector<1xi32>
      %squeeze3A_1784 = vector.extract %slice3A_1783[0] : i32 from vector<1xi32>
      %broadcast_in_dim3A_1785 = vector.broadcast %squeeze3A_1784 : i32 to vector<16xi32>
      %slice3A_1786 = vector.extract_strided_slice %and3A_34 {offsets = [14], sizes = [1], strides = [1]} : vector<16xi32> to vector<1xi32>
      %squeeze3A_1787 = vector.extract %slice3A_1786[0] : i32 from vector<1xi32>
      %broadcast_in_dim3A_1788 = vector.broadcast %squeeze3A_1787 : i32 to vector<16xi32>
      %gather3A_1789 = arith.constant 2 : i32
      %gather3A_1790 = arith.constant 0 : i32
      %gather3A_1791 = arith.constant 0 : i32
      %gather3A_1792 = tpu.memref_slice %arg9[%gather3A_1789, %gather3A_1790, %gather3A_1791] : memref<4x32x128xf32, #tpu.memory_space<vmem>> -> memref<1x32x128xf32, #tpu.memory_space<vmem>>
      %gather3A_1793 = tpu.memref_squeeze %gather3A_1792 : memref<1x32x128xf32, #tpu.memory_space<vmem>> -> memref<32x128xf32, #tpu.memory_space<vmem>>
      %gather3A_1794 = tpu.vector_load_idx %gather3A_1793[%iota3A, %broadcast_in_dim3A_1785] : memref<32x128xf32, #tpu.memory_space<vmem>>[vector<16xi32>, vector<16xi32>], vector<16xf32>,
      %add3A_1795 = arith.constant 14 : i32
      %add3A_1796 = arith.addi %mul3A_26, %add3A_1795 : i32
      %swap3A_1797 = arith.index_cast %add3A_1796 : i32 to index
      %swap3A_1798 = arith.constant 0 : index
      %swap3A_1799 = tpu.vector_load %arg11[%swap3A_1797, %swap3A_1798] {strides = array<i32>} : memref<512x64xf32, #tpu.memory_space<vmem>>, vector<16xf32>,
      tpu.vector_store %arg11[%swap3A_1797, %swap3A_1798], %gather3A_1794 {strides = array<i32>} : memref<512x64xf32, #tpu.memory_space<vmem>>, vector<16xf32>,
      %gather3A_1800 = arith.constant 2 : i32
      %gather3A_1801 = arith.constant 0 : i32
      %gather3A_1802 = arith.constant 0 : i32
      %gather3A_1803 = tpu.memref_slice %arg9[%gather3A_1800, %gather3A_1801, %gather3A_1802] : memref<4x32x128xf32, #tpu.memory_space<vmem>> -> memref<1x32x128xf32, #tpu.memory_space<vmem>>
      %gather3A_1804 = tpu.memref_squeeze %gather3A_1803 : memref<1x32x128xf32, #tpu.memory_space<vmem>> -> memref<32x128xf32, #tpu.memory_space<vmem>>
      %gather3A_1805 = tpu.vector_load_idx %gather3A_1804[%add3A_11, %broadcast_in_dim3A_1785] : memref<32x128xf32, #tpu.memory_space<vmem>>[vector<16xi32>, vector<16xi32>], vector<16xf32>,
      %add3A_1806 = arith.constant 14 : i32
      %add3A_1807 = arith.addi %mul3A_26, %add3A_1806 : i32
      %swap3A_1808 = arith.index_cast %add3A_1807 : i32 to index
      %swap3A_1809 = arith.constant 16 : index
      %swap3A_1810 = tpu.vector_load %arg11[%swap3A_1808, %swap3A_1809] {strides = array<i32>} : memref<512x64xf32, #tpu.memory_space<vmem>>, vector<16xf32>,
      tpu.vector_store %arg11[%swap3A_1808, %swap3A_1809], %gather3A_1805 {strides = array<i32>} : memref<512x64xf32, #tpu.memory_space<vmem>>, vector<16xf32>,
      %gather3A_1811 = arith.constant 2 : i32
      %gather3A_1812 = arith.constant 0 : i32
      %gather3A_1813 = arith.constant 0 : i32
      %gather3A_1814 = tpu.memref_slice %arg10[%gather3A_1811, %gather3A_1812, %gather3A_1813] : memref<4x32x128xf32, #tpu.memory_space<vmem>> -> memref<1x32x128xf32, #tpu.memory_space<vmem>>
      %gather3A_1815 = tpu.memref_squeeze %gather3A_1814 : memref<1x32x128xf32, #tpu.memory_space<vmem>> -> memref<32x128xf32, #tpu.memory_space<vmem>>
      %gather3A_1816 = tpu.vector_load_idx %gather3A_1815[%iota3A, %broadcast_in_dim3A_1788] : memref<32x128xf32, #tpu.memory_space<vmem>>[vector<16xi32>, vector<16xi32>], vector<16xf32>,
      %add3A_1817 = arith.constant 14 : i32
      %add3A_1818 = arith.addi %mul3A_26, %add3A_1817 : i32
      %swap3A_1819 = arith.index_cast %add3A_1818 : i32 to index
      %swap3A_1820 = arith.constant 32 : index
      %swap3A_1821 = tpu.vector_load %arg11[%swap3A_1819, %swap3A_1820] {strides = array<i32>} : memref<512x64xf32, #tpu.memory_space<vmem>>, vector<16xf32>,
      tpu.vector_store %arg11[%swap3A_1819, %swap3A_1820], %gather3A_1816 {strides = array<i32>} : memref<512x64xf32, #tpu.memory_space<vmem>>, vector<16xf32>,
      %gather3A_1822 = arith.constant 2 : i32
      %gather3A_1823 = arith.constant 0 : i32
      %gather3A_1824 = arith.constant 0 : i32
      %gather3A_1825 = tpu.memref_slice %arg10[%gather3A_1822, %gather3A_1823, %gather3A_1824] : memref<4x32x128xf32, #tpu.memory_space<vmem>> -> memref<1x32x128xf32, #tpu.memory_space<vmem>>
      %gather3A_1826 = tpu.memref_squeeze %gather3A_1825 : memref<1x32x128xf32, #tpu.memory_space<vmem>> -> memref<32x128xf32, #tpu.memory_space<vmem>>
      %gather3A_1827 = tpu.vector_load_idx %gather3A_1826[%add3A_11, %broadcast_in_dim3A_1788] : memref<32x128xf32, #tpu.memory_space<vmem>>[vector<16xi32>, vector<16xi32>], vector<16xf32>,
      %add3A_1828 = arith.constant 14 : i32
      %add3A_1829 = arith.addi %mul3A_26, %add3A_1828 : i32
      %swap3A_1830 = arith.index_cast %add3A_1829 : i32 to index
      %swap3A_1831 = arith.constant 48 : index
      %swap3A_1832 = tpu.vector_load %arg11[%swap3A_1830, %swap3A_1831] {strides = array<i32>} : memref<512x64xf32, #tpu.memory_space<vmem>>, vector<16xf32>,
      tpu.vector_store %arg11[%swap3A_1830, %swap3A_1831], %gather3A_1827 {strides = array<i32>} : memref<512x64xf32, #tpu.memory_space<vmem>>, vector<16xf32>,
      %slice3A_1833 = vector.extract_strided_slice %and3A_31 {offsets = [15], sizes = [1], strides = [1]} : vector<16xi32> to vector<1xi32>
      %squeeze3A_1834 = vector.extract %slice3A_1833[0] : i32 from vector<1xi32>
      %broadcast_in_dim3A_1835 = vector.broadcast %squeeze3A_1834 : i32 to vector<16xi32>
      %slice3A_1836 = vector.extract_strided_slice %and3A_34 {offsets = [15], sizes = [1], strides = [1]} : vector<16xi32> to vector<1xi32>
      %squeeze3A_1837 = vector.extract %slice3A_1836[0] : i32 from vector<1xi32>
      %broadcast_in_dim3A_1838 = vector.broadcast %squeeze3A_1837 : i32 to vector<16xi32>
      %gather3A_1839 = arith.constant 3 : i32
      %gather3A_1840 = arith.constant 0 : i32
      %gather3A_1841 = arith.constant 0 : i32
      %gather3A_1842 = tpu.memref_slice %arg9[%gather3A_1839, %gather3A_1840, %gather3A_1841] : memref<4x32x128xf32, #tpu.memory_space<vmem>> -> memref<1x32x128xf32, #tpu.memory_space<vmem>>
      %gather3A_1843 = tpu.memref_squeeze %gather3A_1842 : memref<1x32x128xf32, #tpu.memory_space<vmem>> -> memref<32x128xf32, #tpu.memory_space<vmem>>
      %gather3A_1844 = tpu.vector_load_idx %gather3A_1843[%iota3A, %broadcast_in_dim3A_1835] : memref<32x128xf32, #tpu.memory_space<vmem>>[vector<16xi32>, vector<16xi32>], vector<16xf32>,
      %add3A_1845 = arith.constant 15 : i32
      %add3A_1846 = arith.addi %mul3A_26, %add3A_1845 : i32
      %swap3A_1847 = arith.index_cast %add3A_1846 : i32 to index
      %swap3A_1848 = arith.constant 0 : index
      %swap3A_1849 = tpu.vector_load %arg11[%swap3A_1847, %swap3A_1848] {strides = array<i32>} : memref<512x64xf32, #tpu.memory_space<vmem>>, vector<16xf32>,
      tpu.vector_store %arg11[%swap3A_1847, %swap3A_1848], %gather3A_1844 {strides = array<i32>} : memref<512x64xf32, #tpu.memory_space<vmem>>, vector<16xf32>,
      %gather3A_1850 = arith.constant 3 : i32
      %gather3A_1851 = arith.constant 0 : i32
      %gather3A_1852 = arith.constant 0 : i32
      %gather3A_1853 = tpu.memref_slice %arg9[%gather3A_1850, %gather3A_1851, %gather3A_1852] : memref<4x32x128xf32, #tpu.memory_space<vmem>> -> memref<1x32x128xf32, #tpu.memory_space<vmem>>
      %gather3A_1854 = tpu.memref_squeeze %gather3A_1853 : memref<1x32x128xf32, #tpu.memory_space<vmem>> -> memref<32x128xf32, #tpu.memory_space<vmem>>
      %gather3A_1855 = tpu.vector_load_idx %gather3A_1854[%add3A_11, %broadcast_in_dim3A_1835] : memref<32x128xf32, #tpu.memory_space<vmem>>[vector<16xi32>, vector<16xi32>], vector<16xf32>,
      %add3A_1856 = arith.constant 15 : i32
      %add3A_1857 = arith.addi %mul3A_26, %add3A_1856 : i32
      %swap3A_1858 = arith.index_cast %add3A_1857 : i32 to index
      %swap3A_1859 = arith.constant 16 : index
      %swap3A_1860 = tpu.vector_load %arg11[%swap3A_1858, %swap3A_1859] {strides = array<i32>} : memref<512x64xf32, #tpu.memory_space<vmem>>, vector<16xf32>,
      tpu.vector_store %arg11[%swap3A_1858, %swap3A_1859], %gather3A_1855 {strides = array<i32>} : memref<512x64xf32, #tpu.memory_space<vmem>>, vector<16xf32>,
      %gather3A_1861 = arith.constant 3 : i32
      %gather3A_1862 = arith.constant 0 : i32
      %gather3A_1863 = arith.constant 0 : i32
      %gather3A_1864 = tpu.memref_slice %arg10[%gather3A_1861, %gather3A_1862, %gather3A_1863] : memref<4x32x128xf32, #tpu.memory_space<vmem>> -> memref<1x32x128xf32, #tpu.memory_space<vmem>>
      %gather3A_1865 = tpu.memref_squeeze %gather3A_1864 : memref<1x32x128xf32, #tpu.memory_space<vmem>> -> memref<32x128xf32, #tpu.memory_space<vmem>>
      %gather3A_1866 = tpu.vector_load_idx %gather3A_1865[%iota3A, %broadcast_in_dim3A_1838] : memref<32x128xf32, #tpu.memory_space<vmem>>[vector<16xi32>, vector<16xi32>], vector<16xf32>,
      %add3A_1867 = arith.constant 15 : i32
      %add3A_1868 = arith.addi %mul3A_26, %add3A_1867 : i32
      %swap3A_1869 = arith.index_cast %add3A_1868 : i32 to index
      %swap3A_1870 = arith.constant 32 : index
      %swap3A_1871 = tpu.vector_load %arg11[%swap3A_1869, %swap3A_1870] {strides = array<i32>} : memref<512x64xf32, #tpu.memory_space<vmem>>, vector<16xf32>,
      tpu.vector_store %arg11[%swap3A_1869, %swap3A_1870], %gather3A_1866 {strides = array<i32>} : memref<512x64xf32, #tpu.memory_space<vmem>>, vector<16xf32>,
      %gather3A_1872 = arith.constant 3 : i32
      %gather3A_1873 = arith.constant 0 : i32
      %gather3A_1874 = arith.constant 0 : i32
      %gather3A_1875 = tpu.memref_slice %arg10[%gather3A_1872, %gather3A_1873, %gather3A_1874] : memref<4x32x128xf32, #tpu.memory_space<vmem>> -> memref<1x32x128xf32, #tpu.memory_space<vmem>>
      %gather3A_1876 = tpu.memref_squeeze %gather3A_1875 : memref<1x32x128xf32, #tpu.memory_space<vmem>> -> memref<32x128xf32, #tpu.memory_space<vmem>>
      %gather3A_1877 = tpu.vector_load_idx %gather3A_1876[%add3A_11, %broadcast_in_dim3A_1838] : memref<32x128xf32, #tpu.memory_space<vmem>>[vector<16xi32>, vector<16xi32>], vector<16xf32>,
      %add3A_1878 = arith.constant 15 : i32
      %add3A_1879 = arith.addi %mul3A_26, %add3A_1878 : i32
      %swap3A_1880 = arith.index_cast %add3A_1879 : i32 to index
      %swap3A_1881 = arith.constant 48 : index
      %swap3A_1882 = tpu.vector_load %arg11[%swap3A_1880, %swap3A_1881] {strides = array<i32>} : memref<512x64xf32, #tpu.memory_space<vmem>>, vector<16xf32>,
      tpu.vector_store %arg11[%swap3A_1880, %swap3A_1881], %gather3A_1877 {strides = array<i32>} : memref<512x64xf32, #tpu.memory_space<vmem>>, vector<16xf32>,
    }
    %scan3A_15 = arith.constant 32 : i32
    %dma_start3A_16 = arith.constant 0 : i32
    %dma_start3A_17 = tpu.memref_slice %arg6[%mul3A_2, %dma_start3A_16] : memref<16384x64xf32, #tpu.memory_space<hbm>> -> memref<512x64xf32, #tpu.memory_space<hbm>>
    %dma_start3A_18 = arith.constant 0 : i32
    %dma_start3A_19 = tpu.memref_slice %arg6[%mul3A_2, %dma_start3A_18] : memref<16384x64xf32, #tpu.memory_space<hbm>> -> memref<512x64xf32, #tpu.memory_space<hbm>>
    tpu.enqueue_dma source(%arg11 : memref<512x64xf32, #tpu.memory_space<vmem>>) target(%dma_start3A_19 : memref<512x64xf32, #tpu.memory_space<hbm>>) target_semaphore(%arg14 : memref<!tpu.dma_semaphore, #tpu.memory_space<semaphore_mem>>)
    %dma_wait3A_20 = arith.constant 0 : i32
    %dma_wait3A_21 = tpu.memref_slice %arg6[%mul3A_2, %dma_wait3A_20] : memref<16384x64xf32, #tpu.memory_space<hbm>> -> memref<512x64xf32, #tpu.memory_space<hbm>>
    %dma_wait3A_22 = arith.constant 0 : i32
    %dma_wait3A_23 = tpu.memref_slice %arg6[%mul3A_2, %dma_wait3A_22] : memref<16384x64xf32, #tpu.memory_space<hbm>> -> memref<512x64xf32, #tpu.memory_space<hbm>>
    tpu.wait_dma2 semaphore(%arg14 : memref<!tpu.dma_semaphore, #tpu.memory_space<semaphore_mem>>) src(%arg11 : memref<512x64xf32, #tpu.memory_space<vmem>>) dst(%dma_wait3A_23 : memref<512x64xf32, #tpu.memory_space<hbm>>)
    return
  }
}

</mosaic_0001>

<sc_bundles>
// kernel: kernel.3.cloned.1.call-start
scs
__scs_entry_jumppad:
0x0: {  	(pc) =	sbr.rel $0x88, $3  }
0x1: {  	(tag) =	ssettag $0x0;
	lr =	simm.s32 $0x1  }
0x2: {  	[smem:$0x3F9D] =	sst lr;
	_ =	strace $0xD0000000  }
0x3: {  	_ = 	snop  }
0x4: {  	_ = 	snop  }
0x5: {  	_ = 	snop  }
0x6: {  	_ = 	snop  }
0x7: {  	_ = 	snop  }
__scs_overlays_trampoline_lowered:
0x8: {  	[smem:$0x3FAC] =	sst s0  }
0x9: {  	[smem:$0x3FAD] =	sst s1  }
0xa: {  	[smem:$0x3FAE] =	sst s2  }
0xb: {  	[smem:$0x3FAF] =	sst s3  }
0xc: {  	[smem:$0x3FB0] =	sst s4  }
0xd: {  	[smem:$0x3FB1] =	sst s5  }
0xe: {  	[smem:$0x3FB2] =	sst s6  }
0xf: {  	[smem:$0x3FB3] =	sst s7  }
0x10: {  	[smem:$0x3FB4] =	sst s8  }
0x11: {  	[smem:$0x3FB5] =	sst s9;
	s0 =	simm.s32 @!p0 $0x0  }
0x12: {  	s1 =	sld [smem:$0x3F9B];
	s0 =	simm.s32 @p0 $0x1  }
0x13: {  	[smem:$0x3FB6] =	sst s0;
	s0 =	simm.s32 @!p1 $0x0  }
0x14: {  	s2 =	sld [smem:$0x3F9A];
	s0 =	simm.s32 @p1 $0x1  }
0x15: {  	[smem:$0x3FB7] =	sst s0;
	s0 =	simm.s32 @!p2 $0x0  }
0x16: {  	s3 =	sld [smem:$0x3FDB];
	s0 =	simm.s32 @p2 $0x1  }
0x17: {  	s4 =	simm.s32 $0x1BF5;
	[smem:$0x3FB9] =	sst s0  }
0x18: {  	s0 =	sld [smem:$0x3F9C];
	_ =	swait.ge [sflag:s4], $0x0  }
0x19: {  	s7 =	sld [smem:$0x3F9D]  }
0x1a: {  	s8 =	sadd.s32 $0xFFFFE003, lr  }
0x1b: {  	s9 =	sadd.s32 $0xFFFFFEF7, lr;
	s5 =	simm.s32 $0xFFFFFFFF;
	p2 =	slt.u32 s8, $0xFFFFF086  }
0x1c: {  	p1 =	slt.u32 s9, $0xF7A;
	s5 =	simm.s32 @!p2 $0x0  }
0x1d: {  	s5 =	simm.s32 @p1 $0x1;
	p0 =	seq.s32 s7, s2  }
0x1e: {  	s7 =	smul.u32 @!p0 $0xF7A, s2;
	p2 =	seq.s32 @!p0 s5, $0x0  }
0x1f: {  	s9 =	smul.u32 $0xF7A, s1;
	s8 =	simm.s32 @!p0 $0x1BF5;
	p2 =	por !p2, p0  }
0x20: {  	[sflag:s8] =	ssyncset.s32 @!p0 $0xFFFFF086;
	s6 =	sadd.s32 @!p0 s3, s7;
	s7 =	simm.s32 @!p0 $0x108  }
0x21: {  	s3 =	sadd.s32 s3, s9;
	s6 =	sadd.s32 @!p0 $0x88, s6;
	s7 =	simm.s32 @p2 $0x1082  }
0x22: {  	[simem:s7], [sflag:s8] =	dma.local @!p0 [hbm:s6], $0xF7A  }
0x23: {  	s9 =	sor.u32 $0xD0000000, s2;
	s6 =	simm.s32 $0x108;
	_ =	swait.ge @!p0 [sflag:s8], $0x0  }
0x24: {  	s3 =	sadd.s32 $0x88, s3;
	s6 =	simm.s32 @!p1 $0x1082;
	[sflag:s4] =	ssyncset.s32 $0xFFFFF086  }
0x25: {  	[simem:s6], [sflag:s4] =	dma.local [hbm:s3], $0xF7A  }
0x26: {  	[smem:$0x3F9D] =	sst s1;
	(tag) =	ssettag s2;
	_ =	strace s9  }
0x27: {  	s1 =	sld [smem:$0x3FAD]  }
0x28: {  	s2 =	sld [smem:$0x3FAE]  }
0x29: {  	s4 =	sld [smem:$0x3FB0]  }
0x2a: {  	p0 =	seq.s32 s5, $0x0;
	s5 =	sld [smem:$0x3FB1]  }
0x2b: {  	s6 =	sld [smem:$0x3FB2]  }
0x2c: {  	s7 =	sld [smem:$0x3FB3]  }
0x2d: {  	s3 =	simm.s32 $0x108;
	s8 =	sld [smem:$0x3FB4]  }
0x2e: {  	s3 =	simm.s32 @!p0 $0x1082;
	s9 =	sld [smem:$0x3FB5]  }
0x2f: {  	lr =	sadd.s32 s0, s3;
	s0 =	sld [smem:$0x3FAC]  }
0x30: {  	s3 =	sld [smem:$0x3FAF]  }
0x31: {  	[smem:$0x3FB8] =	sst s10  }
0x32: {  	s10 =	sld [smem:$0x3FB6];
	_ =	sdelay $0x3  }
0x33: {  	p0 =	seq.s32 s10, $0x1;
	s10 =	sld [smem:$0x3FB8];
	_ =	sdelay $0x3  }
0x34: {  	[smem:$0x3FB8] =	sst s10  }
0x35: {  	s10 =	sld [smem:$0x3FB7];
	_ =	sdelay $0x3  }
0x36: {  	p1 =	seq.s32 s10, $0x1;
	s10 =	sld [smem:$0x3FB8];
	_ =	sdelay $0x3  }
0x37: {  	[smem:$0x3FB8] =	sst s10  }
0x38: {  	s10 =	sld [smem:$0x3FB9]  }
0x39: {  	_ = 	snop;
	(pc) =	sbr.ind lr, $3  }
0x3a: {  	_ = 	snop  }
0x3b: {  	_ = 	snop  }
0x3c: {  	p2 =	seq.s32 s10, $0x1;
	s10 =	sld [smem:$0x3FB8]  }
0x3d: {  	_ =	shalt  }
0x3e: {  	_ =	shalt  }
0x3f: {  	_ =	shalt  }
0x40: {  	_ =	shalt  }
0x41: {  	_ =	shalt  }
0x42: {  	_ =	shalt  }
0x43: {  	_ =	shalt  }
0x44: {  	_ =	shalt  }
0x45: {  	_ =	shalt  }
0x46: {  	_ =	shalt  }
0x47: {  	_ =	shalt  }
0x48: {  	_ =	shalt  }
0x49: {  	_ =	shalt  }
0x4a: {  	_ =	shalt  }
0x4b: {  	_ =	shalt  }
0x4c: {  	_ =	shalt  }
0x4d: {  	_ =	shalt  }
0x4e: {  	_ =	shalt  }
0x4f: {  	_ =	shalt  }
0x50: {  	_ =	shalt  }
0x51: {  	_ =	shalt  }
0x52: {  	_ =	shalt  }
0x53: {  	_ =	shalt  }
0x54: {  	_ =	shalt  }
0x55: {  	_ =	shalt  }
0x56: {  	_ =	shalt  }
0x57: {  	_ =	shalt  }
0x58: {  	_ =	shalt  }
0x59: {  	_ =	shalt  }
0x5a: {  	_ =	shalt  }
0x5b: {  	_ =	shalt  }
0x5c: {  	_ =	shalt  }
0x5d: {  	_ =	shalt  }
0x5e: {  	_ =	shalt  }
0x5f: {  	_ =	shalt  }
0x60: {  	_ =	shalt  }
0x61: {  	_ =	shalt  }
0x62: {  	_ =	shalt  }
0x63: {  	_ =	shalt  }
0x64: {  	_ =	shalt  }
0x65: {  	_ =	shalt  }
0x66: {  	_ =	shalt  }
0x67: {  	_ =	shalt  }
0x68: {  	_ =	shalt  }
0x69: {  	_ =	shalt  }
0x6a: {  	_ =	shalt  }
0x6b: {  	_ =	shalt  }
0x6c: {  	_ =	shalt  }
0x6d: {  	_ =	shalt  }
0x6e: {  	_ =	shalt  }
0x6f: {  	_ =	shalt  }
0x70: {  	_ =	shalt  }
0x71: {  	_ =	shalt  }
0x72: {  	_ =	shalt  }
0x73: {  	_ =	shalt  }
0x74: {  	_ =	shalt  }
0x75: {  	_ =	shalt  }
0x76: {  	_ =	shalt  }
0x77: {  	_ =	shalt  }
0x78: {  	_ =	shalt  }
0x79: {  	_ =	shalt  }
0x7a: {  	_ =	shalt  }
0x7b: {  	_ =	shalt  }
0x7c: {  	_ =	shalt  }
0x7d: {  	_ =	shalt  }
0x7e: {  	_ =	shalt  }
0x7f: {  	_ =	shalt  }
0x80: {  	_ =	shalt  }
0x81: {  	_ =	shalt  }
0x82: {  	_ =	shalt  }
0x83: {  	_ =	shalt  }
0x84: {  	_ =	shalt  }
0x85: {  	_ =	shalt  }
0x86: {  	_ =	shalt  }
0x87: {  	_ =	shalt  }
.Lfunc_end0:
.L_simem_size_0:
called_computation_lowered:
.L_overlay_start_0:
0x88: {  	s2 =	sld [smem:$0x3FD9]  }
0x89: {  	s3 =	sld [smem:$0x3FFE];
	_ =	sdelay $0x1  }
0x8a: {  	s1 =	srdreg.scid  }
0x8b: {  	s0 =	sand.u32 $0x1, s1  }
0x8c: {  	s17 =	sshll.u32 s0, $0xA;
	s2 =	sadd.s32 s3, s2  }
0x8d: {  	s2 =	sadd.s32 s2, s17  }
0x8e: {  	[smem:$0x3FC4] =	sst s2  }
0x8f: {  	_ = 	snop  }
0x90: {  	s2 =	sld [smem:$0x3FC9]  }
0x91: {  	s18 =	sld [smem:$0x3FC8]  }
0x92: {  	s4 =	sld [smem:$0x3FC7]  }
0x93: {  	s5 =	sld [smem:$0x3FC6];
	(tm) =	ssettm $0x1  }
0x94: {  	s6 =	sld [smem:$0x3FFB];
	_ =	sdelay $0x3  }
0x95: {  	_ =	strace s6  }
0x96: {  	s6 =	sld [smem:$0x3FFC];
	_ =	sdelay $0x3  }
0x97: {  	_ =	strace s6  }
0x98: {  	s6 =	sld [smem:$0x3FFD];
	_ =	sdelay $0x3  }
0x99: {  	_ =	strace s6  }
0x9a: {  	_ =	strace $0x8FFFFFFF  }
0x9b: {  	s19 =	sld [smem:$0x3FDB];
	_ =	sdelay $0x1  }
0x9c: {  	s7 =	simm.s32 $_scs_section_size  }
0x9d: {  	s8 =	simm.s32 $_size__tile_overlayer_lowered;
	s9 =	simm.s32 $_tile_overlayer_lowered  }
0x9e: {  	s22 =	simm.s32 $0x1BFF;
	s21 =	sshll.u32 s9, $0x1;
	s6 =	sadd.s32 s7, s19  }
0x9f: {  	s10 =	simm.s32 $0x0;
	s20 =	sshll.u32 s8, $0x1;
	s8 =	sadd.s32 s21, s6  }
0xa0: {  	[timem:s10], [sflag:s22] =	dma.local [hbm:s8], s20  }
0xa1: {  	_ =	swait.ge [sflag:s22], s20  }
0xa2: {  	s7 =	ssub.s32 $0x0, s20;
	[sflag:s22] =	ssyncset.done $0x0  }
0xa3: {  	[sflag:s22] =	ssyncadd.s32 s7;
	_ =	sdelay $0x1  }
0xa4: {  	s23 =	simm.s32 $0x1B8B  }
0xa5: {  	_ =	swait.ge [sflag:s23], $0x1  }
0xa6: {  	[sflag:s23] =	ssyncset.done $0x0  }
0xa7: {  	s25 =	simm.s32 $0x1B8E;
	s24 =	sld [smem:$0x3FFE];
	[sflag:s23] =	ssyncadd.s32 $0xFFFFFFFF  }
0xa8: {  	s26 =	simm.s32 $execute0_lowered;
	[smem:$0x3FD2] =	sst s25  }
0xa9: {  	s8 =	sshll.u32 s26, $0x1;
	_ =	strace $0x80000046;
	[dreg:$0x1] =	wrdreg $0xFFFFFFFF  }
0xaa: {  	s28 =	simm.s32 $_size_execute0_lowered;
	s6 =	sadd.s32 s6, s8;
	[dreg:$0x0] =	wrdreg $0x0  }
0xab: {  	s8 =	sshll.u32 s28, $0x1;
	[dreg:$0x2] =	wrdreg s6  }
0xac: {  	[dreg:$0x3] =	wrdreg s8  }
0xad: {  	[dreg:$0x4] =	wrdreg $0xC0  }
0xae: {  	_ =	task [dreg:s10], $0x5FFFF  }
0xaf: {  	[dreg:$0x1] =	wrdreg $0xFFFFFFFF  }
0xb0: {  	[dreg:$0x0] =	wrdreg $0x60  }
0xb1: {  	[dreg:$0x2] =	wrdreg s2  }
0xb2: {  	[dreg:$0x3] =	wrdreg s18  }
0xb3: {  	[dreg:$0x4] =	wrdreg s4  }
0xb4: {  	[dreg:$0x5] =	wrdreg s5  }
0xb5: {  	[dreg:$0x6] =	wrdreg s24  }
0xb6: {  	[dreg:$0x7] =	wrdreg $0x9  }
0xb7: {  	_ =	task.clear_ibuf [dreg:s10], $0x8FFFF;
	_ =	strace $0x90000046  }
0xb8: {  	s29 =	simm.s32 $0x9;
	_ =	strace $0x80000048  }
0xb9: {  	_ =	swait.ge [sflag:s29], $0x1  }
0xba: {  	[sflag:s29] =	ssyncadd.s32 $0xFFFFFFFF  }
0xbb: {  	_ =	strace $0x90000048  }
0xbc: {  	_ =	sfence  }
0xbd: {  	s30 =	sld [smem:$0x0];
	_ =	sdelay $0x2  }
0xbe: {  	s31 =	sshll.u32 s1, $0xD;
	s1 =	sshrl.u32 s1, $0x2  }
0xbf: {  	s3 =	sand.u32 $0x4000, s31;
	s1 =	sadd.s32 s1, s30  }
0xc0: {  	s0 =	sor.u32 s3, s0;
	s1 =	sshll.u32 s1, $0x11  }
0xc1: {  	s0 =	sor.u32 s1, s0  }
0xc2: {  	s0 =	sadd.s32 $0x8F2B, s0  }
0xc3: {  	[sflag:s0] =	ssyncadd.remote.s32 $0x1  }
0xc4: {  	_ =	sfence.sel $0xFFFF  }
0xc5: {  	[dreg:$0x0] =	wrdreg $0xFFFFFFFF;
	(pc) =	sbr.abs _section_cstart, $3  }
0xc6: {  	[dreg:$0x1] =	wrdreg $0xFFFFFFFF  }
0xc7: {  	_ =	task.clear_ibuf [dreg:s10], $0x2FFFF;
	_ =	strace $0x9FFFFFFF  }
0xc8: {  	(tm) =	ssettm $0x7FFFFFFF  }
0xc9: {  	_ =	shalt  }
tec
execute0_lowered:
.L_overlay_start_1:
0x0: {  	(tag) =	ssettag $0x1  }
0x1: {  	s5 =	rddreg [dreg:$0x0]  }
0x2: {  	s6 =	rddreg [dreg:$0x1]  }
0x3: {  	s1 =	rddreg [dreg:$0x2]  }
0x4: {  	s2 =	rddreg [dreg:$0x3]  }
0x5: {  	s7 =	rddreg [dreg:$0x4]  }
0x6: {  	s0 =	rddreg [dreg:$0x5];
	s8 =	srdreg.scid  }
0x7: {  	s4 =	simm.s32 $0x0;
	s3 =	stileid.u32;
	s12 =	simm.s32 $0x400  }
0x8: {  	s13 =	simm.s32 $0x4400;
	s14 =	simm.s32 $0x1400;
	s15 =	simm.s32 $0x5400  }
0x9: {  	s16 =	simm.s32 $0x2400;
	s17 =	simm.s32 $0x6400;
	s18 =	simm.s32 $0x3400  }
0xa: {  	s19 =	simm.s32 $0x7400;
	s20 =	simm.s32 $0x2;
	s21 =	simm.s32 $0x8400  }
0xb: {  	s22 =	simm.s32 $0x3;
	s23 =	simm.s32 $0x0;
	s8 =	sand.u32 $0x1, s8  }
0xc: {  	[smem:$0x7FF] =	sst s4;
	s9 =	sshll.u32 s3, $0xA;
	s10 =	sshll.u32 s8, $0x9  }
0xd: {  	_ =	strace $0x80000047;
	s8 =	ssub.s32 $0x2, s8;
	s9 =	sor.u32 s10, s9  }
0xe: {  	v0 =	vlaneseq.u32;
	s11 =	sshrl.u32 s8, $0x1;
	s10 =	sshll.u32 s9, $0x4;
	s9 =	sshrl.u32 s9, $0x3  }
0xf: {  	v0 =	vmul.u32 $0x80, v0;
	s8 =	ssub.s32 s8, s11;
	s11 =	simm.s32 $0x7A1400;
	s7 =	sadd.s32 s10, s7  }
0x10: {  	s5 =	sadd.s32 s5, s9;
	s6 =	sadd.s32 s6, s9;
	s8 =	smax.u32 s8, $0x1  }
0x11: {  	v1 =	vor.u32 $0x800, v0;
	s9 =	simm.s32 $0x200;
	s10 =	simm.s32 $0x1;
	s7 =	sadd.s32 $0x400, s7  }
.LBB2_1:
0x12: {  	[tilespmem:s4], [sflag:$0x1] =	stream.linear.gather [hbm4b:s5+s4], $0x200, $0x38;
	[tilespmem:$0x18400] =	vst v63  }
0x13: {  	_ = 	snop  }
0x14: {  	[tilespmem:s9], [sflag:$0x1] =	stream.linear.gather [hbm4b:s6+s4], $0x200, $0x38;
	[tilespmem:$0x18400] =	vst v63  }
0x15: {  	_ =	swait.ge [sflag:s10], $0x200  }
0x16: {  	[sflag:s10] =	ssyncset.done $0x0  }
0x17: {  	[sflag:s10] =	ssyncadd.s32 $0xFFFFFE00  }
0x18: {  	_ =	swait.ge [sflag:s10], $0x200  }
0x19: {  	[sflag:s10] =	ssyncset.done $0x0  }
0x1a: {  	s24 =	simm.s32 $0x8800;
	s25 =	simm.s32 $0x0;
	[sflag:s10] =	ssyncadd.s32 $0xFFFFFE00  }
.LBB2_2:
0x1b: {  	s26 =	sshra.s32 s25, $0x2  }
0x1c: {  	v5 =	vld [tilespmem:s26+$0x0];
	_ =	sdelay $0x1  }
0x1d: {  	v4 =	vld [tilespmem:s26+$0x200];
	_ =	sdelay $0x2  }
0x1e: {  	(v2sf) =	vpush v5, $0x0;
	_ =	sdelay $0x1  }
0x1f: {  	(v2sf) =	vpush v4, $0x0;
	_ =	sdelay $0x1  }
0x20: {  	(v2sf) =	vpush v5, $0x1;
	_ =	sdelay $0x2  }
0x21: {  	(v2sf) =	vpush v4, $0x1;
	_ =	sdelay $0x7  }
0x22: {  	s28 =	spop (v2sf);
	(v2sf) =	vpush v5, $0x2;
	_ =	sdelay $0x1  }
0x23: {  	s29 =	spop (v2sf);
	(v2sf) =	vpush v4, $0x2  }
0x24: {  	s26 =	sand.u32 $0xFFFFF80, s28  }
0x25: {  	s26 =	sadd.s32 s1, s26;
	s30 =	spop (v2sf)  }
0x26: {  	(v2sf) =	vpush v5, $0x3;
	[tilespmem:s12], [sflag:$0x2] =	stream.strided.gather [hbm4b:s26+s12], $0x1000, s11, s12, $0x38;
	[tilespmem:$0x18400] =	vst v63  }
0x27: {  	s26 =	sand.u32 $0xFFFFF80, s29  }
0x28: {  	s31 =	spop (v2sf);
	s26 =	sadd.s32 s2, s26  }
0x29: {  	(v2sf) =	vpush v4, $0x3;
	[tilespmem:s13], [sflag:$0x2] =	stream.strided.gather [hbm4b:s26+s12], $0x1000, s11, s12, $0x38;
	[tilespmem:$0x18400] =	vst v63  }
0x2a: {  	s26 =	sand.u32 $0xFFFFF80, s30  }
0x2b: {  	s26 =	sadd.s32 s1, s26  }
0x2c: {  	[tilespmem:s14], [sflag:$0x2] =	stream.strided.gather [hbm4b:s26+s12], $0x1000, s11, s12, $0x38;
	[tilespmem:$0x18400] =	vst v63  }
0x2d: {  	s26 =	sand.u32 $0xFFFFF80, s31  }
0x2e: {  	s26 =	sadd.s32 s2, s26  }
0x2f: {  	[tilespmem:s15], [sflag:$0x2] =	stream.strided.gather [hbm4b:s26+s12], $0x1000, s11, s12, $0x38;
	[tilespmem:$0x18400] =	vst v63  }
0x30: {  	s28 =	spop (v2sf)  }
0x31: {  	s26 =	sand.u32 $0xFFFFF80, s28  }
0x32: {  	s29 =	spop (v2sf);
	s26 =	sadd.s32 s1, s26  }
0x33: {  	[tilespmem:s16], [sflag:$0x2] =	stream.strided.gather [hbm4b:s26+s12], $0x1000, s11, s12, $0x38;
	[tilespmem:$0x18400] =	vst v63  }
0x34: {  	s26 =	sand.u32 $0xFFFFF80, s29  }
0x35: {  	s30 =	spop (v2sf);
	s26 =	sadd.s32 s2, s26  }
0x36: {  	[tilespmem:s17], [sflag:$0x2] =	stream.strided.gather [hbm4b:s26+s12], $0x1000, s11, s12, $0x38;
	[tilespmem:$0x18400] =	vst v63  }
0x37: {  	s26 =	sand.u32 $0xFFFFF80, s30  }
0x38: {  	s31 =	spop (v2sf);
	s26 =	sadd.s32 s1, s26  }
0x39: {  	[tilespmem:s18], [sflag:$0x2] =	stream.strided.gather [hbm4b:s26+s12], $0x1000, s11, s12, $0x38;
	[tilespmem:$0x18400] =	vst v63  }
0x3a: {  	s26 =	sand.u32 $0xFFFFF80, s31  }
0x3b: {  	s26 =	sadd.s32 s2, s26  }
0x3c: {  	[tilespmem:s19], [sflag:$0x2] =	stream.strided.gather [hbm4b:s26+s12], $0x1000, s11, s12, $0x38;
	[tilespmem:$0x18400] =	vst v63  }
0x3d: {  	_ =	swait.ge [sflag:s20], $0x1000  }
0x3e: {  	[sflag:s20] =	ssyncset.done $0x0  }
0x3f: {  	[sflag:s20] =	ssyncadd.s32 $0xFFFFF000  }
0x40: {  	_ =	swait.ge [sflag:s20], $0x1000  }
0x41: {  	[sflag:s20] =	ssyncset.done $0x0  }
0x42: {  	[sflag:s20] =	ssyncadd.s32 $0xFFFFF000  }
0x43: {  	_ =	swait.ge [sflag:s20], $0x1000  }
0x44: {  	[sflag:s20] =	ssyncset.done $0x0  }
0x45: {  	[sflag:s20] =	ssyncadd.s32 $0xFFFFF000  }
0x46: {  	_ =	swait.ge [sflag:s20], $0x1000  }
0x47: {  	[sflag:s20] =	ssyncset.done $0x0  }
0x48: {  	[sflag:s20] =	ssyncadd.s32 $0xFFFFF000  }
0x49: {  	_ =	swait.ge [sflag:s20], $0x1000  }
0x4a: {  	[sflag:s20] =	ssyncset.done $0x0  }
0x4b: {  	[sflag:s20] =	ssyncadd.s32 $0xFFFFF000  }
0x4c: {  	_ =	swait.ge [sflag:s20], $0x1000  }
0x4d: {  	v2 =	vand.u32 $0x7F, v5;
	[sflag:s20] =	ssyncset.done $0x0  }
0x4e: {  	v3 =	vbroadcast v2, $0x0;
	[sflag:s20] =	ssyncadd.s32 $0xFFFFF000  }
0x4f: {  	_ =	swait.ge [sflag:s20], $0x1000  }
0x50: {  	v6 =	vor.u32 v0, v3;
	[sflag:s20] =	ssyncset.done $0x0  }
0x51: {  	[sflag:s20] =	ssyncadd.s32 $0xFFFFF000  }
0x52: {  	_ =	swait.ge [sflag:s20], $0x1000  }
0x53: {  	[sflag:s20] =	ssyncset.done $0x0  }
0x54: {  	[sflag:s20] =	ssyncadd.s32 $0xFFFFF000  }
0x55: {  	v6 =	vld.idx.msk [tilespmem:v6+s12+$0x0], $0xffff  }
0x56: {  	v7 =	vor.u32 v1, v3;
	_ =	sdelay $0x2  }
0x57: {  	v3 =	vand.u32 $0x7F, v4  }
0x58: {  	v8 =	vbroadcast v3, $0x0;
	[tilespmem:s24+$0xFFFFFC00] =	vst v6  }
0x59: {  	v6 =	vld.idx.msk [tilespmem:v7+s12+$0x0], $0xffff  }
0x5a: {  	v44 =	vor.u32 v0, v8;
	_ =	sdelay $0x3  }
0x5b: {  	[tilespmem:s24+$0xFFFFFC10] =	vst v6  }
0x5c: {  	v6 =	vld.idx.msk [tilespmem:v44+s13+$0x0], $0xffff  }
0x5d: {  	v45 =	vor.u32 v1, v8;
	_ =	sdelay $0x3  }
0x5e: {  	v46 =	vbroadcast v2, $0x1;
	[tilespmem:s24+$0xFFFFFC20] =	vst v6  }
0x5f: {  	v7 =	vld.idx.msk [tilespmem:v45+s13+$0x0], $0xffff  }
0x60: {  	v47 =	vor.u32 v0, v46;
	_ =	sdelay $0x3  }
0x61: {  	[tilespmem:s24+$0xFFFFFC30] =	vst v7  }
0x62: {  	v7 =	vld.idx.msk [tilespmem:v47+s14+$0x0], $0xffff  }
0x63: {  	v6 =	vor.u32 v1, v46;
	_ =	sdelay $0x3  }
0x64: {  	v48 =	vbroadcast v3, $0x1;
	[tilespmem:s24+$0xFFFFFC80] =	vst v7  }
0x65: {  	v6 =	vld.idx.msk [tilespmem:v6+s14+$0x0], $0xffff  }
0x66: {  	v49 =	vor.u32 v0, v48;
	_ =	sdelay $0x3  }
0x67: {  	[tilespmem:s24+$0xFFFFFC90] =	vst v6  }
0x68: {  	v6 =	vld.idx.msk [tilespmem:v49+s15+$0x0], $0xffff  }
0x69: {  	v50 =	vor.u32 v1, v48;
	_ =	sdelay $0x3  }
0x6a: {  	v51 =	vbroadcast v2, $0x2;
	[tilespmem:s24+$0xFFFFFCA0] =	vst v6  }
0x6b: {  	v7 =	vld.idx.msk [tilespmem:v50+s15+$0x0], $0xffff  }
0x6c: {  	v52 =	vor.u32 v0, v51;
	_ =	sdelay $0x3  }
0x6d: {  	[tilespmem:s24+$0xFFFFFCB0] =	vst v7  }
0x6e: {  	v7 =	vld.idx.msk [tilespmem:v52+s16+$0x0], $0xffff  }
0x6f: {  	v6 =	vor.u32 v1, v51;
	_ =	sdelay $0x3  }
0x70: {  	v53 =	vbroadcast v3, $0x2;
	[tilespmem:s24+$0xFFFFFD00] =	vst v7  }
0x71: {  	v6 =	vld.idx.msk [tilespmem:v6+s16+$0x0], $0xffff  }
0x72: {  	v54 =	vor.u32 v0, v53;
	_ =	sdelay $0x3  }
0x73: {  	[tilespmem:s24+$0xFFFFFD10] =	vst v6  }
0x74: {  	v6 =	vld.idx.msk [tilespmem:v54+s17+$0x0], $0xffff  }
0x75: {  	v55 =	vor.u32 v1, v53;
	_ =	sdelay $0x3  }
0x76: {  	v56 =	vbroadcast v2, $0x3;
	[tilespmem:s24+$0xFFFFFD20] =	vst v6  }
0x77: {  	v7 =	vld.idx.msk [tilespmem:v55+s17+$0x0], $0xffff  }
0x78: {  	v57 =	vor.u32 v0, v56;
	_ =	sdelay $0x3  }
0x79: {  	[tilespmem:s24+$0xFFFFFD30] =	vst v7  }
0x7a: {  	v7 =	vld.idx.msk [tilespmem:v57+s18+$0x0], $0xffff  }
0x7b: {  	v6 =	vor.u32 v1, v56  }
0x7c: {  	(v2sf) =	vpush v5, $0x4;
	_ =	sdelay $0x2  }
0x7d: {  	v58 =	vbroadcast v3, $0x3;
	(v2sf) =	vpush v4, $0x4;
	[tilespmem:s24+$0xFFFFFD80] =	vst v7  }
0x7e: {  	v6 =	vld.idx.msk [tilespmem:v6+s18+$0x0], $0xffff  }
0x7f: {  	v59 =	vor.u32 v0, v58  }
0x80: {  	(v2sf) =	vpush v5, $0x5;
	_ =	sdelay $0x2  }
0x81: {  	(v2sf) =	vpush v4, $0x5;
	[tilespmem:s24+$0xFFFFFD90] =	vst v6  }
0x82: {  	v6 =	vld.idx.msk [tilespmem:v59+s19+$0x0], $0xffff  }
0x83: {  	v60 =	vor.u32 v1, v58;
	_ =	sdelay $0x3  }
0x84: {  	s28 =	spop (v2sf);
	(v2sf) =	vpush v5, $0x6;
	[tilespmem:s24+$0xFFFFFDA0] =	vst v6  }
0x85: {  	v6 =	vld.idx.msk [tilespmem:v60+s19+$0x0], $0xffff;
	_ =	sdelay $0x1  }
0x86: {  	s29 =	spop (v2sf);
	(v2sf) =	vpush v4, $0x6;
	_ =	sdelay $0x1  }
0x87: {  	s26 =	sand.u32 $0xFFFFF80, s28  }
0x88: {  	s26 =	sadd.s32 s1, s26;
	s30 =	spop (v2sf);
	(v2sf) =	vpush v5, $0x7;
	[tilespmem:s24+$0xFFFFFDB0] =	vst v6  }
0x89: {  	[tilespmem:s12], [sflag:$0x2] =	stream.strided.gather [hbm4b:s26+s12], $0x1000, s11, s12, $0x38;
	[tilespmem:$0x18400] =	vst v63  }
0x8a: {  	s26 =	sand.u32 $0xFFFFF80, s29  }
0x8b: {  	s31 =	spop (v2sf);
	(v2sf) =	vpush v4, $0x7;
	s26 =	sadd.s32 s2, s26  }
0x8c: {  	[tilespmem:s13], [sflag:$0x2] =	stream.strided.gather [hbm4b:s26+s12], $0x1000, s11, s12, $0x38;
	[tilespmem:$0x18400] =	vst v63  }
0x8d: {  	s26 =	sand.u32 $0xFFFFF80, s30  }
0x8e: {  	s26 =	sadd.s32 s1, s26  }
0x8f: {  	[tilespmem:s14], [sflag:$0x2] =	stream.strided.gather [hbm4b:s26+s12], $0x1000, s11, s12, $0x38;
	[tilespmem:$0x18400] =	vst v63  }
0x90: {  	s26 =	sand.u32 $0xFFFFF80, s31  }
0x91: {  	s28 =	spop (v2sf);
	s26 =	sadd.s32 s2, s26  }
0x92: {  	[tilespmem:s15], [sflag:$0x2] =	stream.strided.gather [hbm4b:s26+s12], $0x1000, s11, s12, $0x38;
	[tilespmem:$0x18400] =	vst v63  }
0x93: {  	s26 =	sand.u32 $0xFFFFF80, s28  }
0x94: {  	s29 =	spop (v2sf);
	s26 =	sadd.s32 s1, s26  }
0x95: {  	[tilespmem:s16], [sflag:$0x2] =	stream.strided.gather [hbm4b:s26+s12], $0x1000, s11, s12, $0x38;
	[tilespmem:$0x18400] =	vst v63  }
0x96: {  	s26 =	sand.u32 $0xFFFFF80, s29  }
0x97: {  	s30 =	spop (v2sf);
	s26 =	sadd.s32 s2, s26  }
0x98: {  	[tilespmem:s17], [sflag:$0x2] =	stream.strided.gather [hbm4b:s26+s12], $0x1000, s11, s12, $0x38;
	[tilespmem:$0x18400] =	vst v63  }
0x99: {  	s26 =	sand.u32 $0xFFFFF80, s30  }
0x9a: {  	s31 =	spop (v2sf);
	s26 =	sadd.s32 s1, s26  }
0x9b: {  	[tilespmem:s18], [sflag:$0x2] =	stream.strided.gather [hbm4b:s26+s12], $0x1000, s11, s12, $0x38;
	[tilespmem:$0x18400] =	vst v63  }
0x9c: {  	s26 =	sand.u32 $0xFFFFF80, s31  }
0x9d: {  	s26 =	sadd.s32 s2, s26  }
0x9e: {  	[tilespmem:s19], [sflag:$0x2] =	stream.strided.gather [hbm4b:s26+s12], $0x1000, s11, s12, $0x38;
	[tilespmem:$0x18400] =	vst v63  }
0x9f: {  	_ =	swait.ge [sflag:s20], $0x1000  }
0xa0: {  	[sflag:s20] =	ssyncset.done $0x0  }
0xa1: {  	[sflag:s20] =	ssyncadd.s32 $0xFFFFF000  }
0xa2: {  	_ =	swait.ge [sflag:s20], $0x1000  }
0xa3: {  	[sflag:s20] =	ssyncset.done $0x0  }
0xa4: {  	[sflag:s20] =	ssyncadd.s32 $0xFFFFF000  }
0xa5: {  	_ =	swait.ge [sflag:s20], $0x1000  }
0xa6: {  	[sflag:s20] =	ssyncset.done $0x0  }
0xa7: {  	[sflag:s20] =	ssyncadd.s32 $0xFFFFF000  }
0xa8: {  	_ =	swait.ge [sflag:s20], $0x1000  }
0xa9: {  	[sflag:s20] =	ssyncset.done $0x0  }
0xaa: {  	[sflag:s20] =	ssyncadd.s32 $0xFFFFF000  }
0xab: {  	_ =	swait.ge [sflag:s20], $0x1000  }
0xac: {  	[sflag:s20] =	ssyncset.done $0x0  }
0xad: {  	[sflag:s20] =	ssyncadd.s32 $0xFFFFF000  }
0xae: {  	_ =	swait.ge [sflag:s20], $0x1000  }
0xaf: {  	[sflag:s20] =	ssyncset.done $0x0  }
0xb0: {  	v61 =	vbroadcast v2, $0x4;
	[sflag:s20] =	ssyncadd.s32 $0xFFFFF000  }
0xb1: {  	_ =	swait.ge [sflag:s20], $0x1000  }
0xb2: {  	v62 =	vor.u32 v0, v61;
	[sflag:s20] =	ssyncset.done $0x0  }
0xb3: {  	[sflag:s20] =	ssyncadd.s32 $0xFFFFF000  }
0xb4: {  	_ =	swait.ge [sflag:s20], $0x1000  }
0xb5: {  	[sflag:s20] =	ssyncset.done $0x0  }
0xb6: {  	[sflag:s20] =	ssyncadd.s32 $0xFFFFF000  }
0xb7: {  	v7 =	vld.idx.msk [tilespmem:v62+s12+$0x0], $0xffff  }
0xb8: {  	v6 =	vor.u32 v1, v61;
	_ =	sdelay $0x3  }
0xb9: {  	v63 =	vbroadcast v3, $0x4;
	[tilespmem:s24+$0xFFFFFE00] =	vst v7  }
0xba: {  	v6 =	vld.idx.msk [tilespmem:v6+s12+$0x0], $0xffff  }
0xbb: {  	v10 =	vor.u32 v0, v63;
	_ =	sdelay $0x3  }
0xbc: {  	[tilespmem:s24+$0xFFFFFE10] =	vst v6  }
0xbd: {  	v6 =	vld.idx.msk [tilespmem:v10+s13+$0x0], $0xffff  }
0xbe: {  	v11 =	vor.u32 v1, v63;
	_ =	sdelay $0x3  }
0xbf: {  	v12 =	vbroadcast v2, $0x5;
	[tilespmem:s24+$0xFFFFFE20] =	vst v6  }
0xc0: {  	v7 =	vld.idx.msk [tilespmem:v11+s13+$0x0], $0xffff  }
0xc1: {  	v13 =	vor.u32 v0, v12;
	_ =	sdelay $0x3  }
0xc2: {  	[tilespmem:s24+$0xFFFFFE30] =	vst v7  }
0xc3: {  	v7 =	vld.idx.msk [tilespmem:v13+s14+$0x0], $0xffff  }
0xc4: {  	v6 =	vor.u32 v1, v12;
	_ =	sdelay $0x3  }
0xc5: {  	v14 =	vbroadcast v3, $0x5;
	[tilespmem:s24+$0xFFFFFE80] =	vst v7  }
0xc6: {  	v6 =	vld.idx.msk [tilespmem:v6+s14+$0x0], $0xffff  }
0xc7: {  	v15 =	vor.u32 v0, v14;
	_ =	sdelay $0x3  }
0xc8: {  	[tilespmem:s24+$0xFFFFFE90] =	vst v6  }
0xc9: {  	v6 =	vld.idx.msk [tilespmem:v15+s15+$0x0], $0xffff  }
0xca: {  	v16 =	vor.u32 v1, v14;
	_ =	sdelay $0x3  }
0xcb: {  	v17 =	vbroadcast v2, $0x6;
	[tilespmem:s24+$0xFFFFFEA0] =	vst v6  }
0xcc: {  	v7 =	vld.idx.msk [tilespmem:v16+s15+$0x0], $0xffff  }
0xcd: {  	v18 =	vor.u32 v0, v17;
	_ =	sdelay $0x3  }
0xce: {  	[tilespmem:s24+$0xFFFFFEB0] =	vst v7  }
0xcf: {  	v7 =	vld.idx.msk [tilespmem:v18+s16+$0x0], $0xffff  }
0xd0: {  	v6 =	vor.u32 v1, v17;
	_ =	sdelay $0x3  }
0xd1: {  	v19 =	vbroadcast v3, $0x6;
	[tilespmem:s24+$0xFFFFFF00] =	vst v7  }
0xd2: {  	v6 =	vld.idx.msk [tilespmem:v6+s16+$0x0], $0xffff  }
0xd3: {  	v20 =	vor.u32 v0, v19;
	_ =	sdelay $0x3  }
0xd4: {  	[tilespmem:s24+$0xFFFFFF10] =	vst v6  }
0xd5: {  	v6 =	vld.idx.msk [tilespmem:v20+s17+$0x0], $0xffff  }
0xd6: {  	v21 =	vor.u32 v1, v19;
	_ =	sdelay $0x3  }
0xd7: {  	v22 =	vbroadcast v2, $0x7;
	[tilespmem:s24+$0xFFFFFF20] =	vst v6  }
0xd8: {  	v7 =	vld.idx.msk [tilespmem:v21+s17+$0x0], $0xffff  }
0xd9: {  	v23 =	vor.u32 v0, v22;
	_ =	sdelay $0x3  }
0xda: {  	[tilespmem:s24+$0xFFFFFF30] =	vst v7  }
0xdb: {  	v7 =	vld.idx.msk [tilespmem:v23+s18+$0x0], $0xffff  }
0xdc: {  	v6 =	vor.u32 v1, v22  }
0xdd: {  	(v2sf) =	vpush v5, $0x8;
	_ =	sdelay $0x2  }
0xde: {  	v24 =	vbroadcast v3, $0x7;
	(v2sf) =	vpush v4, $0x8;
	[tilespmem:s24+$0xFFFFFF80] =	vst v7  }
0xdf: {  	v6 =	vld.idx.msk [tilespmem:v6+s18+$0x0], $0xffff  }
0xe0: {  	v25 =	vor.u32 v0, v24  }
0xe1: {  	(v2sf) =	vpush v5, $0x9;
	_ =	sdelay $0x2  }
0xe2: {  	(v2sf) =	vpush v4, $0x9;
	[tilespmem:s24+$0xFFFFFF90] =	vst v6  }
0xe3: {  	v6 =	vld.idx.msk [tilespmem:v25+s19+$0x0], $0xffff  }
0xe4: {  	v26 =	vor.u32 v1, v24;
	_ =	sdelay $0x3  }
0xe5: {  	s28 =	spop (v2sf);
	(v2sf) =	vpush v5, $0xA;
	[tilespmem:s24+$0xFFFFFFA0] =	vst v6  }
0xe6: {  	v6 =	vld.idx.msk [tilespmem:v26+s19+$0x0], $0xffff;
	_ =	sdelay $0x1  }
0xe7: {  	s29 =	spop (v2sf);
	(v2sf) =	vpush v4, $0xA;
	_ =	sdelay $0x1  }
0xe8: {  	s26 =	sand.u32 $0xFFFFF80, s28  }
0xe9: {  	s26 =	sadd.s32 s1, s26;
	s30 =	spop (v2sf);
	(v2sf) =	vpush v5, $0xB;
	[tilespmem:s24+$0xFFFFFFB0] =	vst v6  }
0xea: {  	[tilespmem:s12], [sflag:$0x2] =	stream.strided.gather [hbm4b:s26+s12], $0x1000, s11, s12, $0x38;
	[tilespmem:$0x18400] =	vst v63  }
0xeb: {  	s26 =	sand.u32 $0xFFFFF80, s29  }
0xec: {  	s31 =	spop (v2sf);
	(v2sf) =	vpush v4, $0xB;
	s26 =	sadd.s32 s2, s26  }
0xed: {  	[tilespmem:s13], [sflag:$0x2] =	stream.strided.gather [hbm4b:s26+s12], $0x1000, s11, s12, $0x38;
	[tilespmem:$0x18400] =	vst v63  }
0xee: {  	s26 =	sand.u32 $0xFFFFF80, s30  }
0xef: {  	s26 =	sadd.s32 s1, s26  }
0xf0: {  	[tilespmem:s14], [sflag:$0x2] =	stream.strided.gather [hbm4b:s26+s12], $0x1000, s11, s12, $0x38;
	[tilespmem:$0x18400] =	vst v63  }
0xf1: {  	s26 =	sand.u32 $0xFFFFF80, s31  }
0xf2: {  	s28 =	spop (v2sf);
	s26 =	sadd.s32 s2, s26  }
0xf3: {  	[tilespmem:s15], [sflag:$0x2] =	stream.strided.gather [hbm4b:s26+s12], $0x1000, s11, s12, $0x38;
	[tilespmem:$0x18400] =	vst v63  }
0xf4: {  	s26 =	sand.u32 $0xFFFFF80, s28  }
0xf5: {  	s29 =	spop (v2sf);
	s26 =	sadd.s32 s1, s26  }
0xf6: {  	[tilespmem:s16], [sflag:$0x2] =	stream.strided.gather [hbm4b:s26+s12], $0x1000, s11, s12, $0x38;
	[tilespmem:$0x18400] =	vst v63  }
0xf7: {  	s26 =	sand.u32 $0xFFFFF80, s29  }
0xf8: {  	s30 =	spop (v2sf);
	s26 =	sadd.s32 s2, s26  }
0xf9: {  	[tilespmem:s17], [sflag:$0x2] =	stream.strided.gather [hbm4b:s26+s12], $0x1000, s11, s12, $0x38;
	[tilespmem:$0x18400] =	vst v63  }
0xfa: {  	s26 =	sand.u32 $0xFFFFF80, s30  }
0xfb: {  	s31 =	spop (v2sf);
	s26 =	sadd.s32 s1, s26  }
0xfc: {  	[tilespmem:s18], [sflag:$0x2] =	stream.strided.gather [hbm4b:s26+s12], $0x1000, s11, s12, $0x38;
	[tilespmem:$0x18400] =	vst v63  }
0xfd: {  	s26 =	sand.u32 $0xFFFFF80, s31  }
0xfe: {  	s26 =	sadd.s32 s2, s26  }
0xff: {  	[tilespmem:s19], [sflag:$0x2] =	stream.strided.gather [hbm4b:s26+s12], $0x1000, s11, s12, $0x38;
	[tilespmem:$0x18400] =	vst v63  }
0x100: {  	_ =	swait.ge [sflag:s20], $0x1000  }
0x101: {  	[sflag:s20] =	ssyncset.done $0x0  }
0x102: {  	[sflag:s20] =	ssyncadd.s32 $0xFFFFF000  }
0x103: {  	_ =	swait.ge [sflag:s20], $0x1000  }
0x104: {  	[sflag:s20] =	ssyncset.done $0x0  }
0x105: {  	[sflag:s20] =	ssyncadd.s32 $0xFFFFF000  }
0x106: {  	_ =	swait.ge [sflag:s20], $0x1000  }
0x107: {  	[sflag:s20] =	ssyncset.done $0x0  }
0x108: {  	[sflag:s20] =	ssyncadd.s32 $0xFFFFF000  }
0x109: {  	_ =	swait.ge [sflag:s20], $0x1000  }
0x10a: {  	[sflag:s20] =	ssyncset.done $0x0  }
0x10b: {  	[sflag:s20] =	ssyncadd.s32 $0xFFFFF000  }
0x10c: {  	_ =	swait.ge [sflag:s20], $0x1000  }
0x10d: {  	[sflag:s20] =	ssyncset.done $0x0  }
0x10e: {  	[sflag:s20] =	ssyncadd.s32 $0xFFFFF000  }
0x10f: {  	_ =	swait.ge [sflag:s20], $0x1000  }
0x110: {  	[sflag:s20] =	ssyncset.done $0x0  }
0x111: {  	v27 =	vbroadcast v2, $0x8;
	[sflag:s20] =	ssyncadd.s32 $0xFFFFF000  }
0x112: {  	_ =	swait.ge [sflag:s20], $0x1000  }
0x113: {  	v28 =	vor.u32 v0, v27;
	[sflag:s20] =	ssyncset.done $0x0  }
0x114: {  	[sflag:s20] =	ssyncadd.s32 $0xFFFFF000  }
0x115: {  	_ =	swait.ge [sflag:s20], $0x1000  }
0x116: {  	[sflag:s20] =	ssyncset.done $0x0  }
0x117: {  	[sflag:s20] =	ssyncadd.s32 $0xFFFFF000  }
0x118: {  	v7 =	vld.idx.msk [tilespmem:v28+s12+$0x0], $0xffff  }
0x119: {  	v6 =	vor.u32 v1, v27;
	_ =	sdelay $0x3  }
0x11a: {  	v29 =	vbroadcast v3, $0x8;
	[tilespmem:s24+$0x0] =	vst v7  }
0x11b: {  	v6 =	vld.idx.msk [tilespmem:v6+s12+$0x0], $0xffff  }
0x11c: {  	v30 =	vor.u32 v0, v29;
	_ =	sdelay $0x3  }
0x11d: {  	[tilespmem:s24+$0x10] =	vst v6  }
0x11e: {  	v6 =	vld.idx.msk [tilespmem:v30+s13+$0x0], $0xffff  }
0x11f: {  	v31 =	vor.u32 v1, v29;
	_ =	sdelay $0x3  }
0x120: {  	v32 =	vbroadcast v2, $0x9;
	[tilespmem:s24+$0x20] =	vst v6  }
0x121: {  	v7 =	vld.idx.msk [tilespmem:v31+s13+$0x0], $0xffff  }
0x122: {  	v33 =	vor.u32 v0, v32;
	_ =	sdelay $0x3  }
0x123: {  	[tilespmem:s24+$0x30] =	vst v7  }
0x124: {  	v7 =	vld.idx.msk [tilespmem:v33+s14+$0x0], $0xffff  }
0x125: {  	v6 =	vor.u32 v1, v32;
	_ =	sdelay $0x3  }
0x126: {  	v34 =	vbroadcast v3, $0x9;
	[tilespmem:s24+$0x80] =	vst v7  }
0x127: {  	v6 =	vld.idx.msk [tilespmem:v6+s14+$0x0], $0xffff  }
0x128: {  	v35 =	vor.u32 v0, v34;
	_ =	sdelay $0x3  }
0x129: {  	[tilespmem:s24+$0x90] =	vst v6  }
0x12a: {  	v6 =	vld.idx.msk [tilespmem:v35+s15+$0x0], $0xffff  }
0x12b: {  	v36 =	vor.u32 v1, v34;
	_ =	sdelay $0x3  }
0x12c: {  	v37 =	vbroadcast v2, $0xA;
	[tilespmem:s24+$0xA0] =	vst v6  }
0x12d: {  	v7 =	vld.idx.msk [tilespmem:v36+s15+$0x0], $0xffff  }
0x12e: {  	v38 =	vor.u32 v0, v37;
	_ =	sdelay $0x3  }
0x12f: {  	[tilespmem:s24+$0xB0] =	vst v7  }
0x130: {  	v7 =	vld.idx.msk [tilespmem:v38+s16+$0x0], $0xffff  }
0x131: {  	v6 =	vor.u32 v1, v37;
	_ =	sdelay $0x3  }
0x132: {  	v39 =	vbroadcast v3, $0xA;
	[tilespmem:s24+$0x100] =	vst v7  }
0x133: {  	v6 =	vld.idx.msk [tilespmem:v6+s16+$0x0], $0xffff  }
0x134: {  	v40 =	vor.u32 v0, v39;
	_ =	sdelay $0x3  }
0x135: {  	[tilespmem:s24+$0x110] =	vst v6  }
0x136: {  	v6 =	vld.idx.msk [tilespmem:v40+s17+$0x0], $0xffff  }
0x137: {  	v41 =	vor.u32 v1, v39;
	_ =	sdelay $0x3  }
0x138: {  	v42 =	vbroadcast v2, $0xB;
	[tilespmem:s24+$0x120] =	vst v6  }
0x139: {  	v7 =	vld.idx.msk [tilespmem:v41+s17+$0x0], $0xffff  }
0x13a: {  	v43 =	vor.u32 v0, v42;
	_ =	sdelay $0x3  }
0x13b: {  	[tilespmem:s24+$0x130] =	vst v7  }
0x13c: {  	v7 =	vld.idx.msk [tilespmem:v43+s18+$0x0], $0xffff  }
0x13d: {  	v6 =	vor.u32 v1, v42  }
0x13e: {  	(v2sf) =	vpush v5, $0xC;
	_ =	sdelay $0x2  }
0x13f: {  	v44 =	vbroadcast v3, $0xB;
	(v2sf) =	vpush v4, $0xC;
	[tilespmem:s24+$0x180] =	vst v7  }
0x140: {  	v6 =	vld.idx.msk [tilespmem:v6+s18+$0x0], $0xffff  }
0x141: {  	v45 =	vor.u32 v0, v44  }
0x142: {  	(v2sf) =	vpush v5, $0xD;
	_ =	sdelay $0x2  }
0x143: {  	(v2sf) =	vpush v4, $0xD;
	[tilespmem:s24+$0x190] =	vst v6  }
0x144: {  	v6 =	vld.idx.msk [tilespmem:v45+s19+$0x0], $0xffff  }
0x145: {  	v46 =	vor.u32 v1, v44;
	_ =	sdelay $0x3  }
0x146: {  	s28 =	spop (v2sf);
	(v2sf) =	vpush v5, $0xE;
	[tilespmem:s24+$0x1A0] =	vst v6  }
0x147: {  	v6 =	vld.idx.msk [tilespmem:v46+s19+$0x0], $0xffff;
	_ =	sdelay $0x1  }
0x148: {  	s29 =	spop (v2sf);
	(v2sf) =	vpush v4, $0xE;
	_ =	sdelay $0x1  }
0x149: {  	s26 =	sand.u32 $0xFFFFF80, s28  }
0x14a: {  	s26 =	sadd.s32 s1, s26;
	s30 =	spop (v2sf);
	(v2sf) =	vpush v5, $0xF;
	[tilespmem:s24+$0x1B0] =	vst v6  }
0x14b: {  	[tilespmem:s12], [sflag:$0x2] =	stream.strided.gather [hbm4b:s26+s12], $0x1000, s11, s12, $0x38;
	[tilespmem:$0x18400] =	vst v63  }
0x14c: {  	s26 =	sand.u32 $0xFFFFF80, s29  }
0x14d: {  	s31 =	spop (v2sf);
	(v2sf) =	vpush v4, $0xF;
	s26 =	sadd.s32 s2, s26  }
0x14e: {  	[tilespmem:s13], [sflag:$0x2] =	stream.strided.gather [hbm4b:s26+s12], $0x1000, s11, s12, $0x38;
	[tilespmem:$0x18400] =	vst v63  }
0x14f: {  	s26 =	sand.u32 $0xFFFFF80, s30  }
0x150: {  	s26 =	sadd.s32 s1, s26  }
0x151: {  	[tilespmem:s14], [sflag:$0x2] =	stream.strided.gather [hbm4b:s26+s12], $0x1000, s11, s12, $0x38;
	[tilespmem:$0x18400] =	vst v63  }
0x152: {  	s26 =	sand.u32 $0xFFFFF80, s31  }
0x153: {  	s28 =	spop (v2sf);
	s26 =	sadd.s32 s2, s26  }
0x154: {  	[tilespmem:s15], [sflag:$0x2] =	stream.strided.gather [hbm4b:s26+s12], $0x1000, s11, s12, $0x38;
	[tilespmem:$0x18400] =	vst v63  }
0x155: {  	s26 =	sand.u32 $0xFFFFF80, s28  }
0x156: {  	s29 =	spop (v2sf);
	s26 =	sadd.s32 s1, s26  }
0x157: {  	[tilespmem:s16], [sflag:$0x2] =	stream.strided.gather [hbm4b:s26+s12], $0x1000, s11, s12, $0x38;
	[tilespmem:$0x18400] =	vst v63  }
0x158: {  	s26 =	sand.u32 $0xFFFFF80, s29  }
0x159: {  	s30 =	spop (v2sf);
	s26 =	sadd.s32 s2, s26  }
0x15a: {  	[tilespmem:s17], [sflag:$0x2] =	stream.strided.gather [hbm4b:s26+s12], $0x1000, s11, s12, $0x38;
	[tilespmem:$0x18400] =	vst v63  }
0x15b: {  	s26 =	sand.u32 $0xFFFFF80, s30  }
0x15c: {  	s31 =	spop (v2sf);
	s26 =	sadd.s32 s1, s26  }
0x15d: {  	[tilespmem:s18], [sflag:$0x2] =	stream.strided.gather [hbm4b:s26+s12], $0x1000, s11, s12, $0x38;
	[tilespmem:$0x18400] =	vst v63  }
0x15e: {  	s26 =	sand.u32 $0xFFFFF80, s31  }
0x15f: {  	s26 =	sadd.s32 s2, s26  }
0x160: {  	[tilespmem:s19], [sflag:$0x2] =	stream.strided.gather [hbm4b:s26+s12], $0x1000, s11, s12, $0x38;
	[tilespmem:$0x18400] =	vst v63  }
0x161: {  	_ =	swait.ge [sflag:s20], $0x1000  }
0x162: {  	[sflag:s20] =	ssyncset.done $0x0  }
0x163: {  	[sflag:s20] =	ssyncadd.s32 $0xFFFFF000  }
0x164: {  	_ =	swait.ge [sflag:s20], $0x1000  }
0x165: {  	[sflag:s20] =	ssyncset.done $0x0  }
0x166: {  	[sflag:s20] =	ssyncadd.s32 $0xFFFFF000  }
0x167: {  	_ =	swait.ge [sflag:s20], $0x1000  }
0x168: {  	[sflag:s20] =	ssyncset.done $0x0  }
0x169: {  	[sflag:s20] =	ssyncadd.s32 $0xFFFFF000  }
0x16a: {  	_ =	swait.ge [sflag:s20], $0x1000  }
0x16b: {  	[sflag:s20] =	ssyncset.done $0x0  }
0x16c: {  	[sflag:s20] =	ssyncadd.s32 $0xFFFFF000  }
0x16d: {  	_ =	swait.ge [sflag:s20], $0x1000  }
0x16e: {  	[sflag:s20] =	ssyncset.done $0x0  }
0x16f: {  	[sflag:s20] =	ssyncadd.s32 $0xFFFFF000  }
0x170: {  	_ =	swait.ge [sflag:s20], $0x1000  }
0x171: {  	[sflag:s20] =	ssyncset.done $0x0  }
0x172: {  	v47 =	vbroadcast v2, $0xC;
	[sflag:s20] =	ssyncadd.s32 $0xFFFFF000  }
0x173: {  	_ =	swait.ge [sflag:s20], $0x1000  }
0x174: {  	v48 =	vor.u32 v0, v47;
	[sflag:s20] =	ssyncset.done $0x0  }
0x175: {  	[sflag:s20] =	ssyncadd.s32 $0xFFFFF000  }
0x176: {  	_ =	swait.ge [sflag:s20], $0x1000  }
0x177: {  	[sflag:s20] =	ssyncset.done $0x0  }
0x178: {  	[sflag:s20] =	ssyncadd.s32 $0xFFFFF000  }
0x179: {  	v5 =	vld.idx.msk [tilespmem:v48+s12+$0x0], $0xffff  }
0x17a: {  	v4 =	vor.u32 v1, v47;
	_ =	sdelay $0x3  }
0x17b: {  	v49 =	vbroadcast v3, $0xC;
	[tilespmem:s24+$0x200] =	vst v5  }
0x17c: {  	v4 =	vld.idx.msk [tilespmem:v4+s12+$0x0], $0xffff  }
0x17d: {  	v50 =	vor.u32 v0, v49;
	_ =	sdelay $0x3  }
0x17e: {  	[tilespmem:s24+$0x210] =	vst v4  }
0x17f: {  	v4 =	vld.idx.msk [tilespmem:v50+s13+$0x0], $0xffff  }
0x180: {  	v51 =	vor.u32 v1, v49;
	_ =	sdelay $0x3  }
0x181: {  	v52 =	vbroadcast v2, $0xD;
	[tilespmem:s24+$0x220] =	vst v4  }
0x182: {  	v5 =	vld.idx.msk [tilespmem:v51+s13+$0x0], $0xffff  }
0x183: {  	v53 =	vor.u32 v0, v52;
	_ =	sdelay $0x3  }
0x184: {  	[tilespmem:s24+$0x230] =	vst v5  }
0x185: {  	v5 =	vld.idx.msk [tilespmem:v53+s14+$0x0], $0xffff  }
0x186: {  	v4 =	vor.u32 v1, v52;
	_ =	sdelay $0x3  }
0x187: {  	v54 =	vbroadcast v3, $0xD;
	[tilespmem:s24+$0x280] =	vst v5  }
0x188: {  	v4 =	vld.idx.msk [tilespmem:v4+s14+$0x0], $0xffff  }
0x189: {  	v55 =	vor.u32 v0, v54;
	_ =	sdelay $0x3  }
0x18a: {  	[tilespmem:s24+$0x290] =	vst v4  }
0x18b: {  	v4 =	vld.idx.msk [tilespmem:v55+s15+$0x0], $0xffff  }
0x18c: {  	v56 =	vor.u32 v1, v54;
	_ =	sdelay $0x3  }
0x18d: {  	v57 =	vbroadcast v2, $0xE;
	[tilespmem:s24+$0x2A0] =	vst v4  }
0x18e: {  	v5 =	vld.idx.msk [tilespmem:v56+s15+$0x0], $0xffff  }
0x18f: {  	v58 =	vor.u32 v0, v57;
	_ =	sdelay $0x3  }
0x190: {  	[tilespmem:s24+$0x2B0] =	vst v5  }
0x191: {  	v5 =	vld.idx.msk [tilespmem:v58+s16+$0x0], $0xffff  }
0x192: {  	v4 =	vor.u32 v1, v57;
	_ =	sdelay $0x3  }
0x193: {  	v59 =	vbroadcast v3, $0xE;
	[tilespmem:s24+$0x300] =	vst v5  }
0x194: {  	v4 =	vld.idx.msk [tilespmem:v4+s16+$0x0], $0xffff  }
0x195: {  	v60 =	vor.u32 v0, v59;
	_ =	sdelay $0x3  }
0x196: {  	[tilespmem:s24+$0x310] =	vst v4  }
0x197: {  	v4 =	vld.idx.msk [tilespmem:v60+s17+$0x0], $0xffff  }
0x198: {  	v61 =	vor.u32 v1, v59;
	_ =	sdelay $0x3  }
0x199: {  	v2 =	vbroadcast v2, $0xF;
	[tilespmem:s24+$0x320] =	vst v4  }
0x19a: {  	v4 =	vld.idx.msk [tilespmem:v61+s17+$0x0], $0xffff  }
0x19b: {  	v62 =	vor.u32 v0, v2;
	_ =	sdelay $0x3  }
0x19c: {  	[tilespmem:s24+$0x330] =	vst v4  }
0x19d: {  	v4 =	vld.idx.msk [tilespmem:v62+s18+$0x0], $0xffff  }
0x19e: {  	v2 =	vor.u32 v1, v2;
	_ =	sdelay $0x3  }
0x19f: {  	v3 =	vbroadcast v3, $0xF;
	[tilespmem:s24+$0x380] =	vst v4  }
0x1a0: {  	v2 =	vld.idx.msk [tilespmem:v2+s18+$0x0], $0xffff  }
0x1a1: {  	v63 =	vor.u32 v0, v3;
	_ =	sdelay $0x3  }
0x1a2: {  	[tilespmem:s24+$0x390] =	vst v2  }
0x1a3: {  	v2 =	vld.idx.msk [tilespmem:v63+s19+$0x0], $0xffff  }
0x1a4: {  	v3 =	vor.u32 v1, v3;
	_ =	sdelay $0x3  }
0x1a5: {  	[tilespmem:s24+$0x3A0] =	vst v2  }
0x1a6: {  	p0 =	sne.s32 s25, $0x7C0;
	v2 =	vld.idx.msk [tilespmem:v3+s19+$0x0], $0xffff  }
.Ltmp0:
0x1a7: {  	_ = 	snop;
	(pc) =	sbr.rel @p0 .LBB2_2-.Ltmp0, $2  }
0x1a8: {  	_ =	sdelay $0x2  }
0x1a9: {  	s25 =	sadd.s32 $0x40, s25;
	[tilespmem:s24+$0x3B0] =	vst v2;
	s24 =	sadd.s32 $0x800, s24  }
0x1aa: {  	s23 =	sadd.s32 $0x1, s23  }
0x1ab: {  	p0 =	sne.s32 s23, s8  }
.Ltmp1:
0x1ac: {  	_ = 	snop;
	(pc) =	sbr.rel @p0 .LBB2_1-.Ltmp1, $4  }
0x1ad: {  	[hbm4b:s7+s4] =	stream.linear.scatter [tilespmem:s21], [sflag:$0x3], $0x10000, $0x38;
	[tilespmem:$0x18400] =	vst v63  }
0x1ae: {  	_ =	swait.ge [sflag:s22], $0x10000  }
0x1af: {  	[sflag:s22] =	ssyncset.done $0x0  }
0x1b0: {  	[sflag:s22] =	ssyncadd.s32 $0xFFFF0000  }
0x1b1: {  	_ =	sfence.sel $0x180000  }
0x1b2: {  	[bflag:$0x0] =	sbarrier.arrive $0xFFFF  }
0x1b3: {  	p0 =	sne.s32 s3, $0x0;
	_ =	strace $0x90000047  }
0x1b4: {  	s0 =	sadd.s32 @!p0 $0x100000, s0;
	[bflag:$0x2] =	sbarrier.arrive $0xFFFF  }
0x1b5: {  	[sflag:s0] =	ssyncadd.tile.s32 @!p0 $0x1;
	_ =	shalt  }
.Lfunc_end2:
_tile_overlayer_lowered:
.L_overlay_start_2:
0x1b6: {  	(tag) =	ssettag $0x2  }
0x1b7: {  	s0 =	rddreg [dreg:$0x0];
	s2 =	stileid.u32  }
0x1b8: {  	s1 =	rddreg [dreg:$0x1];
	p0 =	sne.s32 s2, $0x0  }
0x1b9: {  	s3 =	rddreg [dreg:$0x2];
	[bflag:$0x3] =	sbarrier.arrive $0xFFFF;
	s2 =	simm.s32 @!p0 $0x1C04  }
0x1ba: {  	[timem:s3], [sflag:s2] =	dma.local @!p0 [hbm:s0], s1  }
0x1bb: {  	s0 =	simm.s32 @!p0 $0x4  }
0x1bc: {  	_ =	swait.ge @!p0 [sflag:s0], s1  }
0x1bd: {  	s1 =	ssub.s32 @!p0 $0x0, s1;
	[sflag:s0] =	ssyncset.done @!p0 $0x0  }
0x1be: {  	[sflag:s0] =	ssyncadd.s32 @!p0 s1  }
0x1bf: {  	[bflag:$0x3] =	sbarrier.arrive $0xFFFF  }
0x1c0: {  	_ =	shalt  }

</sc_bundles>
